<compile_context>
chip_gen: v7x
topology: tpu7x:2x2x1
jax: 0.10.2.dev20260603
libtpu: 0.0.44.dev20260713+nightly
codegen_flags: <defaults>
</compile_context>

<pallas_src>
import jax
import jax.numpy as jnp
from jax import lax
from jax.experimental import pallas as pl
from jax.experimental.pallas import tpu as pltpu
from jax.experimental.pallas import tpu_sc as plsc

NC, NS = 2, 16
NW = NC * NS
BATCH = 16384
HIST = 50
EMBED = 32
VOCAB = 1000000
SRW = 128
NSR = VOCAB * EMBED // SRW
NB = 128
NBB = BATCH // NB
BPW = NBB // NW
RH = 10
NHG = HIST // RH


def _body(tbl_hbm, xT_hbm, out_hbm, idx_v, sr_v, gb_v, slab_v, gsem, osem):
    wid = lax.axis_index("s") * NC + lax.axis_index("c")
    lane = lax.iota(jnp.int32, 16)

    def fire(h, buf):
        pltpu.async_copy(tbl_hbm.at[sr_v.at[h]], gb_v.at[buf], gsem.at[buf])

    def wait(h, buf):
        pltpu.make_async_copy(
            tbl_hbm.at[sr_v.at[h]], gb_v.at[buf], gsem.at[buf]
        ).wait()

    def extract(i, h, buf, sb):
        def chunk(j16, _):
            dr16 = idx_v[h, pl.ds(j16 * 16, 16)]
            jb = j16 * 16 + lane
            for c in range(EMBED // 16):
                base = dr16 + c * 16
                for d in range(16):
                    ecol = lax.bitwise_and(lane + d, 15)
                    vals = plsc.load_gather(gb_v.at[buf], [jb, base + ecol])
                    plsc.store_scatter(
                        slab_v.at[sb, i], [c * 16 + ecol, jb], vals
                    )
            return 0

        lax.fori_loop(0, NB // 16, chunk, 0)

    def do_block(k, _):
        b0 = (wid * BPW + k) * NB
        pltpu.sync_copy(xT_hbm.at[:, pl.ds(b0, NB)], idx_v)

        def prep(i, _):
            row = i // 8
            c = (i % 8) * 16
            v = idx_v[row, pl.ds(c, 16)]
            sr_v[row, pl.ds(c, 16)] = lax.shift_right_logical(v, 2)
            idx_v[row, pl.ds(c, 16)] = lax.shift_left(
                lax.bitwise_and(v, 3), 5
            )
            return 0

        lax.fori_loop(0, NB // 16, prep, 0)
        fire(0, 0)
        lax.fori_loop(NB // 16, HIST * (NB // 16), prep, 0)

        def do_slab(hg, _):
            g = k * NHG + hg
            sb = lax.bitwise_and(g, 1)
            h0 = hg * RH

            @pl.when(g >= 2)
            def _():
                pltpu.make_async_copy(
                    slab_v.at[sb],
                    out_hbm.at[pl.ds(0, RH), :, pl.ds(0, NB)],
                    osem.at[sb],
                ).wait()

            def pair(i2, _):
                h = h0 + i2 * 2
                wait(h, 0)

                @pl.when(h + 1 < HIST)
                def _():
                    fire(h + 1, 1)

                extract(i2 * 2, h, 0, sb)
                wait(h + 1, 1)

                @pl.when(h + 2 < HIST)
                def _():
                    fire(h + 2, 0)

                extract(i2 * 2 + 1, h + 1, 1, sb)
                return 0

            lax.fori_loop(0, RH // 2, pair, 0)
            pltpu.async_copy(
                slab_v.at[sb],
                out_hbm.at[pl.ds(h0, RH), :, pl.ds(b0, NB)],
                osem.at[sb],
            )
            return 0

        lax.fori_loop(0, NHG, do_slab, 0)
        return 0

    lax.fori_loop(0, BPW, do_block, 0)
    for s in range(2):
        pltpu.make_async_copy(
            slab_v.at[s], out_hbm.at[pl.ds(0, RH), :, pl.ds(0, NB)],
            osem.at[s],
        ).wait()


@jax.jit
def _gather(xT, tblS):
    mesh = plsc.VectorSubcoreMesh(
        core_axis_name="c", subcore_axis_name="s",
        num_cores=NC, num_subcores=NS,
    )
    return pl.kernel(
        _body,
        out_type=jax.ShapeDtypeStruct((HIST, EMBED, BATCH), jnp.float32),
        mesh=mesh,
        scratch_types=[
            pltpu.VMEM((HIST, NB), jnp.int32),
            pltpu.VMEM((HIST, NB), jnp.int32),
            pltpu.VMEM((2, NB, SRW), jnp.float32),
            pltpu.VMEM((2, RH, EMBED, NB), jnp.float32),
            pltpu.SemaphoreType.DMA((2,)),
            pltpu.SemaphoreType.DMA((2,)),
        ],
        compiler_params=pltpu.CompilerParams(
            use_tc_tiling_on_sc=True, needs_layout_passes=False
        ),
    )(tblS, xT)


def kernel(x, table):
    tblS = table.reshape(NSR, SRW)
    xT = x.T
    outT = _gather(xT, tblS)
    return jnp.transpose(outT, (2, 0, 1))

# --- scband reference (transcript-rebuilt; emitter-appended) ---
"""Pipeline reference for scband-input-19250043421057 (READ-ONLY COPY).

The authoritative reference and input builder live on the scoring server;
editing this copy changes nothing except your own understanding.
"""

import jax, jax.numpy as jnp
import numpy as np

VOCAB = 1000000
EMBED = 32
BATCH = 16384
HIST = 50
MIN = 0

def setup_inputs(seed: int = 0) -> dict:
    key = jax.random.key(seed)
    k1, k2 = jax.random.split(key)
    x = jax.random.randint(k1, (BATCH, HIST), 0, VOCAB, dtype=jnp.int32)
    table = jax.random.normal(k2, (VOCAB, EMBED), dtype=jnp.float32) * 0.02
    return {"x": x, "table": table}

def reference(x, table):
    # Input.forward for Discrete cls: x = x.long(); embed(x - min)
    idx = x - MIN
    return jnp.take(table, idx, axis=0)

if __name__ == "__main__":
    import jax
    _d = setup_inputs()
    print(jax.jit(kernel)(*tuple(_d.values())))

</pallas_src>

<mosaic_0001>
#map = affine_map<(d0, d1) -> (0, 0)>
#map1 = affine_map<(d0, d1) -> (0, 0, 0)>
module attributes {stable_mosaic.version = 14 : i64} {
  func.func @_body(%arg0: i32, %arg1: i32, %arg2: memref<250000x128xf32, #tpu.memory_space<hbm>>, %arg3: memref<50x16384xi32, #tpu.memory_space<hbm>>, %arg4: memref<50x32x16384xf32, #tpu.memory_space<hbm>>, %arg5: memref<50x128xi32, #tpu.memory_space<vmem>>, %arg6: memref<50x128xi32, #tpu.memory_space<vmem>>, %arg7: memref<2x128x128xf32, #tpu.memory_space<vmem>>, %arg8: memref<2x10x32x128xf32, #tpu.memory_space<vmem>>, %arg9: memref<2x!tpu.dma_semaphore, #tpu.memory_space<semaphore_mem>>, %arg10: memref<2x!tpu.dma_semaphore, #tpu.memory_space<semaphore_mem>>) attributes {dimension_semantics = [#tpu.dimension_semantics<core_parallel>, #tpu.dimension_semantics<subcore_parallel>], iteration_bounds = array<i64: 2, 16>, scalar_prefetch = 0 : i64, scratch_operands = 6 : i64, tpu.core_type = #tpu.core_type<sc_vector_subcore>, window_params = [{transform_indices = #map}, {transform_indices = #map}, {transform_indices = #map1}]} {
    %mul3A = arith.constant 2 : i32
    %mul3A_0 = arith.muli %arg1, %mul3A : i32
    %add3A = arith.addi %mul3A_0, %arg0 : i32
    %iota3A = tpu.iota {dimensions = array<i32: 0>} : vector<16xi32>
    %scan3A = arith.constant 0 : i32
    %scan3A_1 = arith.constant 0 : i32
    %scan3A_2 = arith.constant 4 : i32
    %scan3A_3 = arith.addi %scan3A_1, %scan3A_2 : i32
    %scan3A_4 = arith.constant 1 : i32
    %scan3A_5 = scf.for %scan3A_50 = %scan3A_1 to %scan3A_3 step %scan3A_4 iter_args(%scan3A_51 = %scan3A) -> (i32)  : i32 {
      %mul3A_52 = arith.constant 4 : i32
      %mul3A_53 = arith.muli %add3A, %mul3A_52 : i32
      %add3A_54 = arith.addi %mul3A_53, %scan3A_50 : i32
      %mul3A_55 = arith.constant 128 : i32
      %mul3A_56 = arith.muli %add3A_54, %mul3A_55 : i32
      "tpu.region"() ({
        %run_scoped3A = tpu.sem_alloc : memref<!tpu.dma_semaphore, #tpu.memory_space<semaphore_mem>>
        %dma_start3A_93 = arith.constant 0 : i32
        %dma_start3A_94 = tpu.memref_slice %arg3[%dma_start3A_93, %mul3A_56] : memref<50x16384xi32, #tpu.memory_space<hbm>> -> memref<50x128xi32, #tpu.memory_space<hbm>>
        %dma_start3A_95 = arith.constant 0 : i32
        %dma_start3A_96 = tpu.memref_slice %arg3[%dma_start3A_95, %mul3A_56] : memref<50x16384xi32, #tpu.memory_space<hbm>> -> memref<50x128xi32, #tpu.memory_space<hbm>>
        tpu.enqueue_dma source(%dma_start3A_96 : memref<50x128xi32, #tpu.memory_space<hbm>>) target(%arg5 : memref<50x128xi32, #tpu.memory_space<vmem>>) target_semaphore(%run_scoped3A : memref<!tpu.dma_semaphore, #tpu.memory_space<semaphore_mem>>)
        %dma_wait3A_97 = arith.constant 0 : i32
        %dma_wait3A_98 = tpu.memref_slice %arg3[%dma_wait3A_97, %mul3A_56] : memref<50x16384xi32, #tpu.memory_space<hbm>> -> memref<50x128xi32, #tpu.memory_space<hbm>>
        %dma_wait3A_99 = arith.constant 0 : i32
        %dma_wait3A_100 = tpu.memref_slice %arg3[%dma_wait3A_99, %mul3A_56] : memref<50x16384xi32, #tpu.memory_space<hbm>> -> memref<50x128xi32, #tpu.memory_space<hbm>>
        tpu.wait_dma2 semaphore(%run_scoped3A : memref<!tpu.dma_semaphore, #tpu.memory_space<semaphore_mem>>) src(%dma_wait3A_100 : memref<50x128xi32, #tpu.memory_space<hbm>>) dst(%arg5 : memref<50x128xi32, #tpu.memory_space<vmem>>)
        tpu.yield
      }) : () -> ()
      %scan3A_57 = arith.constant 0 : i32
      %scan3A_58 = arith.constant 0 : i32
      %scan3A_59 = arith.constant 8 : i32
      %scan3A_60 = arith.addi %scan3A_58, %scan3A_59 : i32
      %scan3A_61 = arith.constant 1 : i32
      %scan3A_62 = scf.for %scan3A_93 = %scan3A_58 to %scan3A_60 step %scan3A_61 iter_args(%scan3A_94 = %scan3A_57) -> (i32)  : i32 {
        %jit3A = arith.constant 8 : i32
        %div3A = arith.divsi %scan3A_93, %jit3A : i32
        %sign3A = arith.constant 0 : i32
        %sign3A_95 = arith.cmpi sgt, %scan3A_93, %sign3A : i32
        %sign3A_96 = arith.extui %sign3A_95 : i1 to i32
        %sign3A_97 = arith.constant 0 : i32
        %sign3A_98 = arith.cmpi slt, %scan3A_93, %sign3A_97 : i32
        %sign3A_99 = arith.extui %sign3A_98 : i1 to i32
        %sign3A_100 = arith.subi %sign3A_96, %sign3A_99 : i32
        %sign3A_101 = arith.constant 0 : i32
        %sign3A_102 = arith.cmpi sgt, %jit3A, %sign3A_101 : i32
        %sign3A_103 = arith.extui %sign3A_102 : i1 to i32
        %sign3A_104 = arith.constant 0 : i32
        %sign3A_105 = arith.cmpi slt, %jit3A, %sign3A_104 : i32
        %sign3A_106 = arith.extui %sign3A_105 : i1 to i32
        %sign3A_107 = arith.subi %sign3A_103, %sign3A_106 : i32
        %ne3A = arith.cmpi ne, %sign3A_100, %sign3A_107 : i32
        %rem3A = arith.remsi %scan3A_93, %jit3A : i32
        %ne3A_108 = arith.constant 0 : i32
        %ne3A_109 = arith.cmpi ne, %rem3A, %ne3A_108 : i32
        %and3A = arith.andi %ne3A, %ne3A_109 : i1
        %sub3A = arith.constant 1 : i32
        %sub3A_110 = arith.subi %div3A, %sub3A : i32
        %select_n3A = arith.select %and3A, %sub3A_110, %div3A : i32
        %jit3A_111 = arith.constant 8 : i32
        %eq3A = arith.constant 0 : i32
        %eq3A_112 = arith.cmpi eq, %jit3A_111, %eq3A : i32
        %jit3A_113 = arith.constant 1 : i32
        %select_n3A_114 = arith.select %eq3A_112, %jit3A_113, %jit3A_111 : i32
        %rem3A_115 = arith.remsi %scan3A_93, %select_n3A_114 : i32
        %ne3A_116 = arith.constant 0 : i32
        %ne3A_117 = arith.cmpi ne, %rem3A_115, %ne3A_116 : i32
        %lt3A = arith.constant 0 : i32
        %lt3A_118 = arith.cmpi slt, %rem3A_115, %lt3A : i32
        %lt3A_119 = arith.constant 0 : i32
        %lt3A_120 = arith.cmpi slt, %select_n3A_114, %lt3A_119 : i32
        %ne3A_121 = arith.xori %lt3A_118, %lt3A_120 : i1
        %and3A_122 = arith.andi %ne3A_121, %ne3A_117 : i1
        %add3A_123 = arith.addi %rem3A_115, %select_n3A_114 : i32
        %select_n3A_124 = arith.select %and3A_122, %add3A_123, %rem3A_115 : i32
        %mul3A_125 = arith.constant 16 : i32
        %mul3A_126 = arith.muli %select_n3A_124, %mul3A_125 : i32
        %get3A = arith.index_cast %select_n3A : i32 to index
        %get3A_127 = arith.index_cast %mul3A_126 : i32 to index
        %get3A_128 = tpu.vector_load %arg5[%get3A, %get3A_127] {strides = array<i32>} : memref<50x128xi32, #tpu.memory_space<vmem>>, vector<16xi32>,
        %shift_right_logical3A = arith.constant 2 : i32
        %shift_right_logical3A_129 = vector.broadcast %shift_right_logical3A : i32 to vector<16xi32>
        %shift_right_logical3A_130 = arith.shrui %get3A_128, %shift_right_logical3A_129 : vector<16xi32>
        %swap3A = arith.index_cast %select_n3A : i32 to index
        %swap3A_131 = arith.index_cast %mul3A_126 : i32 to index
        %swap3A_132 = tpu.vector_load %arg6[%swap3A, %swap3A_131] {strides = array<i32>} : memref<50x128xi32, #tpu.memory_space<vmem>>, vector<16xi32>,
        tpu.vector_store %arg6[%swap3A, %swap3A_131], %shift_right_logical3A_130 {strides = array<i32>} : memref<50x128xi32, #tpu.memory_space<vmem>>, vector<16xi32>,
        %and3A_133 = arith.constant 3 : i32
        %and3A_134 = vector.broadcast %and3A_133 : i32 to vector<16xi32>
        %and3A_135 = arith.andi %get3A_128, %and3A_134 : vector<16xi32>
        %shift_left3A = arith.constant 5 : i32
        %shift_left3A_136 = vector.broadcast %shift_left3A : i32 to vector<16xi32>
        %shift_left3A_137 = arith.shli %and3A_135, %shift_left3A_136 : vector<16xi32>
        %swap3A_138 = arith.index_cast %select_n3A : i32 to index
        %swap3A_139 = arith.index_cast %mul3A_126 : i32 to index
        %swap3A_140 = tpu.vector_load %arg5[%swap3A_138, %swap3A_139] {strides = array<i32>} : memref<50x128xi32, #tpu.memory_space<vmem>>, vector<16xi32>,
        tpu.vector_store %arg5[%swap3A_138, %swap3A_139], %shift_left3A_137 {strides = array<i32>} : memref<50x128xi32, #tpu.memory_space<vmem>>, vector<16xi32>,
        %scan3A_141 = arith.constant 0 : i32
        scf.yield %scan3A_141 : i32
      }
      %scan3A_63 = arith.constant 8 : i32
      %dma_start3A = arith.constant 0 : i32
      %dma_start3A_64 = arith.constant 0 : i32
      %dma_start3A_65 = arith.constant 0 : i32
      %dma_start3A_66 = arith.constant 0 : i32
      %dma_start3A_67 = arith.constant 0 : i32
      %dma_start3A_68 = tpu.memref_slice %arg7[%dma_start3A_64, %dma_start3A_66, %dma_start3A_67] : memref<2x128x128xf32, #tpu.memory_space<vmem>> -> memref<1x128x128xf32, #tpu.memory_space<vmem>>
      %dma_start3A_69 = tpu.memref_squeeze %dma_start3A_68 : memref<1x128x128xf32, #tpu.memory_space<vmem>> -> memref<128x128xf32, #tpu.memory_space<vmem>>
      %dma_start3A_70 = arith.constant 0 : i32
      %dma_start3A_71 = tpu.memref_slice %arg6[%dma_start3A, %dma_start3A_70] : memref<50x128xi32, #tpu.memory_space<vmem>> -> memref<1x128xi32, #tpu.memory_space<vmem>>
      %dma_start3A_72 = tpu.memref_squeeze %dma_start3A_71 : memref<1x128xi32, #tpu.memory_space<vmem>> -> memref<128xi32, #tpu.memory_space<vmem>>
      %dma_start3A_73 = arith.constant 0 : i32
      %dma_start3A_74 = arith.constant 0 : i32
      %dma_start3A_75 = tpu.memref_slice %arg2[%dma_start3A_73, %dma_start3A_74] : memref<250000x128xf32, #tpu.memory_space<hbm>> -> memref<250000x128xf32, #tpu.memory_space<hbm>>
      %dma_start3A_76 = tpu.memref_slice %arg9[%dma_start3A_65] : memref<2x!tpu.dma_semaphore, #tpu.memory_space<semaphore_mem>> -> memref<1x!tpu.dma_semaphore, #tpu.memory_space<semaphore_mem>>
      %dma_start3A_77 = tpu.memref_squeeze %dma_start3A_76 : memref<1x!tpu.dma_semaphore, #tpu.memory_space<semaphore_mem>> -> memref<!tpu.dma_semaphore, #tpu.memory_space<semaphore_mem>>
      tpu.enqueue_indirect_dma source(%dma_start3A_75 : memref<250000x128xf32, #tpu.memory_space<hbm>>) target(%dma_start3A_69 : memref<128x128xf32, #tpu.memory_space<vmem>>) offsets(%dma_start3A_72 : memref<128xi32, #tpu.memory_space<vmem>>) semaphore(%dma_start3A_77 : memref<!tpu.dma_semaphore, #tpu.memory_space<semaphore_mem>>)
      %scan3A_78 = arith.constant 0 : i32
      %scan3A_79 = arith.constant 8 : i32
      %scan3A_80 = arith.constant 392 : i32
      %scan3A_81 = arith.addi %scan3A_79, %scan3A_80 : i32
      %scan3A_82 = arith.constant 1 : i32
      %scan3A_83 = scf.for %scan3A_93 = %scan3A_79 to %scan3A_81 step %scan3A_82 iter_args(%scan3A_94 = %scan3A_78) -> (i32)  : i32 {
        %jit3A = arith.constant 8 : i32
        %div3A = arith.divsi %scan3A_93, %jit3A : i32
        %sign3A = arith.constant 0 : i32
        %sign3A_95 = arith.cmpi sgt, %scan3A_93, %sign3A : i32
        %sign3A_96 = arith.extui %sign3A_95 : i1 to i32
        %sign3A_97 = arith.constant 0 : i32
        %sign3A_98 = arith.cmpi slt, %scan3A_93, %sign3A_97 : i32
        %sign3A_99 = arith.extui %sign3A_98 : i1 to i32
        %sign3A_100 = arith.subi %sign3A_96, %sign3A_99 : i32
        %sign3A_101 = arith.constant 0 : i32
        %sign3A_102 = arith.cmpi sgt, %jit3A, %sign3A_101 : i32
        %sign3A_103 = arith.extui %sign3A_102 : i1 to i32
        %sign3A_104 = arith.constant 0 : i32
        %sign3A_105 = arith.cmpi slt, %jit3A, %sign3A_104 : i32
        %sign3A_106 = arith.extui %sign3A_105 : i1 to i32
        %sign3A_107 = arith.subi %sign3A_103, %sign3A_106 : i32
        %ne3A = arith.cmpi ne, %sign3A_100, %sign3A_107 : i32
        %rem3A = arith.remsi %scan3A_93, %jit3A : i32
        %ne3A_108 = arith.constant 0 : i32
        %ne3A_109 = arith.cmpi ne, %rem3A, %ne3A_108 : i32
        %and3A = arith.andi %ne3A, %ne3A_109 : i1
        %sub3A = arith.constant 1 : i32
        %sub3A_110 = arith.subi %div3A, %sub3A : i32
        %select_n3A = arith.select %and3A, %sub3A_110, %div3A : i32
        %jit3A_111 = arith.constant 8 : i32
        %eq3A = arith.constant 0 : i32
        %eq3A_112 = arith.cmpi eq, %jit3A_111, %eq3A : i32
        %jit3A_113 = arith.constant 1 : i32
        %select_n3A_114 = arith.select %eq3A_112, %jit3A_113, %jit3A_111 : i32
        %rem3A_115 = arith.remsi %scan3A_93, %select_n3A_114 : i32
        %ne3A_116 = arith.constant 0 : i32
        %ne3A_117 = arith.cmpi ne, %rem3A_115, %ne3A_116 : i32
        %lt3A = arith.constant 0 : i32
        %lt3A_118 = arith.cmpi slt, %rem3A_115, %lt3A : i32
        %lt3A_119 = arith.constant 0 : i32
        %lt3A_120 = arith.cmpi slt, %select_n3A_114, %lt3A_119 : i32
        %ne3A_121 = arith.xori %lt3A_118, %lt3A_120 : i1
        %and3A_122 = arith.andi %ne3A_121, %ne3A_117 : i1
        %add3A_123 = arith.addi %rem3A_115, %select_n3A_114 : i32
        %select_n3A_124 = arith.select %and3A_122, %add3A_123, %rem3A_115 : i32
        %mul3A_125 = arith.constant 16 : i32
        %mul3A_126 = arith.muli %select_n3A_124, %mul3A_125 : i32
        %get3A = arith.index_cast %select_n3A : i32 to index
        %get3A_127 = arith.index_cast %mul3A_126 : i32 to index
        %get3A_128 = tpu.vector_load %arg5[%get3A, %get3A_127] {strides = array<i32>} : memref<50x128xi32, #tpu.memory_space<vmem>>, vector<16xi32>,
        %shift_right_logical3A = arith.constant 2 : i32
        %shift_right_logical3A_129 = vector.broadcast %shift_right_logical3A : i32 to vector<16xi32>
        %shift_right_logical3A_130 = arith.shrui %get3A_128, %shift_right_logical3A_129 : vector<16xi32>
        %swap3A = arith.index_cast %select_n3A : i32 to index
        %swap3A_131 = arith.index_cast %mul3A_126 : i32 to index
        %swap3A_132 = tpu.vector_load %arg6[%swap3A, %swap3A_131] {strides = array<i32>} : memref<50x128xi32, #tpu.memory_space<vmem>>, vector<16xi32>,
        tpu.vector_store %arg6[%swap3A, %swap3A_131], %shift_right_logical3A_130 {strides = array<i32>} : memref<50x128xi32, #tpu.memory_space<vmem>>, vector<16xi32>,
        %and3A_133 = arith.constant 3 : i32
        %and3A_134 = vector.broadcast %and3A_133 : i32 to vector<16xi32>
        %and3A_135 = arith.andi %get3A_128, %and3A_134 : vector<16xi32>
        %shift_left3A = arith.constant 5 : i32
        %shift_left3A_136 = vector.broadcast %shift_left3A : i32 to vector<16xi32>
        %shift_left3A_137 = arith.shli %and3A_135, %shift_left3A_136 : vector<16xi32>
        %swap3A_138 = arith.index_cast %select_n3A : i32 to index
        %swap3A_139 = arith.index_cast %mul3A_126 : i32 to index
        %swap3A_140 = tpu.vector_load %arg5[%swap3A_138, %swap3A_139] {strides = array<i32>} : memref<50x128xi32, #tpu.memory_space<vmem>>, vector<16xi32>,
        tpu.vector_store %arg5[%swap3A_138, %swap3A_139], %shift_left3A_137 {strides = array<i32>} : memref<50x128xi32, #tpu.memory_space<vmem>>, vector<16xi32>,
        %scan3A_141 = arith.constant 0 : i32
        scf.yield %scan3A_141 : i32
      }
      %scan3A_84 = arith.constant 392 : i32
      %scan3A_85 = arith.constant 0 : i32
      %scan3A_86 = arith.constant 0 : i32
      %scan3A_87 = arith.constant 5 : i32
      %scan3A_88 = arith.addi %scan3A_86, %scan3A_87 : i32
      %scan3A_89 = arith.constant 1 : i32
      %scan3A_90 = scf.for %scan3A_93 = %scan3A_86 to %scan3A_88 step %scan3A_89 iter_args(%scan3A_94 = %scan3A_85) -> (i32)  : i32 {
        %mul3A_95 = arith.constant 5 : i32
        %mul3A_96 = arith.muli %scan3A_50, %mul3A_95 : i32
        %add3A_97 = arith.addi %mul3A_96, %scan3A_93 : i32
        %and3A = arith.constant 1 : i32
        %and3A_98 = arith.andi %add3A_97, %and3A : i32
        %mul3A_99 = arith.constant 10 : i32
        %mul3A_100 = arith.muli %scan3A_93, %mul3A_99 : i32
        %ge3A = arith.constant 2 : i32
        %ge3A_101 = arith.cmpi sge, %add3A_97, %ge3A : i32
        %convert_element_type3A = arith.extui %ge3A_101 : i1 to i32
        %cond3A = arith.constant 0 : i32
        %cond3A_102 = arith.cmpi ne, %convert_element_type3A, %cond3A : i32
        scf.if %cond3A_102 {
          %dma_wait3A_127 = arith.constant 0 : i32
          %dma_wait3A_128 = arith.constant 0 : i32
          %dma_wait3A_129 = arith.constant 0 : i32
          %dma_wait3A_130 = tpu.memref_slice %arg8[%and3A_98, %dma_wait3A_127, %dma_wait3A_128, %dma_wait3A_129] : memref<2x10x32x128xf32, #tpu.memory_space<vmem>> -> memref<1x10x32x128xf32, #tpu.memory_space<vmem>>
          %dma_wait3A_131 = tpu.memref_squeeze %dma_wait3A_130 : memref<1x10x32x128xf32, #tpu.memory_space<vmem>> -> memref<10x32x128xf32, #tpu.memory_space<vmem>>
          %dma_wait3A_132 = arith.constant 0 : i32
          %dma_wait3A_133 = arith.constant 0 : i32
          %dma_wait3A_134 = arith.constant 0 : i32
          %dma_wait3A_135 = tpu.memref_slice %arg4[%dma_wait3A_132, %dma_wait3A_133, %dma_wait3A_134] : memref<50x32x16384xf32, #tpu.memory_space<hbm>> -> memref<10x32x128xf32, #tpu.memory_space<hbm>>
          %dma_wait3A_136 = tpu.memref_slice %arg10[%and3A_98] : memref<2x!tpu.dma_semaphore, #tpu.memory_space<semaphore_mem>> -> memref<1x!tpu.dma_semaphore, #tpu.memory_space<semaphore_mem>>
          %dma_wait3A_137 = tpu.memref_squeeze %dma_wait3A_136 : memref<1x!tpu.dma_semaphore, #tpu.memory_space<semaphore_mem>> -> memref<!tpu.dma_semaphore, #tpu.memory_space<semaphore_mem>>
          %dma_wait3A_138 = arith.constant 0 : i32
          %dma_wait3A_139 = arith.constant 0 : i32
          %dma_wait3A_140 = arith.constant 0 : i32
          %dma_wait3A_141 = tpu.memref_slice %arg4[%dma_wait3A_138, %dma_wait3A_139, %dma_wait3A_140] : memref<50x32x16384xf32, #tpu.memory_space<hbm>> -> memref<10x32x128xf32, #tpu.memory_space<hbm>>
          %dma_wait3A_142 = arith.constant 0 : i32
          %dma_wait3A_143 = arith.constant 0 : i32
          %dma_wait3A_144 = arith.constant 0 : i32
          %dma_wait3A_145 = tpu.memref_slice %arg8[%and3A_98, %dma_wait3A_142, %dma_wait3A_143, %dma_wait3A_144] : memref<2x10x32x128xf32, #tpu.memory_space<vmem>> -> memref<1x10x32x128xf32, #tpu.memory_space<vmem>>
          %dma_wait3A_146 = tpu.memref_squeeze %dma_wait3A_145 : memref<1x10x32x128xf32, #tpu.memory_space<vmem>> -> memref<10x32x128xf32, #tpu.memory_space<vmem>>
          tpu.wait_dma2 semaphore(%dma_wait3A_137 : memref<!tpu.dma_semaphore, #tpu.memory_space<semaphore_mem>>) src(%dma_wait3A_146 : memref<10x32x128xf32, #tpu.memory_space<vmem>>) dst(%dma_wait3A_141 : memref<10x32x128xf32, #tpu.memory_space<hbm>>)
        } else {
        }
        %scan3A_103 = arith.constant 0 : i32
        %scan3A_104 = arith.constant 0 : i32
        %scan3A_105 = arith.constant 5 : i32
        %scan3A_106 = arith.addi %scan3A_104, %scan3A_105 : i32
        %scan3A_107 = arith.constant 1 : i32
        %scan3A_108 = scf.for %scan3A_127 = %scan3A_104 to %scan3A_106 step %scan3A_107 iter_args(%scan3A_128 = %scan3A_103) -> (i32)  : i32 {
          %mul3A_129 = arith.constant 2 : i32
          %mul3A_130 = arith.muli %scan3A_127, %mul3A_129 : i32
          %add3A_131 = arith.addi %mul3A_100, %mul3A_130 : i32
          %dma_wait3A_132 = arith.constant 0 : i32
          %dma_wait3A_133 = arith.constant 0 : i32
          %dma_wait3A_134 = arith.constant 0 : i32
          %dma_wait3A_135 = arith.constant 0 : i32
          %dma_wait3A_136 = tpu.memref_slice %arg7[%dma_wait3A_132, %dma_wait3A_134, %dma_wait3A_135] : memref<2x128x128xf32, #tpu.memory_space<vmem>> -> memref<1x128x128xf32, #tpu.memory_space<vmem>>
          %dma_wait3A_137 = tpu.memref_squeeze %dma_wait3A_136 : memref<1x128x128xf32, #tpu.memory_space<vmem>> -> memref<128x128xf32, #tpu.memory_space<vmem>>
          %dma_wait3A_138 = arith.constant 0 : i32
          %dma_wait3A_139 = tpu.memref_slice %arg6[%add3A_131, %dma_wait3A_138] : memref<50x128xi32, #tpu.memory_space<vmem>> -> memref<1x128xi32, #tpu.memory_space<vmem>>
          %dma_wait3A_140 = tpu.memref_squeeze %dma_wait3A_139 : memref<1x128xi32, #tpu.memory_space<vmem>> -> memref<128xi32, #tpu.memory_space<vmem>>
          %dma_wait3A_141 = arith.constant 0 : i32
          %dma_wait3A_142 = arith.constant 0 : i32
          %dma_wait3A_143 = tpu.memref_slice %arg2[%dma_wait3A_141, %dma_wait3A_142] : memref<250000x128xf32, #tpu.memory_space<hbm>> -> memref<250000x128xf32, #tpu.memory_space<hbm>>
          %dma_wait3A_144 = tpu.memref_slice %arg9[%dma_wait3A_133] : memref<2x!tpu.dma_semaphore, #tpu.memory_space<semaphore_mem>> -> memref<1x!tpu.dma_semaphore, #tpu.memory_space<semaphore_mem>>
          %dma_wait3A_145 = tpu.memref_squeeze %dma_wait3A_144 : memref<1x!tpu.dma_semaphore, #tpu.memory_space<semaphore_mem>> -> memref<!tpu.dma_semaphore, #tpu.memory_space<semaphore_mem>>
          tpu.wait_indirect_dma semaphore(%dma_wait3A_145 : memref<!tpu.dma_semaphore, #tpu.memory_space<semaphore_mem>>) src(%dma_wait3A_143 : memref<250000x128xf32, #tpu.memory_space<hbm>>) dst(%dma_wait3A_137 : memref<128x128xf32, #tpu.memory_space<vmem>>)
          %add3A_146 = arith.constant 1 : i32
          %add3A_147 = arith.addi %add3A_131, %add3A_146 : i32
          %lt3A = arith.constant 50 : i32
          %lt3A_148 = arith.cmpi slt, %add3A_147, %lt3A : i32
          %convert_element_type3A_149 = arith.extui %lt3A_148 : i1 to i32
          %cond3A_150 = arith.constant 0 : i32
          %cond3A_151 = arith.cmpi ne, %convert_element_type3A_149, %cond3A_150 : i32
          scf.if %cond3A_151 {
            %add3A_198 = arith.constant 1 : i32
            %add3A_199 = arith.addi %add3A_131, %add3A_198 : i32
            %dma_start3A_200 = arith.constant 1 : i32
            %dma_start3A_201 = arith.constant 1 : i32
            %dma_start3A_202 = arith.constant 0 : i32
            %dma_start3A_203 = arith.constant 0 : i32
            %dma_start3A_204 = tpu.memref_slice %arg7[%dma_start3A_200, %dma_start3A_202, %dma_start3A_203] : memref<2x128x128xf32, #tpu.memory_space<vmem>> -> memref<1x128x128xf32, #tpu.memory_space<vmem>>
            %dma_start3A_205 = tpu.memref_squeeze %dma_start3A_204 : memref<1x128x128xf32, #tpu.memory_space<vmem>> -> memref<128x128xf32, #tpu.memory_space<vmem>>
            %dma_start3A_206 = arith.constant 0 : i32
            %dma_start3A_207 = tpu.memref_slice %arg6[%add3A_199, %dma_start3A_206] : memref<50x128xi32, #tpu.memory_space<vmem>> -> memref<1x128xi32, #tpu.memory_space<vmem>>
            %dma_start3A_208 = tpu.memref_squeeze %dma_start3A_207 : memref<1x128xi32, #tpu.memory_space<vmem>> -> memref<128xi32, #tpu.memory_space<vmem>>
            %dma_start3A_209 = arith.constant 0 : i32
            %dma_start3A_210 = arith.constant 0 : i32
            %dma_start3A_211 = tpu.memref_slice %arg2[%dma_start3A_209, %dma_start3A_210] : memref<250000x128xf32, #tpu.memory_space<hbm>> -> memref<250000x128xf32, #tpu.memory_space<hbm>>
            %dma_start3A_212 = tpu.memref_slice %arg9[%dma_start3A_201] : memref<2x!tpu.dma_semaphore, #tpu.memory_space<semaphore_mem>> -> memref<1x!tpu.dma_semaphore, #tpu.memory_space<semaphore_mem>>
            %dma_start3A_213 = tpu.memref_squeeze %dma_start3A_212 : memref<1x!tpu.dma_semaphore, #tpu.memory_space<semaphore_mem>> -> memref<!tpu.dma_semaphore, #tpu.memory_space<semaphore_mem>>
            tpu.enqueue_indirect_dma source(%dma_start3A_211 : memref<250000x128xf32, #tpu.memory_space<hbm>>) target(%dma_start3A_205 : memref<128x128xf32, #tpu.memory_space<vmem>>) offsets(%dma_start3A_208 : memref<128xi32, #tpu.memory_space<vmem>>) semaphore(%dma_start3A_213 : memref<!tpu.dma_semaphore, #tpu.memory_space<semaphore_mem>>)
          } else {
          }
          %mul3A_152 = arith.constant 2 : i32
          %mul3A_153 = arith.muli %scan3A_127, %mul3A_152 : i32
          %scan3A_154 = arith.constant 0 : i32
          %scan3A_155 = arith.constant 0 : i32
          %scan3A_156 = arith.constant 8 : i32
          %scan3A_157 = arith.addi %scan3A_155, %scan3A_156 : i32
          %scan3A_158 = arith.constant 1 : i32
          %scan3A_159 = scf.for %scan3A_198 = %scan3A_155 to %scan3A_157 step %scan3A_158 iter_args(%scan3A_199 = %scan3A_154) -> (i32)  : i32 {
            %mul3A_200 = arith.constant 16 : i32
            %mul3A_201 = arith.muli %scan3A_198, %mul3A_200 : i32
            %get3A = arith.index_cast %add3A_131 : i32 to index
            %get3A_202 = arith.index_cast %mul3A_201 : i32 to index
            %get3A_203 = tpu.vector_load %arg5[%get3A, %get3A_202] {strides = array<i32>} : memref<50x128xi32, #tpu.memory_space<vmem>>, vector<16xi32>,
            %mul3A_204 = arith.constant 16 : i32
            %mul3A_205 = arith.muli %scan3A_198, %mul3A_204 : i32
            %add3A_206 = vector.broadcast %mul3A_205 : i32 to vector<16xi32>
            %add3A_207 = arith.addi %add3A_206, %iota3A : vector<16xi32>
            %add3A_208 = arith.constant 0 : i32
            %add3A_209 = vector.broadcast %add3A_208 : i32 to vector<16xi32>
            %add3A_210 = arith.addi %get3A_203, %add3A_209 : vector<16xi32>
            %add3A_211 = arith.constant 0 : i32
            %add3A_212 = vector.broadcast %add3A_211 : i32 to vector<16xi32>
            %add3A_213 = arith.addi %iota3A, %add3A_212 : vector<16xi32>
            %and3A_214 = arith.constant 15 : i32
            %and3A_215 = vector.broadcast %and3A_214 : i32 to vector<16xi32>
            %and3A_216 = arith.andi %add3A_213, %and3A_215 : vector<16xi32>
            %add3A_217 = arith.addi %add3A_210, %and3A_216 : vector<16xi32>
            %gather3A = arith.constant 0 : i32
            %gather3A_218 = arith.constant 0 : i32
            %gather3A_219 = arith.constant 0 : i32
            %gather3A_220 = tpu.memref_slice %arg7[%gather3A, %gather3A_218, %gather3A_219] : memref<2x128x128xf32, #tpu.memory_space<vmem>> -> memref<1x128x128xf32, #tpu.memory_space<vmem>>
            %gather3A_221 = tpu.memref_squeeze %gather3A_220 : memref<1x128x128xf32, #tpu.memory_space<vmem>> -> memref<128x128xf32, #tpu.memory_space<vmem>>
            %gather3A_222 = tpu.vector_load_idx %gather3A_221[%add3A_207, %add3A_217] : memref<128x128xf32, #tpu.memory_space<vmem>>[vector<16xi32>, vector<16xi32>], vector<16xf32>,
            %add3A_223 = arith.constant 0 : i32
            %add3A_224 = vector.broadcast %add3A_223 : i32 to vector<16xi32>
            %add3A_225 = arith.addi %add3A_224, %and3A_216 : vector<16xi32>
            %scatter3A = arith.constant 0 : i32
            %scatter3A_226 = arith.constant 0 : i32
            %scatter3A_227 = tpu.memref_slice %arg8[%and3A_98, %mul3A_153, %scatter3A, %scatter3A_226] : memref<2x10x32x128xf32, #tpu.memory_space<vmem>> -> memref<1x1x32x128xf32, #tpu.memory_space<vmem>>
            %scatter3A_228 = tpu.memref_squeeze %scatter3A_227 : memref<1x1x32x128xf32, #tpu.memory_space<vmem>> -> memref<32x128xf32, #tpu.memory_space<vmem>>
            tpu.vector_store_idx %scatter3A_228[%add3A_225, %add3A_207], %gather3A_222 : memref<32x128xf32, #tpu.memory_space<vmem>>[vector<16xi32>, vector<16xi32>], vector<16xf32>,
            %add3A_229 = arith.constant 1 : i32
            %add3A_230 = vector.broadcast %add3A_229 : i32 to vector<16xi32>
            %add3A_231 = arith.addi %iota3A, %add3A_230 : vector<16xi32>
            %and3A_232 = arith.constant 15 : i32
            %and3A_233 = vector.broadcast %and3A_232 : i32 to vector<16xi32>
            %and3A_234 = arith.andi %add3A_231, %and3A_233 : vector<16xi32>
            %add3A_235 = arith.addi %add3A_210, %and3A_234 : vector<16xi32>
            %gather3A_236 = arith.constant 0 : i32
            %gather3A_237 = arith.constant 0 : i32
            %gather3A_238 = arith.constant 0 : i32
            %gather3A_239 = tpu.memref_slice %arg7[%gather3A_236, %gather3A_237, %gather3A_238] : memref<2x128x128xf32, #tpu.memory_space<vmem>> -> memref<1x128x128xf32, #tpu.memory_space<vmem>>
            %gather3A_240 = tpu.memref_squeeze %gather3A_239 : memref<1x128x128xf32, #tpu.memory_space<vmem>> -> memref<128x128xf32, #tpu.memory_space<vmem>>
            %gather3A_241 = tpu.vector_load_idx %gather3A_240[%add3A_207, %add3A_235] : memref<128x128xf32, #tpu.memory_space<vmem>>[vector<16xi32>, vector<16xi32>], vector<16xf32>,
            %add3A_242 = arith.constant 0 : i32
            %add3A_243 = vector.broadcast %add3A_242 : i32 to vector<16xi32>
            %add3A_244 = arith.addi %add3A_243, %and3A_234 : vector<16xi32>
            %scatter3A_245 = arith.constant 0 : i32
            %scatter3A_246 = arith.constant 0 : i32
            %scatter3A_247 = tpu.memref_slice %arg8[%and3A_98, %mul3A_153, %scatter3A_245, %scatter3A_246] : memref<2x10x32x128xf32, #tpu.memory_space<vmem>> -> memref<1x1x32x128xf32, #tpu.memory_space<vmem>>
            %scatter3A_248 = tpu.memref_squeeze %scatter3A_247 : memref<1x1x32x128xf32, #tpu.memory_space<vmem>> -> memref<32x128xf32, #tpu.memory_space<vmem>>
            tpu.vector_store_idx %scatter3A_248[%add3A_244, %add3A_207], %gather3A_241 : memref<32x128xf32, #tpu.memory_space<vmem>>[vector<16xi32>, vector<16xi32>], vector<16xf32>,
            %add3A_249 = arith.constant 2 : i32
            %add3A_250 = vector.broadcast %add3A_249 : i32 to vector<16xi32>
            %add3A_251 = arith.addi %iota3A, %add3A_250 : vector<16xi32>
            %and3A_252 = arith.constant 15 : i32
            %and3A_253 = vector.broadcast %and3A_252 : i32 to vector<16xi32>
            %and3A_254 = arith.andi %add3A_251, %and3A_253 : vector<16xi32>
            %add3A_255 = arith.addi %add3A_210, %and3A_254 : vector<16xi32>
            %gather3A_256 = arith.constant 0 : i32
            %gather3A_257 = arith.constant 0 : i32
            %gather3A_258 = arith.constant 0 : i32
            %gather3A_259 = tpu.memref_slice %arg7[%gather3A_256, %gather3A_257, %gather3A_258] : memref<2x128x128xf32, #tpu.memory_space<vmem>> -> memref<1x128x128xf32, #tpu.memory_space<vmem>>
            %gather3A_260 = tpu.memref_squeeze %gather3A_259 : memref<1x128x128xf32, #tpu.memory_space<vmem>> -> memref<128x128xf32, #tpu.memory_space<vmem>>
            %gather3A_261 = tpu.vector_load_idx %gather3A_260[%add3A_207, %add3A_255] : memref<128x128xf32, #tpu.memory_space<vmem>>[vector<16xi32>, vector<16xi32>], vector<16xf32>,
            %add3A_262 = arith.constant 0 : i32
            %add3A_263 = vector.broadcast %add3A_262 : i32 to vector<16xi32>
            %add3A_264 = arith.addi %add3A_263, %and3A_254 : vector<16xi32>
            %scatter3A_265 = arith.constant 0 : i32
            %scatter3A_266 = arith.constant 0 : i32
            %scatter3A_267 = tpu.memref_slice %arg8[%and3A_98, %mul3A_153, %scatter3A_265, %scatter3A_266] : memref<2x10x32x128xf32, #tpu.memory_space<vmem>> -> memref<1x1x32x128xf32, #tpu.memory_space<vmem>>
            %scatter3A_268 = tpu.memref_squeeze %scatter3A_267 : memref<1x1x32x128xf32, #tpu.memory_space<vmem>> -> memref<32x128xf32, #tpu.memory_space<vmem>>
            tpu.vector_store_idx %scatter3A_268[%add3A_264, %add3A_207], %gather3A_261 : memref<32x128xf32, #tpu.memory_space<vmem>>[vector<16xi32>, vector<16xi32>], vector<16xf32>,
            %add3A_269 = arith.constant 3 : i32
            %add3A_270 = vector.broadcast %add3A_269 : i32 to vector<16xi32>
            %add3A_271 = arith.addi %iota3A, %add3A_270 : vector<16xi32>
            %and3A_272 = arith.constant 15 : i32
            %and3A_273 = vector.broadcast %and3A_272 : i32 to vector<16xi32>
            %and3A_274 = arith.andi %add3A_271, %and3A_273 : vector<16xi32>
            %add3A_275 = arith.addi %add3A_210, %and3A_274 : vector<16xi32>
            %gather3A_276 = arith.constant 0 : i32
            %gather3A_277 = arith.constant 0 : i32
            %gather3A_278 = arith.constant 0 : i32
            %gather3A_279 = tpu.memref_slice %arg7[%gather3A_276, %gather3A_277, %gather3A_278] : memref<2x128x128xf32, #tpu.memory_space<vmem>> -> memref<1x128x128xf32, #tpu.memory_space<vmem>>
            %gather3A_280 = tpu.memref_squeeze %gather3A_279 : memref<1x128x128xf32, #tpu.memory_space<vmem>> -> memref<128x128xf32, #tpu.memory_space<vmem>>
            %gather3A_281 = tpu.vector_load_idx %gather3A_280[%add3A_207, %add3A_275] : memref<128x128xf32, #tpu.memory_space<vmem>>[vector<16xi32>, vector<16xi32>], vector<16xf32>,
            %add3A_282 = arith.constant 0 : i32
            %add3A_283 = vector.broadcast %add3A_282 : i32 to vector<16xi32>
            %add3A_284 = arith.addi %add3A_283, %and3A_274 : vector<16xi32>
            %scatter3A_285 = arith.constant 0 : i32
            %scatter3A_286 = arith.constant 0 : i32
            %scatter3A_287 = tpu.memref_slice %arg8[%and3A_98, %mul3A_153, %scatter3A_285, %scatter3A_286] : memref<2x10x32x128xf32, #tpu.memory_space<vmem>> -> memref<1x1x32x128xf32, #tpu.memory_space<vmem>>
            %scatter3A_288 = tpu.memref_squeeze %scatter3A_287 : memref<1x1x32x128xf32, #tpu.memory_space<vmem>> -> memref<32x128xf32, #tpu.memory_space<vmem>>
            tpu.vector_store_idx %scatter3A_288[%add3A_284, %add3A_207], %gather3A_281 : memref<32x128xf32, #tpu.memory_space<vmem>>[vector<16xi32>, vector<16xi32>], vector<16xf32>,
            %add3A_289 = arith.constant 4 : i32
            %add3A_290 = vector.broadcast %add3A_289 : i32 to vector<16xi32>
            %add3A_291 = arith.addi %iota3A, %add3A_290 : vector<16xi32>
            %and3A_292 = arith.constant 15 : i32
            %and3A_293 = vector.broadcast %and3A_292 : i32 to vector<16xi32>
            %and3A_294 = arith.andi %add3A_291, %and3A_293 : vector<16xi32>
            %add3A_295 = arith.addi %add3A_210, %and3A_294 : vector<16xi32>
            %gather3A_296 = arith.constant 0 : i32
            %gather3A_297 = arith.constant 0 : i32
            %gather3A_298 = arith.constant 0 : i32
            %gather3A_299 = tpu.memref_slice %arg7[%gather3A_296, %gather3A_297, %gather3A_298] : memref<2x128x128xf32, #tpu.memory_space<vmem>> -> memref<1x128x128xf32, #tpu.memory_space<vmem>>
            %gather3A_300 = tpu.memref_squeeze %gather3A_299 : memref<1x128x128xf32, #tpu.memory_space<vmem>> -> memref<128x128xf32, #tpu.memory_space<vmem>>
            %gather3A_301 = tpu.vector_load_idx %gather3A_300[%add3A_207, %add3A_295] : memref<128x128xf32, #tpu.memory_space<vmem>>[vector<16xi32>, vector<16xi32>], vector<16xf32>,
            %add3A_302 = arith.constant 0 : i32
            %add3A_303 = vector.broadcast %add3A_302 : i32 to vector<16xi32>
            %add3A_304 = arith.addi %add3A_303, %and3A_294 : vector<16xi32>
            %scatter3A_305 = arith.constant 0 : i32
            %scatter3A_306 = arith.constant 0 : i32
            %scatter3A_307 = tpu.memref_slice %arg8[%and3A_98, %mul3A_153, %scatter3A_305, %scatter3A_306] : memref<2x10x32x128xf32, #tpu.memory_space<vmem>> -> memref<1x1x32x128xf32, #tpu.memory_space<vmem>>
            %scatter3A_308 = tpu.memref_squeeze %scatter3A_307 : memref<1x1x32x128xf32, #tpu.memory_space<vmem>> -> memref<32x128xf32, #tpu.memory_space<vmem>>
            tpu.vector_store_idx %scatter3A_308[%add3A_304, %add3A_207], %gather3A_301 : memref<32x128xf32, #tpu.memory_space<vmem>>[vector<16xi32>, vector<16xi32>], vector<16xf32>,
            %add3A_309 = arith.constant 5 : i32
            %add3A_310 = vector.broadcast %add3A_309 : i32 to vector<16xi32>
            %add3A_311 = arith.addi %iota3A, %add3A_310 : vector<16xi32>
            %and3A_312 = arith.constant 15 : i32
            %and3A_313 = vector.broadcast %and3A_312 : i32 to vector<16xi32>
            %and3A_314 = arith.andi %add3A_311, %and3A_313 : vector<16xi32>
            %add3A_315 = arith.addi %add3A_210, %and3A_314 : vector<16xi32>
            %gather3A_316 = arith.constant 0 : i32
            %gather3A_317 = arith.constant 0 : i32
            %gather3A_318 = arith.constant 0 : i32
            %gather3A_319 = tpu.memref_slice %arg7[%gather3A_316, %gather3A_317, %gather3A_318] : memref<2x128x128xf32, #tpu.memory_space<vmem>> -> memref<1x128x128xf32, #tpu.memory_space<vmem>>
            %gather3A_320 = tpu.memref_squeeze %gather3A_319 : memref<1x128x128xf32, #tpu.memory_space<vmem>> -> memref<128x128xf32, #tpu.memory_space<vmem>>
            %gather3A_321 = tpu.vector_load_idx %gather3A_320[%add3A_207, %add3A_315] : memref<128x128xf32, #tpu.memory_space<vmem>>[vector<16xi32>, vector<16xi32>], vector<16xf32>,
            %add3A_322 = arith.constant 0 : i32
            %add3A_323 = vector.broadcast %add3A_322 : i32 to vector<16xi32>
            %add3A_324 = arith.addi %add3A_323, %and3A_314 : vector<16xi32>
            %scatter3A_325 = arith.constant 0 : i32
            %scatter3A_326 = arith.constant 0 : i32
            %scatter3A_327 = tpu.memref_slice %arg8[%and3A_98, %mul3A_153, %scatter3A_325, %scatter3A_326] : memref<2x10x32x128xf32, #tpu.memory_space<vmem>> -> memref<1x1x32x128xf32, #tpu.memory_space<vmem>>
            %scatter3A_328 = tpu.memref_squeeze %scatter3A_327 : memref<1x1x32x128xf32, #tpu.memory_space<vmem>> -> memref<32x128xf32, #tpu.memory_space<vmem>>
            tpu.vector_store_idx %scatter3A_328[%add3A_324, %add3A_207], %gather3A_321 : memref<32x128xf32, #tpu.memory_space<vmem>>[vector<16xi32>, vector<16xi32>], vector<16xf32>,
            %add3A_329 = arith.constant 6 : i32
            %add3A_330 = vector.broadcast %add3A_329 : i32 to vector<16xi32>
            %add3A_331 = arith.addi %iota3A, %add3A_330 : vector<16xi32>
            %and3A_332 = arith.constant 15 : i32
            %and3A_333 = vector.broadcast %and3A_332 : i32 to vector<16xi32>
            %and3A_334 = arith.andi %add3A_331, %and3A_333 : vector<16xi32>
            %add3A_335 = arith.addi %add3A_210, %and3A_334 : vector<16xi32>
            %gather3A_336 = arith.constant 0 : i32
            %gather3A_337 = arith.constant 0 : i32
            %gather3A_338 = arith.constant 0 : i32
            %gather3A_339 = tpu.memref_slice %arg7[%gather3A_336, %gather3A_337, %gather3A_338] : memref<2x128x128xf32, #tpu.memory_space<vmem>> -> memref<1x128x128xf32, #tpu.memory_space<vmem>>
            %gather3A_340 = tpu.memref_squeeze %gather3A_339 : memref<1x128x128xf32, #tpu.memory_space<vmem>> -> memref<128x128xf32, #tpu.memory_space<vmem>>
            %gather3A_341 = tpu.vector_load_idx %gather3A_340[%add3A_207, %add3A_335] : memref<128x128xf32, #tpu.memory_space<vmem>>[vector<16xi32>, vector<16xi32>], vector<16xf32>,
            %add3A_342 = arith.constant 0 : i32
            %add3A_343 = vector.broadcast %add3A_342 : i32 to vector<16xi32>
            %add3A_344 = arith.addi %add3A_343, %and3A_334 : vector<16xi32>
            %scatter3A_345 = arith.constant 0 : i32
            %scatter3A_346 = arith.constant 0 : i32
            %scatter3A_347 = tpu.memref_slice %arg8[%and3A_98, %mul3A_153, %scatter3A_345, %scatter3A_346] : memref<2x10x32x128xf32, #tpu.memory_space<vmem>> -> memref<1x1x32x128xf32, #tpu.memory_space<vmem>>
            %scatter3A_348 = tpu.memref_squeeze %scatter3A_347 : memref<1x1x32x128xf32, #tpu.memory_space<vmem>> -> memref<32x128xf32, #tpu.memory_space<vmem>>
            tpu.vector_store_idx %scatter3A_348[%add3A_344, %add3A_207], %gather3A_341 : memref<32x128xf32, #tpu.memory_space<vmem>>[vector<16xi32>, vector<16xi32>], vector<16xf32>,
            %add3A_349 = arith.constant 7 : i32
            %add3A_350 = vector.broadcast %add3A_349 : i32 to vector<16xi32>
            %add3A_351 = arith.addi %iota3A, %add3A_350 : vector<16xi32>
            %and3A_352 = arith.constant 15 : i32
            %and3A_353 = vector.broadcast %and3A_352 : i32 to vector<16xi32>
            %and3A_354 = arith.andi %add3A_351, %and3A_353 : vector<16xi32>
            %add3A_355 = arith.addi %add3A_210, %and3A_354 : vector<16xi32>
            %gather3A_356 = arith.constant 0 : i32
            %gather3A_357 = arith.constant 0 : i32
            %gather3A_358 = arith.constant 0 : i32
            %gather3A_359 = tpu.memref_slice %arg7[%gather3A_356, %gather3A_357, %gather3A_358] : memref<2x128x128xf32, #tpu.memory_space<vmem>> -> memref<1x128x128xf32, #tpu.memory_space<vmem>>
            %gather3A_360 = tpu.memref_squeeze %gather3A_359 : memref<1x128x128xf32, #tpu.memory_space<vmem>> -> memref<128x128xf32, #tpu.memory_space<vmem>>
            %gather3A_361 = tpu.vector_load_idx %gather3A_360[%add3A_207, %add3A_355] : memref<128x128xf32, #tpu.memory_space<vmem>>[vector<16xi32>, vector<16xi32>], vector<16xf32>,
            %add3A_362 = arith.constant 0 : i32
            %add3A_363 = vector.broadcast %add3A_362 : i32 to vector<16xi32>
            %add3A_364 = arith.addi %add3A_363, %and3A_354 : vector<16xi32>
            %scatter3A_365 = arith.constant 0 : i32
            %scatter3A_366 = arith.constant 0 : i32
            %scatter3A_367 = tpu.memref_slice %arg8[%and3A_98, %mul3A_153, %scatter3A_365, %scatter3A_366] : memref<2x10x32x128xf32, #tpu.memory_space<vmem>> -> memref<1x1x32x128xf32, #tpu.memory_space<vmem>>
            %scatter3A_368 = tpu.memref_squeeze %scatter3A_367 : memref<1x1x32x128xf32, #tpu.memory_space<vmem>> -> memref<32x128xf32, #tpu.memory_space<vmem>>
            tpu.vector_store_idx %scatter3A_368[%add3A_364, %add3A_207], %gather3A_361 : memref<32x128xf32, #tpu.memory_space<vmem>>[vector<16xi32>, vector<16xi32>], vector<16xf32>,
            %add3A_369 = arith.constant 8 : i32
            %add3A_370 = vector.broadcast %add3A_369 : i32 to vector<16xi32>
            %add3A_371 = arith.addi %iota3A, %add3A_370 : vector<16xi32>
            %and3A_372 = arith.constant 15 : i32
            %and3A_373 = vector.broadcast %and3A_372 : i32 to vector<16xi32>
            %and3A_374 = arith.andi %add3A_371, %and3A_373 : vector<16xi32>
            %add3A_375 = arith.addi %add3A_210, %and3A_374 : vector<16xi32>
            %gather3A_376 = arith.constant 0 : i32
            %gather3A_377 = arith.constant 0 : i32
            %gather3A_378 = arith.constant 0 : i32
            %gather3A_379 = tpu.memref_slice %arg7[%gather3A_376, %gather3A_377, %gather3A_378] : memref<2x128x128xf32, #tpu.memory_space<vmem>> -> memref<1x128x128xf32, #tpu.memory_space<vmem>>
            %gather3A_380 = tpu.memref_squeeze %gather3A_379 : memref<1x128x128xf32, #tpu.memory_space<vmem>> -> memref<128x128xf32, #tpu.memory_space<vmem>>
            %gather3A_381 = tpu.vector_load_idx %gather3A_380[%add3A_207, %add3A_375] : memref<128x128xf32, #tpu.memory_space<vmem>>[vector<16xi32>, vector<16xi32>], vector<16xf32>,
            %add3A_382 = arith.constant 0 : i32
            %add3A_383 = vector.broadcast %add3A_382 : i32 to vector<16xi32>
            %add3A_384 = arith.addi %add3A_383, %and3A_374 : vector<16xi32>
            %scatter3A_385 = arith.constant 0 : i32
            %scatter3A_386 = arith.constant 0 : i32
            %scatter3A_387 = tpu.memref_slice %arg8[%and3A_98, %mul3A_153, %scatter3A_385, %scatter3A_386] : memref<2x10x32x128xf32, #tpu.memory_space<vmem>> -> memref<1x1x32x128xf32, #tpu.memory_space<vmem>>
            %scatter3A_388 = tpu.memref_squeeze %scatter3A_387 : memref<1x1x32x128xf32, #tpu.memory_space<vmem>> -> memref<32x128xf32, #tpu.memory_space<vmem>>
            tpu.vector_store_idx %scatter3A_388[%add3A_384, %add3A_207], %gather3A_381 : memref<32x128xf32, #tpu.memory_space<vmem>>[vector<16xi32>, vector<16xi32>], vector<16xf32>,
            %add3A_389 = arith.constant 9 : i32
            %add3A_390 = vector.broadcast %add3A_389 : i32 to vector<16xi32>
            %add3A_391 = arith.addi %iota3A, %add3A_390 : vector<16xi32>
            %and3A_392 = arith.constant 15 : i32
            %and3A_393 = vector.broadcast %and3A_392 : i32 to vector<16xi32>
            %and3A_394 = arith.andi %add3A_391, %and3A_393 : vector<16xi32>
            %add3A_395 = arith.addi %add3A_210, %and3A_394 : vector<16xi32>
            %gather3A_396 = arith.constant 0 : i32
            %gather3A_397 = arith.constant 0 : i32
            %gather3A_398 = arith.constant 0 : i32
            %gather3A_399 = tpu.memref_slice %arg7[%gather3A_396, %gather3A_397, %gather3A_398] : memref<2x128x128xf32, #tpu.memory_space<vmem>> -> memref<1x128x128xf32, #tpu.memory_space<vmem>>
            %gather3A_400 = tpu.memref_squeeze %gather3A_399 : memref<1x128x128xf32, #tpu.memory_space<vmem>> -> memref<128x128xf32, #tpu.memory_space<vmem>>
            %gather3A_401 = tpu.vector_load_idx %gather3A_400[%add3A_207, %add3A_395] : memref<128x128xf32, #tpu.memory_space<vmem>>[vector<16xi32>, vector<16xi32>], vector<16xf32>,
            %add3A_402 = arith.constant 0 : i32
            %add3A_403 = vector.broadcast %add3A_402 : i32 to vector<16xi32>
            %add3A_404 = arith.addi %add3A_403, %and3A_394 : vector<16xi32>
            %scatter3A_405 = arith.constant 0 : i32
            %scatter3A_406 = arith.constant 0 : i32
            %scatter3A_407 = tpu.memref_slice %arg8[%and3A_98, %mul3A_153, %scatter3A_405, %scatter3A_406] : memref<2x10x32x128xf32, #tpu.memory_space<vmem>> -> memref<1x1x32x128xf32, #tpu.memory_space<vmem>>
            %scatter3A_408 = tpu.memref_squeeze %scatter3A_407 : memref<1x1x32x128xf32, #tpu.memory_space<vmem>> -> memref<32x128xf32, #tpu.memory_space<vmem>>
            tpu.vector_store_idx %scatter3A_408[%add3A_404, %add3A_207], %gather3A_401 : memref<32x128xf32, #tpu.memory_space<vmem>>[vector<16xi32>, vector<16xi32>], vector<16xf32>,
            %add3A_409 = arith.constant 10 : i32
            %add3A_410 = vector.broadcast %add3A_409 : i32 to vector<16xi32>
            %add3A_411 = arith.addi %iota3A, %add3A_410 : vector<16xi32>
            %and3A_412 = arith.constant 15 : i32
            %and3A_413 = vector.broadcast %and3A_412 : i32 to vector<16xi32>
            %and3A_414 = arith.andi %add3A_411, %and3A_413 : vector<16xi32>
            %add3A_415 = arith.addi %add3A_210, %and3A_414 : vector<16xi32>
            %gather3A_416 = arith.constant 0 : i32
            %gather3A_417 = arith.constant 0 : i32
            %gather3A_418 = arith.constant 0 : i32
            %gather3A_419 = tpu.memref_slice %arg7[%gather3A_416, %gather3A_417, %gather3A_418] : memref<2x128x128xf32, #tpu.memory_space<vmem>> -> memref<1x128x128xf32, #tpu.memory_space<vmem>>
            %gather3A_420 = tpu.memref_squeeze %gather3A_419 : memref<1x128x128xf32, #tpu.memory_space<vmem>> -> memref<128x128xf32, #tpu.memory_space<vmem>>
            %gather3A_421 = tpu.vector_load_idx %gather3A_420[%add3A_207, %add3A_415] : memref<128x128xf32, #tpu.memory_space<vmem>>[vector<16xi32>, vector<16xi32>], vector<16xf32>,
            %add3A_422 = arith.constant 0 : i32
            %add3A_423 = vector.broadcast %add3A_422 : i32 to vector<16xi32>
            %add3A_424 = arith.addi %add3A_423, %and3A_414 : vector<16xi32>
            %scatter3A_425 = arith.constant 0 : i32
            %scatter3A_426 = arith.constant 0 : i32
            %scatter3A_427 = tpu.memref_slice %arg8[%and3A_98, %mul3A_153, %scatter3A_425, %scatter3A_426] : memref<2x10x32x128xf32, #tpu.memory_space<vmem>> -> memref<1x1x32x128xf32, #tpu.memory_space<vmem>>
            %scatter3A_428 = tpu.memref_squeeze %scatter3A_427 : memref<1x1x32x128xf32, #tpu.memory_space<vmem>> -> memref<32x128xf32, #tpu.memory_space<vmem>>
            tpu.vector_store_idx %scatter3A_428[%add3A_424, %add3A_207], %gather3A_421 : memref<32x128xf32, #tpu.memory_space<vmem>>[vector<16xi32>, vector<16xi32>], vector<16xf32>,
            %add3A_429 = arith.constant 11 : i32
            %add3A_430 = vector.broadcast %add3A_429 : i32 to vector<16xi32>
            %add3A_431 = arith.addi %iota3A, %add3A_430 : vector<16xi32>
            %and3A_432 = arith.constant 15 : i32
            %and3A_433 = vector.broadcast %and3A_432 : i32 to vector<16xi32>
            %and3A_434 = arith.andi %add3A_431, %and3A_433 : vector<16xi32>
            %add3A_435 = arith.addi %add3A_210, %and3A_434 : vector<16xi32>
            %gather3A_436 = arith.constant 0 : i32
            %gather3A_437 = arith.constant 0 : i32
            %gather3A_438 = arith.constant 0 : i32
            %gather3A_439 = tpu.memref_slice %arg7[%gather3A_436, %gather3A_437, %gather3A_438] : memref<2x128x128xf32, #tpu.memory_space<vmem>> -> memref<1x128x128xf32, #tpu.memory_space<vmem>>
            %gather3A_440 = tpu.memref_squeeze %gather3A_439 : memref<1x128x128xf32, #tpu.memory_space<vmem>> -> memref<128x128xf32, #tpu.memory_space<vmem>>
            %gather3A_441 = tpu.vector_load_idx %gather3A_440[%add3A_207, %add3A_435] : memref<128x128xf32, #tpu.memory_space<vmem>>[vector<16xi32>, vector<16xi32>], vector<16xf32>,
            %add3A_442 = arith.constant 0 : i32
            %add3A_443 = vector.broadcast %add3A_442 : i32 to vector<16xi32>
            %add3A_444 = arith.addi %add3A_443, %and3A_434 : vector<16xi32>
            %scatter3A_445 = arith.constant 0 : i32
            %scatter3A_446 = arith.constant 0 : i32
            %scatter3A_447 = tpu.memref_slice %arg8[%and3A_98, %mul3A_153, %scatter3A_445, %scatter3A_446] : memref<2x10x32x128xf32, #tpu.memory_space<vmem>> -> memref<1x1x32x128xf32, #tpu.memory_space<vmem>>
            %scatter3A_448 = tpu.memref_squeeze %scatter3A_447 : memref<1x1x32x128xf32, #tpu.memory_space<vmem>> -> memref<32x128xf32, #tpu.memory_space<vmem>>
            tpu.vector_store_idx %scatter3A_448[%add3A_444, %add3A_207], %gather3A_441 : memref<32x128xf32, #tpu.memory_space<vmem>>[vector<16xi32>, vector<16xi32>], vector<16xf32>,
            %add3A_449 = arith.constant 12 : i32
            %add3A_450 = vector.broadcast %add3A_449 : i32 to vector<16xi32>
            %add3A_451 = arith.addi %iota3A, %add3A_450 : vector<16xi32>
            %and3A_452 = arith.constant 15 : i32
            %and3A_453 = vector.broadcast %and3A_452 : i32 to vector<16xi32>
            %and3A_454 = arith.andi %add3A_451, %and3A_453 : vector<16xi32>
            %add3A_455 = arith.addi %add3A_210, %and3A_454 : vector<16xi32>
            %gather3A_456 = arith.constant 0 : i32
            %gather3A_457 = arith.constant 0 : i32
            %gather3A_458 = arith.constant 0 : i32
            %gather3A_459 = tpu.memref_slice %arg7[%gather3A_456, %gather3A_457, %gather3A_458] : memref<2x128x128xf32, #tpu.memory_space<vmem>> -> memref<1x128x128xf32, #tpu.memory_space<vmem>>
            %gather3A_460 = tpu.memref_squeeze %gather3A_459 : memref<1x128x128xf32, #tpu.memory_space<vmem>> -> memref<128x128xf32, #tpu.memory_space<vmem>>
            %gather3A_461 = tpu.vector_load_idx %gather3A_460[%add3A_207, %add3A_455] : memref<128x128xf32, #tpu.memory_space<vmem>>[vector<16xi32>, vector<16xi32>], vector<16xf32>,
            %add3A_462 = arith.constant 0 : i32
            %add3A_463 = vector.broadcast %add3A_462 : i32 to vector<16xi32>
            %add3A_464 = arith.addi %add3A_463, %and3A_454 : vector<16xi32>
            %scatter3A_465 = arith.constant 0 : i32
            %scatter3A_466 = arith.constant 0 : i32
            %scatter3A_467 = tpu.memref_slice %arg8[%and3A_98, %mul3A_153, %scatter3A_465, %scatter3A_466] : memref<2x10x32x128xf32, #tpu.memory_space<vmem>> -> memref<1x1x32x128xf32, #tpu.memory_space<vmem>>
            %scatter3A_468 = tpu.memref_squeeze %scatter3A_467 : memref<1x1x32x128xf32, #tpu.memory_space<vmem>> -> memref<32x128xf32, #tpu.memory_space<vmem>>
            tpu.vector_store_idx %scatter3A_468[%add3A_464, %add3A_207], %gather3A_461 : memref<32x128xf32, #tpu.memory_space<vmem>>[vector<16xi32>, vector<16xi32>], vector<16xf32>,
            %add3A_469 = arith.constant 13 : i32
            %add3A_470 = vector.broadcast %add3A_469 : i32 to vector<16xi32>
            %add3A_471 = arith.addi %iota3A, %add3A_470 : vector<16xi32>
            %and3A_472 = arith.constant 15 : i32
            %and3A_473 = vector.broadcast %and3A_472 : i32 to vector<16xi32>
            %and3A_474 = arith.andi %add3A_471, %and3A_473 : vector<16xi32>
            %add3A_475 = arith.addi %add3A_210, %and3A_474 : vector<16xi32>
            %gather3A_476 = arith.constant 0 : i32
            %gather3A_477 = arith.constant 0 : i32
            %gather3A_478 = arith.constant 0 : i32
            %gather3A_479 = tpu.memref_slice %arg7[%gather3A_476, %gather3A_477, %gather3A_478] : memref<2x128x128xf32, #tpu.memory_space<vmem>> -> memref<1x128x128xf32, #tpu.memory_space<vmem>>
            %gather3A_480 = tpu.memref_squeeze %gather3A_479 : memref<1x128x128xf32, #tpu.memory_space<vmem>> -> memref<128x128xf32, #tpu.memory_space<vmem>>
            %gather3A_481 = tpu.vector_load_idx %gather3A_480[%add3A_207, %add3A_475] : memref<128x128xf32, #tpu.memory_space<vmem>>[vector<16xi32>, vector<16xi32>], vector<16xf32>,
            %add3A_482 = arith.constant 0 : i32
            %add3A_483 = vector.broadcast %add3A_482 : i32 to vector<16xi32>
            %add3A_484 = arith.addi %add3A_483, %and3A_474 : vector<16xi32>
            %scatter3A_485 = arith.constant 0 : i32
            %scatter3A_486 = arith.constant 0 : i32
            %scatter3A_487 = tpu.memref_slice %arg8[%and3A_98, %mul3A_153, %scatter3A_485, %scatter3A_486] : memref<2x10x32x128xf32, #tpu.memory_space<vmem>> -> memref<1x1x32x128xf32, #tpu.memory_space<vmem>>
            %scatter3A_488 = tpu.memref_squeeze %scatter3A_487 : memref<1x1x32x128xf32, #tpu.memory_space<vmem>> -> memref<32x128xf32, #tpu.memory_space<vmem>>
            tpu.vector_store_idx %scatter3A_488[%add3A_484, %add3A_207], %gather3A_481 : memref<32x128xf32, #tpu.memory_space<vmem>>[vector<16xi32>, vector<16xi32>], vector<16xf32>,
            %add3A_489 = arith.constant 14 : i32
            %add3A_490 = vector.broadcast %add3A_489 : i32 to vector<16xi32>
            %add3A_491 = arith.addi %iota3A, %add3A_490 : vector<16xi32>
            %and3A_492 = arith.constant 15 : i32
            %and3A_493 = vector.broadcast %and3A_492 : i32 to vector<16xi32>
            %and3A_494 = arith.andi %add3A_491, %and3A_493 : vector<16xi32>
            %add3A_495 = arith.addi %add3A_210, %and3A_494 : vector<16xi32>
            %gather3A_496 = arith.constant 0 : i32
            %gather3A_497 = arith.constant 0 : i32
            %gather3A_498 = arith.constant 0 : i32
            %gather3A_499 = tpu.memref_slice %arg7[%gather3A_496, %gather3A_497, %gather3A_498] : memref<2x128x128xf32, #tpu.memory_space<vmem>> -> memref<1x128x128xf32, #tpu.memory_space<vmem>>
            %gather3A_500 = tpu.memref_squeeze %gather3A_499 : memref<1x128x128xf32, #tpu.memory_space<vmem>> -> memref<128x128xf32, #tpu.memory_space<vmem>>
            %gather3A_501 = tpu.vector_load_idx %gather3A_500[%add3A_207, %add3A_495] : memref<128x128xf32, #tpu.memory_space<vmem>>[vector<16xi32>, vector<16xi32>], vector<16xf32>,
            %add3A_502 = arith.constant 0 : i32
            %add3A_503 = vector.broadcast %add3A_502 : i32 to vector<16xi32>
            %add3A_504 = arith.addi %add3A_503, %and3A_494 : vector<16xi32>
            %scatter3A_505 = arith.constant 0 : i32
            %scatter3A_506 = arith.constant 0 : i32
            %scatter3A_507 = tpu.memref_slice %arg8[%and3A_98, %mul3A_153, %scatter3A_505, %scatter3A_506] : memref<2x10x32x128xf32, #tpu.memory_space<vmem>> -> memref<1x1x32x128xf32, #tpu.memory_space<vmem>>
            %scatter3A_508 = tpu.memref_squeeze %scatter3A_507 : memref<1x1x32x128xf32, #tpu.memory_space<vmem>> -> memref<32x128xf32, #tpu.memory_space<vmem>>
            tpu.vector_store_idx %scatter3A_508[%add3A_504, %add3A_207], %gather3A_501 : memref<32x128xf32, #tpu.memory_space<vmem>>[vector<16xi32>, vector<16xi32>], vector<16xf32>,
            %add3A_509 = arith.constant 15 : i32
            %add3A_510 = vector.broadcast %add3A_509 : i32 to vector<16xi32>
            %add3A_511 = arith.addi %iota3A, %add3A_510 : vector<16xi32>
            %and3A_512 = arith.constant 15 : i32
            %and3A_513 = vector.broadcast %and3A_512 : i32 to vector<16xi32>
            %and3A_514 = arith.andi %add3A_511, %and3A_513 : vector<16xi32>
            %add3A_515 = arith.addi %add3A_210, %and3A_514 : vector<16xi32>
            %gather3A_516 = arith.constant 0 : i32
            %gather3A_517 = arith.constant 0 : i32
            %gather3A_518 = arith.constant 0 : i32
            %gather3A_519 = tpu.memref_slice %arg7[%gather3A_516, %gather3A_517, %gather3A_518] : memref<2x128x128xf32, #tpu.memory_space<vmem>> -> memref<1x128x128xf32, #tpu.memory_space<vmem>>
            %gather3A_520 = tpu.memref_squeeze %gather3A_519 : memref<1x128x128xf32, #tpu.memory_space<vmem>> -> memref<128x128xf32, #tpu.memory_space<vmem>>
            %gather3A_521 = tpu.vector_load_idx %gather3A_520[%add3A_207, %add3A_515] : memref<128x128xf32, #tpu.memory_space<vmem>>[vector<16xi32>, vector<16xi32>], vector<16xf32>,
            %add3A_522 = arith.constant 0 : i32
            %add3A_523 = vector.broadcast %add3A_522 : i32 to vector<16xi32>
            %add3A_524 = arith.addi %add3A_523, %and3A_514 : vector<16xi32>
            %scatter3A_525 = arith.constant 0 : i32
            %scatter3A_526 = arith.constant 0 : i32
            %scatter3A_527 = tpu.memref_slice %arg8[%and3A_98, %mul3A_153, %scatter3A_525, %scatter3A_526] : memref<2x10x32x128xf32, #tpu.memory_space<vmem>> -> memref<1x1x32x128xf32, #tpu.memory_space<vmem>>
            %scatter3A_528 = tpu.memref_squeeze %scatter3A_527 : memref<1x1x32x128xf32, #tpu.memory_space<vmem>> -> memref<32x128xf32, #tpu.memory_space<vmem>>
            tpu.vector_store_idx %scatter3A_528[%add3A_524, %add3A_207], %gather3A_521 : memref<32x128xf32, #tpu.memory_space<vmem>>[vector<16xi32>, vector<16xi32>], vector<16xf32>,
            %add3A_529 = arith.constant 16 : i32
            %add3A_530 = vector.broadcast %add3A_529 : i32 to vector<16xi32>
            %add3A_531 = arith.addi %get3A_203, %add3A_530 : vector<16xi32>
            %add3A_532 = arith.constant 0 : i32
            %add3A_533 = vector.broadcast %add3A_532 : i32 to vector<16xi32>
            %add3A_534 = arith.addi %iota3A, %add3A_533 : vector<16xi32>
            %and3A_535 = arith.constant 15 : i32
            %and3A_536 = vector.broadcast %and3A_535 : i32 to vector<16xi32>
            %and3A_537 = arith.andi %add3A_534, %and3A_536 : vector<16xi32>
            %add3A_538 = arith.addi %add3A_531, %and3A_537 : vector<16xi32>
            %gather3A_539 = arith.constant 0 : i32
            %gather3A_540 = arith.constant 0 : i32
            %gather3A_541 = arith.constant 0 : i32
            %gather3A_542 = tpu.memref_slice %arg7[%gather3A_539, %gather3A_540, %gather3A_541] : memref<2x128x128xf32, #tpu.memory_space<vmem>> -> memref<1x128x128xf32, #tpu.memory_space<vmem>>
            %gather3A_543 = tpu.memref_squeeze %gather3A_542 : memref<1x128x128xf32, #tpu.memory_space<vmem>> -> memref<128x128xf32, #tpu.memory_space<vmem>>
            %gather3A_544 = tpu.vector_load_idx %gather3A_543[%add3A_207, %add3A_538] : memref<128x128xf32, #tpu.memory_space<vmem>>[vector<16xi32>, vector<16xi32>], vector<16xf32>,
            %add3A_545 = arith.constant 16 : i32
            %add3A_546 = vector.broadcast %add3A_545 : i32 to vector<16xi32>
            %add3A_547 = arith.addi %add3A_546, %and3A_537 : vector<16xi32>
            %scatter3A_548 = arith.constant 0 : i32
            %scatter3A_549 = arith.constant 0 : i32
            %scatter3A_550 = tpu.memref_slice %arg8[%and3A_98, %mul3A_153, %scatter3A_548, %scatter3A_549] : memref<2x10x32x128xf32, #tpu.memory_space<vmem>> -> memref<1x1x32x128xf32, #tpu.memory_space<vmem>>
            %scatter3A_551 = tpu.memref_squeeze %scatter3A_550 : memref<1x1x32x128xf32, #tpu.memory_space<vmem>> -> memref<32x128xf32, #tpu.memory_space<vmem>>
            tpu.vector_store_idx %scatter3A_551[%add3A_547, %add3A_207], %gather3A_544 : memref<32x128xf32, #tpu.memory_space<vmem>>[vector<16xi32>, vector<16xi32>], vector<16xf32>,
            %add3A_552 = arith.constant 1 : i32
            %add3A_553 = vector.broadcast %add3A_552 : i32 to vector<16xi32>
            %add3A_554 = arith.addi %iota3A, %add3A_553 : vector<16xi32>
            %and3A_555 = arith.constant 15 : i32
            %and3A_556 = vector.broadcast %and3A_555 : i32 to vector<16xi32>
            %and3A_557 = arith.andi %add3A_554, %and3A_556 : vector<16xi32>
            %add3A_558 = arith.addi %add3A_531, %and3A_557 : vector<16xi32>
            %gather3A_559 = arith.constant 0 : i32
            %gather3A_560 = arith.constant 0 : i32
            %gather3A_561 = arith.constant 0 : i32
            %gather3A_562 = tpu.memref_slice %arg7[%gather3A_559, %gather3A_560, %gather3A_561] : memref<2x128x128xf32, #tpu.memory_space<vmem>> -> memref<1x128x128xf32, #tpu.memory_space<vmem>>
            %gather3A_563 = tpu.memref_squeeze %gather3A_562 : memref<1x128x128xf32, #tpu.memory_space<vmem>> -> memref<128x128xf32, #tpu.memory_space<vmem>>
            %gather3A_564 = tpu.vector_load_idx %gather3A_563[%add3A_207, %add3A_558] : memref<128x128xf32, #tpu.memory_space<vmem>>[vector<16xi32>, vector<16xi32>], vector<16xf32>,
            %add3A_565 = arith.constant 16 : i32
            %add3A_566 = vector.broadcast %add3A_565 : i32 to vector<16xi32>
            %add3A_567 = arith.addi %add3A_566, %and3A_557 : vector<16xi32>
            %scatter3A_568 = arith.constant 0 : i32
            %scatter3A_569 = arith.constant 0 : i32
            %scatter3A_570 = tpu.memref_slice %arg8[%and3A_98, %mul3A_153, %scatter3A_568, %scatter3A_569] : memref<2x10x32x128xf32, #tpu.memory_space<vmem>> -> memref<1x1x32x128xf32, #tpu.memory_space<vmem>>
            %scatter3A_571 = tpu.memref_squeeze %scatter3A_570 : memref<1x1x32x128xf32, #tpu.memory_space<vmem>> -> memref<32x128xf32, #tpu.memory_space<vmem>>
            tpu.vector_store_idx %scatter3A_571[%add3A_567, %add3A_207], %gather3A_564 : memref<32x128xf32, #tpu.memory_space<vmem>>[vector<16xi32>, vector<16xi32>], vector<16xf32>,
            %add3A_572 = arith.constant 2 : i32
            %add3A_573 = vector.broadcast %add3A_572 : i32 to vector<16xi32>
            %add3A_574 = arith.addi %iota3A, %add3A_573 : vector<16xi32>
            %and3A_575 = arith.constant 15 : i32
            %and3A_576 = vector.broadcast %and3A_575 : i32 to vector<16xi32>
            %and3A_577 = arith.andi %add3A_574, %and3A_576 : vector<16xi32>
            %add3A_578 = arith.addi %add3A_531, %and3A_577 : vector<16xi32>
            %gather3A_579 = arith.constant 0 : i32
            %gather3A_580 = arith.constant 0 : i32
            %gather3A_581 = arith.constant 0 : i32
            %gather3A_582 = tpu.memref_slice %arg7[%gather3A_579, %gather3A_580, %gather3A_581] : memref<2x128x128xf32, #tpu.memory_space<vmem>> -> memref<1x128x128xf32, #tpu.memory_space<vmem>>
            %gather3A_583 = tpu.memref_squeeze %gather3A_582 : memref<1x128x128xf32, #tpu.memory_space<vmem>> -> memref<128x128xf32, #tpu.memory_space<vmem>>
            %gather3A_584 = tpu.vector_load_idx %gather3A_583[%add3A_207, %add3A_578] : memref<128x128xf32, #tpu.memory_space<vmem>>[vector<16xi32>, vector<16xi32>], vector<16xf32>,
            %add3A_585 = arith.constant 16 : i32
            %add3A_586 = vector.broadcast %add3A_585 : i32 to vector<16xi32>
            %add3A_587 = arith.addi %add3A_586, %and3A_577 : vector<16xi32>
            %scatter3A_588 = arith.constant 0 : i32
            %scatter3A_589 = arith.constant 0 : i32
            %scatter3A_590 = tpu.memref_slice %arg8[%and3A_98, %mul3A_153, %scatter3A_588, %scatter3A_589] : memref<2x10x32x128xf32, #tpu.memory_space<vmem>> -> memref<1x1x32x128xf32, #tpu.memory_space<vmem>>
            %scatter3A_591 = tpu.memref_squeeze %scatter3A_590 : memref<1x1x32x128xf32, #tpu.memory_space<vmem>> -> memref<32x128xf32, #tpu.memory_space<vmem>>
            tpu.vector_store_idx %scatter3A_591[%add3A_587, %add3A_207], %gather3A_584 : memref<32x128xf32, #tpu.memory_space<vmem>>[vector<16xi32>, vector<16xi32>], vector<16xf32>,
            %add3A_592 = arith.constant 3 : i32
            %add3A_593 = vector.broadcast %add3A_592 : i32 to vector<16xi32>
            %add3A_594 = arith.addi %iota3A, %add3A_593 : vector<16xi32>
            %and3A_595 = arith.constant 15 : i32
            %and3A_596 = vector.broadcast %and3A_595 : i32 to vector<16xi32>
            %and3A_597 = arith.andi %add3A_594, %and3A_596 : vector<16xi32>
            %add3A_598 = arith.addi %add3A_531, %and3A_597 : vector<16xi32>
            %gather3A_599 = arith.constant 0 : i32
            %gather3A_600 = arith.constant 0 : i32
            %gather3A_601 = arith.constant 0 : i32
            %gather3A_602 = tpu.memref_slice %arg7[%gather3A_599, %gather3A_600, %gather3A_601] : memref<2x128x128xf32, #tpu.memory_space<vmem>> -> memref<1x128x128xf32, #tpu.memory_space<vmem>>
            %gather3A_603 = tpu.memref_squeeze %gather3A_602 : memref<1x128x128xf32, #tpu.memory_space<vmem>> -> memref<128x128xf32, #tpu.memory_space<vmem>>
            %gather3A_604 = tpu.vector_load_idx %gather3A_603[%add3A_207, %add3A_598] : memref<128x128xf32, #tpu.memory_space<vmem>>[vector<16xi32>, vector<16xi32>], vector<16xf32>,
            %add3A_605 = arith.constant 16 : i32
            %add3A_606 = vector.broadcast %add3A_605 : i32 to vector<16xi32>
            %add3A_607 = arith.addi %add3A_606, %and3A_597 : vector<16xi32>
            %scatter3A_608 = arith.constant 0 : i32
            %scatter3A_609 = arith.constant 0 : i32
            %scatter3A_610 = tpu.memref_slice %arg8[%and3A_98, %mul3A_153, %scatter3A_608, %scatter3A_609] : memref<2x10x32x128xf32, #tpu.memory_space<vmem>> -> memref<1x1x32x128xf32, #tpu.memory_space<vmem>>
            %scatter3A_611 = tpu.memref_squeeze %scatter3A_610 : memref<1x1x32x128xf32, #tpu.memory_space<vmem>> -> memref<32x128xf32, #tpu.memory_space<vmem>>
            tpu.vector_store_idx %scatter3A_611[%add3A_607, %add3A_207], %gather3A_604 : memref<32x128xf32, #tpu.memory_space<vmem>>[vector<16xi32>, vector<16xi32>], vector<16xf32>,
            %add3A_612 = arith.constant 4 : i32
            %add3A_613 = vector.broadcast %add3A_612 : i32 to vector<16xi32>
            %add3A_614 = arith.addi %iota3A, %add3A_613 : vector<16xi32>
            %and3A_615 = arith.constant 15 : i32
            %and3A_616 = vector.broadcast %and3A_615 : i32 to vector<16xi32>
            %and3A_617 = arith.andi %add3A_614, %and3A_616 : vector<16xi32>
            %add3A_618 = arith.addi %add3A_531, %and3A_617 : vector<16xi32>
            %gather3A_619 = arith.constant 0 : i32
            %gather3A_620 = arith.constant 0 : i32
            %gather3A_621 = arith.constant 0 : i32
            %gather3A_622 = tpu.memref_slice %arg7[%gather3A_619, %gather3A_620, %gather3A_621] : memref<2x128x128xf32, #tpu.memory_space<vmem>> -> memref<1x128x128xf32, #tpu.memory_space<vmem>>
            %gather3A_623 = tpu.memref_squeeze %gather3A_622 : memref<1x128x128xf32, #tpu.memory_space<vmem>> -> memref<128x128xf32, #tpu.memory_space<vmem>>
            %gather3A_624 = tpu.vector_load_idx %gather3A_623[%add3A_207, %add3A_618] : memref<128x128xf32, #tpu.memory_space<vmem>>[vector<16xi32>, vector<16xi32>], vector<16xf32>,
            %add3A_625 = arith.constant 16 : i32
            %add3A_626 = vector.broadcast %add3A_625 : i32 to vector<16xi32>
            %add3A_627 = arith.addi %add3A_626, %and3A_617 : vector<16xi32>
            %scatter3A_628 = arith.constant 0 : i32
            %scatter3A_629 = arith.constant 0 : i32
            %scatter3A_630 = tpu.memref_slice %arg8[%and3A_98, %mul3A_153, %scatter3A_628, %scatter3A_629] : memref<2x10x32x128xf32, #tpu.memory_space<vmem>> -> memref<1x1x32x128xf32, #tpu.memory_space<vmem>>
            %scatter3A_631 = tpu.memref_squeeze %scatter3A_630 : memref<1x1x32x128xf32, #tpu.memory_space<vmem>> -> memref<32x128xf32, #tpu.memory_space<vmem>>
            tpu.vector_store_idx %scatter3A_631[%add3A_627, %add3A_207], %gather3A_624 : memref<32x128xf32, #tpu.memory_space<vmem>>[vector<16xi32>, vector<16xi32>], vector<16xf32>,
            %add3A_632 = arith.constant 5 : i32
            %add3A_633 = vector.broadcast %add3A_632 : i32 to vector<16xi32>
            %add3A_634 = arith.addi %iota3A, %add3A_633 : vector<16xi32>
            %and3A_635 = arith.constant 15 : i32
            %and3A_636 = vector.broadcast %and3A_635 : i32 to vector<16xi32>
            %and3A_637 = arith.andi %add3A_634, %and3A_636 : vector<16xi32>
            %add3A_638 = arith.addi %add3A_531, %and3A_637 : vector<16xi32>
            %gather3A_639 = arith.constant 0 : i32
            %gather3A_640 = arith.constant 0 : i32
            %gather3A_641 = arith.constant 0 : i32
            %gather3A_642 = tpu.memref_slice %arg7[%gather3A_639, %gather3A_640, %gather3A_641] : memref<2x128x128xf32, #tpu.memory_space<vmem>> -> memref<1x128x128xf32, #tpu.memory_space<vmem>>
            %gather3A_643 = tpu.memref_squeeze %gather3A_642 : memref<1x128x128xf32, #tpu.memory_space<vmem>> -> memref<128x128xf32, #tpu.memory_space<vmem>>
            %gather3A_644 = tpu.vector_load_idx %gather3A_643[%add3A_207, %add3A_638] : memref<128x128xf32, #tpu.memory_space<vmem>>[vector<16xi32>, vector<16xi32>], vector<16xf32>,
            %add3A_645 = arith.constant 16 : i32
            %add3A_646 = vector.broadcast %add3A_645 : i32 to vector<16xi32>
            %add3A_647 = arith.addi %add3A_646, %and3A_637 : vector<16xi32>
            %scatter3A_648 = arith.constant 0 : i32
            %scatter3A_649 = arith.constant 0 : i32
            %scatter3A_650 = tpu.memref_slice %arg8[%and3A_98, %mul3A_153, %scatter3A_648, %scatter3A_649] : memref<2x10x32x128xf32, #tpu.memory_space<vmem>> -> memref<1x1x32x128xf32, #tpu.memory_space<vmem>>
            %scatter3A_651 = tpu.memref_squeeze %scatter3A_650 : memref<1x1x32x128xf32, #tpu.memory_space<vmem>> -> memref<32x128xf32, #tpu.memory_space<vmem>>
            tpu.vector_store_idx %scatter3A_651[%add3A_647, %add3A_207], %gather3A_644 : memref<32x128xf32, #tpu.memory_space<vmem>>[vector<16xi32>, vector<16xi32>], vector<16xf32>,
            %add3A_652 = arith.constant 6 : i32
            %add3A_653 = vector.broadcast %add3A_652 : i32 to vector<16xi32>
            %add3A_654 = arith.addi %iota3A, %add3A_653 : vector<16xi32>
            %and3A_655 = arith.constant 15 : i32
            %and3A_656 = vector.broadcast %and3A_655 : i32 to vector<16xi32>
            %and3A_657 = arith.andi %add3A_654, %and3A_656 : vector<16xi32>
            %add3A_658 = arith.addi %add3A_531, %and3A_657 : vector<16xi32>
            %gather3A_659 = arith.constant 0 : i32
            %gather3A_660 = arith.constant 0 : i32
            %gather3A_661 = arith.constant 0 : i32
            %gather3A_662 = tpu.memref_slice %arg7[%gather3A_659, %gather3A_660, %gather3A_661] : memref<2x128x128xf32, #tpu.memory_space<vmem>> -> memref<1x128x128xf32, #tpu.memory_space<vmem>>
            %gather3A_663 = tpu.memref_squeeze %gather3A_662 : memref<1x128x128xf32, #tpu.memory_space<vmem>> -> memref<128x128xf32, #tpu.memory_space<vmem>>
            %gather3A_664 = tpu.vector_load_idx %gather3A_663[%add3A_207, %add3A_658] : memref<128x128xf32, #tpu.memory_space<vmem>>[vector<16xi32>, vector<16xi32>], vector<16xf32>,
            %add3A_665 = arith.constant 16 : i32
            %add3A_666 = vector.broadcast %add3A_665 : i32 to vector<16xi32>
            %add3A_667 = arith.addi %add3A_666, %and3A_657 : vector<16xi32>
            %scatter3A_668 = arith.constant 0 : i32
            %scatter3A_669 = arith.constant 0 : i32
            %scatter3A_670 = tpu.memref_slice %arg8[%and3A_98, %mul3A_153, %scatter3A_668, %scatter3A_669] : memref<2x10x32x128xf32, #tpu.memory_space<vmem>> -> memref<1x1x32x128xf32, #tpu.memory_space<vmem>>
            %scatter3A_671 = tpu.memref_squeeze %scatter3A_670 : memref<1x1x32x128xf32, #tpu.memory_space<vmem>> -> memref<32x128xf32, #tpu.memory_space<vmem>>
            tpu.vector_store_idx %scatter3A_671[%add3A_667, %add3A_207], %gather3A_664 : memref<32x128xf32, #tpu.memory_space<vmem>>[vector<16xi32>, vector<16xi32>], vector<16xf32>,
            %add3A_672 = arith.constant 7 : i32
            %add3A_673 = vector.broadcast %add3A_672 : i32 to vector<16xi32>
            %add3A_674 = arith.addi %iota3A, %add3A_673 : vector<16xi32>
            %and3A_675 = arith.constant 15 : i32
            %and3A_676 = vector.broadcast %and3A_675 : i32 to vector<16xi32>
            %and3A_677 = arith.andi %add3A_674, %and3A_676 : vector<16xi32>
            %add3A_678 = arith.addi %add3A_531, %and3A_677 : vector<16xi32>
            %gather3A_679 = arith.constant 0 : i32
            %gather3A_680 = arith.constant 0 : i32
            %gather3A_681 = arith.constant 0 : i32
            %gather3A_682 = tpu.memref_slice %arg7[%gather3A_679, %gather3A_680, %gather3A_681] : memref<2x128x128xf32, #tpu.memory_space<vmem>> -> memref<1x128x128xf32, #tpu.memory_space<vmem>>
            %gather3A_683 = tpu.memref_squeeze %gather3A_682 : memref<1x128x128xf32, #tpu.memory_space<vmem>> -> memref<128x128xf32, #tpu.memory_space<vmem>>
            %gather3A_684 = tpu.vector_load_idx %gather3A_683[%add3A_207, %add3A_678] : memref<128x128xf32, #tpu.memory_space<vmem>>[vector<16xi32>, vector<16xi32>], vector<16xf32>,
            %add3A_685 = arith.constant 16 : i32
            %add3A_686 = vector.broadcast %add3A_685 : i32 to vector<16xi32>
            %add3A_687 = arith.addi %add3A_686, %and3A_677 : vector<16xi32>
            %scatter3A_688 = arith.constant 0 : i32
            %scatter3A_689 = arith.constant 0 : i32
            %scatter3A_690 = tpu.memref_slice %arg8[%and3A_98, %mul3A_153, %scatter3A_688, %scatter3A_689] : memref<2x10x32x128xf32, #tpu.memory_space<vmem>> -> memref<1x1x32x128xf32, #tpu.memory_space<vmem>>
            %scatter3A_691 = tpu.memref_squeeze %scatter3A_690 : memref<1x1x32x128xf32, #tpu.memory_space<vmem>> -> memref<32x128xf32, #tpu.memory_space<vmem>>
            tpu.vector_store_idx %scatter3A_691[%add3A_687, %add3A_207], %gather3A_684 : memref<32x128xf32, #tpu.memory_space<vmem>>[vector<16xi32>, vector<16xi32>], vector<16xf32>,
            %add3A_692 = arith.constant 8 : i32
            %add3A_693 = vector.broadcast %add3A_692 : i32 to vector<16xi32>
            %add3A_694 = arith.addi %iota3A, %add3A_693 : vector<16xi32>
            %and3A_695 = arith.constant 15 : i32
            %and3A_696 = vector.broadcast %and3A_695 : i32 to vector<16xi32>
            %and3A_697 = arith.andi %add3A_694, %and3A_696 : vector<16xi32>
            %add3A_698 = arith.addi %add3A_531, %and3A_697 : vector<16xi32>
            %gather3A_699 = arith.constant 0 : i32
            %gather3A_700 = arith.constant 0 : i32
            %gather3A_701 = arith.constant 0 : i32
            %gather3A_702 = tpu.memref_slice %arg7[%gather3A_699, %gather3A_700, %gather3A_701] : memref<2x128x128xf32, #tpu.memory_space<vmem>> -> memref<1x128x128xf32, #tpu.memory_space<vmem>>
            %gather3A_703 = tpu.memref_squeeze %gather3A_702 : memref<1x128x128xf32, #tpu.memory_space<vmem>> -> memref<128x128xf32, #tpu.memory_space<vmem>>
            %gather3A_704 = tpu.vector_load_idx %gather3A_703[%add3A_207, %add3A_698] : memref<128x128xf32, #tpu.memory_space<vmem>>[vector<16xi32>, vector<16xi32>], vector<16xf32>,
            %add3A_705 = arith.constant 16 : i32
            %add3A_706 = vector.broadcast %add3A_705 : i32 to vector<16xi32>
            %add3A_707 = arith.addi %add3A_706, %and3A_697 : vector<16xi32>
            %scatter3A_708 = arith.constant 0 : i32
            %scatter3A_709 = arith.constant 0 : i32
            %scatter3A_710 = tpu.memref_slice %arg8[%and3A_98, %mul3A_153, %scatter3A_708, %scatter3A_709] : memref<2x10x32x128xf32, #tpu.memory_space<vmem>> -> memref<1x1x32x128xf32, #tpu.memory_space<vmem>>
            %scatter3A_711 = tpu.memref_squeeze %scatter3A_710 : memref<1x1x32x128xf32, #tpu.memory_space<vmem>> -> memref<32x128xf32, #tpu.memory_space<vmem>>
            tpu.vector_store_idx %scatter3A_711[%add3A_707, %add3A_207], %gather3A_704 : memref<32x128xf32, #tpu.memory_space<vmem>>[vector<16xi32>, vector<16xi32>], vector<16xf32>,
            %add3A_712 = arith.constant 9 : i32
            %add3A_713 = vector.broadcast %add3A_712 : i32 to vector<16xi32>
            %add3A_714 = arith.addi %iota3A, %add3A_713 : vector<16xi32>
            %and3A_715 = arith.constant 15 : i32
            %and3A_716 = vector.broadcast %and3A_715 : i32 to vector<16xi32>
            %and3A_717 = arith.andi %add3A_714, %and3A_716 : vector<16xi32>
            %add3A_718 = arith.addi %add3A_531, %and3A_717 : vector<16xi32>
            %gather3A_719 = arith.constant 0 : i32
            %gather3A_720 = arith.constant 0 : i32
            %gather3A_721 = arith.constant 0 : i32
            %gather3A_722 = tpu.memref_slice %arg7[%gather3A_719, %gather3A_720, %gather3A_721] : memref<2x128x128xf32, #tpu.memory_space<vmem>> -> memref<1x128x128xf32, #tpu.memory_space<vmem>>
            %gather3A_723 = tpu.memref_squeeze %gather3A_722 : memref<1x128x128xf32, #tpu.memory_space<vmem>> -> memref<128x128xf32, #tpu.memory_space<vmem>>
            %gather3A_724 = tpu.vector_load_idx %gather3A_723[%add3A_207, %add3A_718] : memref<128x128xf32, #tpu.memory_space<vmem>>[vector<16xi32>, vector<16xi32>], vector<16xf32>,
            %add3A_725 = arith.constant 16 : i32
            %add3A_726 = vector.broadcast %add3A_725 : i32 to vector<16xi32>
            %add3A_727 = arith.addi %add3A_726, %and3A_717 : vector<16xi32>
            %scatter3A_728 = arith.constant 0 : i32
            %scatter3A_729 = arith.constant 0 : i32
            %scatter3A_730 = tpu.memref_slice %arg8[%and3A_98, %mul3A_153, %scatter3A_728, %scatter3A_729] : memref<2x10x32x128xf32, #tpu.memory_space<vmem>> -> memref<1x1x32x128xf32, #tpu.memory_space<vmem>>
            %scatter3A_731 = tpu.memref_squeeze %scatter3A_730 : memref<1x1x32x128xf32, #tpu.memory_space<vmem>> -> memref<32x128xf32, #tpu.memory_space<vmem>>
            tpu.vector_store_idx %scatter3A_731[%add3A_727, %add3A_207], %gather3A_724 : memref<32x128xf32, #tpu.memory_space<vmem>>[vector<16xi32>, vector<16xi32>], vector<16xf32>,
            %add3A_732 = arith.constant 10 : i32
            %add3A_733 = vector.broadcast %add3A_732 : i32 to vector<16xi32>
            %add3A_734 = arith.addi %iota3A, %add3A_733 : vector<16xi32>
            %and3A_735 = arith.constant 15 : i32
            %and3A_736 = vector.broadcast %and3A_735 : i32 to vector<16xi32>
            %and3A_737 = arith.andi %add3A_734, %and3A_736 : vector<16xi32>
            %add3A_738 = arith.addi %add3A_531, %and3A_737 : vector<16xi32>
            %gather3A_739 = arith.constant 0 : i32
            %gather3A_740 = arith.constant 0 : i32
            %gather3A_741 = arith.constant 0 : i32
            %gather3A_742 = tpu.memref_slice %arg7[%gather3A_739, %gather3A_740, %gather3A_741] : memref<2x128x128xf32, #tpu.memory_space<vmem>> -> memref<1x128x128xf32, #tpu.memory_space<vmem>>
            %gather3A_743 = tpu.memref_squeeze %gather3A_742 : memref<1x128x128xf32, #tpu.memory_space<vmem>> -> memref<128x128xf32, #tpu.memory_space<vmem>>
            %gather3A_744 = tpu.vector_load_idx %gather3A_743[%add3A_207, %add3A_738] : memref<128x128xf32, #tpu.memory_space<vmem>>[vector<16xi32>, vector<16xi32>], vector<16xf32>,
            %add3A_745 = arith.constant 16 : i32
            %add3A_746 = vector.broadcast %add3A_745 : i32 to vector<16xi32>
            %add3A_747 = arith.addi %add3A_746, %and3A_737 : vector<16xi32>
            %scatter3A_748 = arith.constant 0 : i32
            %scatter3A_749 = arith.constant 0 : i32
            %scatter3A_750 = tpu.memref_slice %arg8[%and3A_98, %mul3A_153, %scatter3A_748, %scatter3A_749] : memref<2x10x32x128xf32, #tpu.memory_space<vmem>> -> memref<1x1x32x128xf32, #tpu.memory_space<vmem>>
            %scatter3A_751 = tpu.memref_squeeze %scatter3A_750 : memref<1x1x32x128xf32, #tpu.memory_space<vmem>> -> memref<32x128xf32, #tpu.memory_space<vmem>>
            tpu.vector_store_idx %scatter3A_751[%add3A_747, %add3A_207], %gather3A_744 : memref<32x128xf32, #tpu.memory_space<vmem>>[vector<16xi32>, vector<16xi32>], vector<16xf32>,
            %add3A_752 = arith.constant 11 : i32
            %add3A_753 = vector.broadcast %add3A_752 : i32 to vector<16xi32>
            %add3A_754 = arith.addi %iota3A, %add3A_753 : vector<16xi32>
            %and3A_755 = arith.constant 15 : i32
            %and3A_756 = vector.broadcast %and3A_755 : i32 to vector<16xi32>
            %and3A_757 = arith.andi %add3A_754, %and3A_756 : vector<16xi32>
            %add3A_758 = arith.addi %add3A_531, %and3A_757 : vector<16xi32>
            %gather3A_759 = arith.constant 0 : i32
            %gather3A_760 = arith.constant 0 : i32
            %gather3A_761 = arith.constant 0 : i32
            %gather3A_762 = tpu.memref_slice %arg7[%gather3A_759, %gather3A_760, %gather3A_761] : memref<2x128x128xf32, #tpu.memory_space<vmem>> -> memref<1x128x128xf32, #tpu.memory_space<vmem>>
            %gather3A_763 = tpu.memref_squeeze %gather3A_762 : memref<1x128x128xf32, #tpu.memory_space<vmem>> -> memref<128x128xf32, #tpu.memory_space<vmem>>
            %gather3A_764 = tpu.vector_load_idx %gather3A_763[%add3A_207, %add3A_758] : memref<128x128xf32, #tpu.memory_space<vmem>>[vector<16xi32>, vector<16xi32>], vector<16xf32>,
            %add3A_765 = arith.constant 16 : i32
            %add3A_766 = vector.broadcast %add3A_765 : i32 to vector<16xi32>
            %add3A_767 = arith.addi %add3A_766, %and3A_757 : vector<16xi32>
            %scatter3A_768 = arith.constant 0 : i32
            %scatter3A_769 = arith.constant 0 : i32
            %scatter3A_770 = tpu.memref_slice %arg8[%and3A_98, %mul3A_153, %scatter3A_768, %scatter3A_769] : memref<2x10x32x128xf32, #tpu.memory_space<vmem>> -> memref<1x1x32x128xf32, #tpu.memory_space<vmem>>
            %scatter3A_771 = tpu.memref_squeeze %scatter3A_770 : memref<1x1x32x128xf32, #tpu.memory_space<vmem>> -> memref<32x128xf32, #tpu.memory_space<vmem>>
            tpu.vector_store_idx %scatter3A_771[%add3A_767, %add3A_207], %gather3A_764 : memref<32x128xf32, #tpu.memory_space<vmem>>[vector<16xi32>, vector<16xi32>], vector<16xf32>,
            %add3A_772 = arith.constant 12 : i32
            %add3A_773 = vector.broadcast %add3A_772 : i32 to vector<16xi32>
            %add3A_774 = arith.addi %iota3A, %add3A_773 : vector<16xi32>
            %and3A_775 = arith.constant 15 : i32
            %and3A_776 = vector.broadcast %and3A_775 : i32 to vector<16xi32>
            %and3A_777 = arith.andi %add3A_774, %and3A_776 : vector<16xi32>
            %add3A_778 = arith.addi %add3A_531, %and3A_777 : vector<16xi32>
            %gather3A_779 = arith.constant 0 : i32
            %gather3A_780 = arith.constant 0 : i32
            %gather3A_781 = arith.constant 0 : i32
            %gather3A_782 = tpu.memref_slice %arg7[%gather3A_779, %gather3A_780, %gather3A_781] : memref<2x128x128xf32, #tpu.memory_space<vmem>> -> memref<1x128x128xf32, #tpu.memory_space<vmem>>
            %gather3A_783 = tpu.memref_squeeze %gather3A_782 : memref<1x128x128xf32, #tpu.memory_space<vmem>> -> memref<128x128xf32, #tpu.memory_space<vmem>>
            %gather3A_784 = tpu.vector_load_idx %gather3A_783[%add3A_207, %add3A_778] : memref<128x128xf32, #tpu.memory_space<vmem>>[vector<16xi32>, vector<16xi32>], vector<16xf32>,
            %add3A_785 = arith.constant 16 : i32
            %add3A_786 = vector.broadcast %add3A_785 : i32 to vector<16xi32>
            %add3A_787 = arith.addi %add3A_786, %and3A_777 : vector<16xi32>
            %scatter3A_788 = arith.constant 0 : i32
            %scatter3A_789 = arith.constant 0 : i32
            %scatter3A_790 = tpu.memref_slice %arg8[%and3A_98, %mul3A_153, %scatter3A_788, %scatter3A_789] : memref<2x10x32x128xf32, #tpu.memory_space<vmem>> -> memref<1x1x32x128xf32, #tpu.memory_space<vmem>>
            %scatter3A_791 = tpu.memref_squeeze %scatter3A_790 : memref<1x1x32x128xf32, #tpu.memory_space<vmem>> -> memref<32x128xf32, #tpu.memory_space<vmem>>
            tpu.vector_store_idx %scatter3A_791[%add3A_787, %add3A_207], %gather3A_784 : memref<32x128xf32, #tpu.memory_space<vmem>>[vector<16xi32>, vector<16xi32>], vector<16xf32>,
            %add3A_792 = arith.constant 13 : i32
            %add3A_793 = vector.broadcast %add3A_792 : i32 to vector<16xi32>
            %add3A_794 = arith.addi %iota3A, %add3A_793 : vector<16xi32>
            %and3A_795 = arith.constant 15 : i32
            %and3A_796 = vector.broadcast %and3A_795 : i32 to vector<16xi32>
            %and3A_797 = arith.andi %add3A_794, %and3A_796 : vector<16xi32>
            %add3A_798 = arith.addi %add3A_531, %and3A_797 : vector<16xi32>
            %gather3A_799 = arith.constant 0 : i32
            %gather3A_800 = arith.constant 0 : i32
            %gather3A_801 = arith.constant 0 : i32
            %gather3A_802 = tpu.memref_slice %arg7[%gather3A_799, %gather3A_800, %gather3A_801] : memref<2x128x128xf32, #tpu.memory_space<vmem>> -> memref<1x128x128xf32, #tpu.memory_space<vmem>>
            %gather3A_803 = tpu.memref_squeeze %gather3A_802 : memref<1x128x128xf32, #tpu.memory_space<vmem>> -> memref<128x128xf32, #tpu.memory_space<vmem>>
            %gather3A_804 = tpu.vector_load_idx %gather3A_803[%add3A_207, %add3A_798] : memref<128x128xf32, #tpu.memory_space<vmem>>[vector<16xi32>, vector<16xi32>], vector<16xf32>,
            %add3A_805 = arith.constant 16 : i32
            %add3A_806 = vector.broadcast %add3A_805 : i32 to vector<16xi32>
            %add3A_807 = arith.addi %add3A_806, %and3A_797 : vector<16xi32>
            %scatter3A_808 = arith.constant 0 : i32
            %scatter3A_809 = arith.constant 0 : i32
            %scatter3A_810 = tpu.memref_slice %arg8[%and3A_98, %mul3A_153, %scatter3A_808, %scatter3A_809] : memref<2x10x32x128xf32, #tpu.memory_space<vmem>> -> memref<1x1x32x128xf32, #tpu.memory_space<vmem>>
            %scatter3A_811 = tpu.memref_squeeze %scatter3A_810 : memref<1x1x32x128xf32, #tpu.memory_space<vmem>> -> memref<32x128xf32, #tpu.memory_space<vmem>>
            tpu.vector_store_idx %scatter3A_811[%add3A_807, %add3A_207], %gather3A_804 : memref<32x128xf32, #tpu.memory_space<vmem>>[vector<16xi32>, vector<16xi32>], vector<16xf32>,
            %add3A_812 = arith.constant 14 : i32
            %add3A_813 = vector.broadcast %add3A_812 : i32 to vector<16xi32>
            %add3A_814 = arith.addi %iota3A, %add3A_813 : vector<16xi32>
            %and3A_815 = arith.constant 15 : i32
            %and3A_816 = vector.broadcast %and3A_815 : i32 to vector<16xi32>
            %and3A_817 = arith.andi %add3A_814, %and3A_816 : vector<16xi32>
            %add3A_818 = arith.addi %add3A_531, %and3A_817 : vector<16xi32>
            %gather3A_819 = arith.constant 0 : i32
            %gather3A_820 = arith.constant 0 : i32
            %gather3A_821 = arith.constant 0 : i32
            %gather3A_822 = tpu.memref_slice %arg7[%gather3A_819, %gather3A_820, %gather3A_821] : memref<2x128x128xf32, #tpu.memory_space<vmem>> -> memref<1x128x128xf32, #tpu.memory_space<vmem>>
            %gather3A_823 = tpu.memref_squeeze %gather3A_822 : memref<1x128x128xf32, #tpu.memory_space<vmem>> -> memref<128x128xf32, #tpu.memory_space<vmem>>
            %gather3A_824 = tpu.vector_load_idx %gather3A_823[%add3A_207, %add3A_818] : memref<128x128xf32, #tpu.memory_space<vmem>>[vector<16xi32>, vector<16xi32>], vector<16xf32>,
            %add3A_825 = arith.constant 16 : i32
            %add3A_826 = vector.broadcast %add3A_825 : i32 to vector<16xi32>
            %add3A_827 = arith.addi %add3A_826, %and3A_817 : vector<16xi32>
            %scatter3A_828 = arith.constant 0 : i32
            %scatter3A_829 = arith.constant 0 : i32
            %scatter3A_830 = tpu.memref_slice %arg8[%and3A_98, %mul3A_153, %scatter3A_828, %scatter3A_829] : memref<2x10x32x128xf32, #tpu.memory_space<vmem>> -> memref<1x1x32x128xf32, #tpu.memory_space<vmem>>
            %scatter3A_831 = tpu.memref_squeeze %scatter3A_830 : memref<1x1x32x128xf32, #tpu.memory_space<vmem>> -> memref<32x128xf32, #tpu.memory_space<vmem>>
            tpu.vector_store_idx %scatter3A_831[%add3A_827, %add3A_207], %gather3A_824 : memref<32x128xf32, #tpu.memory_space<vmem>>[vector<16xi32>, vector<16xi32>], vector<16xf32>,
            %add3A_832 = arith.constant 15 : i32
            %add3A_833 = vector.broadcast %add3A_832 : i32 to vector<16xi32>
            %add3A_834 = arith.addi %iota3A, %add3A_833 : vector<16xi32>
            %and3A_835 = arith.constant 15 : i32
            %and3A_836 = vector.broadcast %and3A_835 : i32 to vector<16xi32>
            %and3A_837 = arith.andi %add3A_834, %and3A_836 : vector<16xi32>
            %add3A_838 = arith.addi %add3A_531, %and3A_837 : vector<16xi32>
            %gather3A_839 = arith.constant 0 : i32
            %gather3A_840 = arith.constant 0 : i32
            %gather3A_841 = arith.constant 0 : i32
            %gather3A_842 = tpu.memref_slice %arg7[%gather3A_839, %gather3A_840, %gather3A_841] : memref<2x128x128xf32, #tpu.memory_space<vmem>> -> memref<1x128x128xf32, #tpu.memory_space<vmem>>
            %gather3A_843 = tpu.memref_squeeze %gather3A_842 : memref<1x128x128xf32, #tpu.memory_space<vmem>> -> memref<128x128xf32, #tpu.memory_space<vmem>>
            %gather3A_844 = tpu.vector_load_idx %gather3A_843[%add3A_207, %add3A_838] : memref<128x128xf32, #tpu.memory_space<vmem>>[vector<16xi32>, vector<16xi32>], vector<16xf32>,
            %add3A_845 = arith.constant 16 : i32
            %add3A_846 = vector.broadcast %add3A_845 : i32 to vector<16xi32>
            %add3A_847 = arith.addi %add3A_846, %and3A_837 : vector<16xi32>
            %scatter3A_848 = arith.constant 0 : i32
            %scatter3A_849 = arith.constant 0 : i32
            %scatter3A_850 = tpu.memref_slice %arg8[%and3A_98, %mul3A_153, %scatter3A_848, %scatter3A_849] : memref<2x10x32x128xf32, #tpu.memory_space<vmem>> -> memref<1x1x32x128xf32, #tpu.memory_space<vmem>>
            %scatter3A_851 = tpu.memref_squeeze %scatter3A_850 : memref<1x1x32x128xf32, #tpu.memory_space<vmem>> -> memref<32x128xf32, #tpu.memory_space<vmem>>
            tpu.vector_store_idx %scatter3A_851[%add3A_847, %add3A_207], %gather3A_844 : memref<32x128xf32, #tpu.memory_space<vmem>>[vector<16xi32>, vector<16xi32>], vector<16xf32>,
            %scan3A_852 = arith.constant 0 : i32
            scf.yield %scan3A_852 : i32
          }
          %scan3A_160 = arith.constant 8 : i32
          %add3A_161 = arith.constant 1 : i32
          %add3A_162 = arith.addi %add3A_131, %add3A_161 : i32
          %dma_wait3A_163 = arith.constant 1 : i32
          %dma_wait3A_164 = arith.constant 1 : i32
          %dma_wait3A_165 = arith.constant 0 : i32
          %dma_wait3A_166 = arith.constant 0 : i32
          %dma_wait3A_167 = tpu.memref_slice %arg7[%dma_wait3A_163, %dma_wait3A_165, %dma_wait3A_166] : memref<2x128x128xf32, #tpu.memory_space<vmem>> -> memref<1x128x128xf32, #tpu.memory_space<vmem>>
          %dma_wait3A_168 = tpu.memref_squeeze %dma_wait3A_167 : memref<1x128x128xf32, #tpu.memory_space<vmem>> -> memref<128x128xf32, #tpu.memory_space<vmem>>
          %dma_wait3A_169 = arith.constant 0 : i32
          %dma_wait3A_170 = tpu.memref_slice %arg6[%add3A_162, %dma_wait3A_169] : memref<50x128xi32, #tpu.memory_space<vmem>> -> memref<1x128xi32, #tpu.memory_space<vmem>>
          %dma_wait3A_171 = tpu.memref_squeeze %dma_wait3A_170 : memref<1x128xi32, #tpu.memory_space<vmem>> -> memref<128xi32, #tpu.memory_space<vmem>>
          %dma_wait3A_172 = arith.constant 0 : i32
          %dma_wait3A_173 = arith.constant 0 : i32
          %dma_wait3A_174 = tpu.memref_slice %arg2[%dma_wait3A_172, %dma_wait3A_173] : memref<250000x128xf32, #tpu.memory_space<hbm>> -> memref<250000x128xf32, #tpu.memory_space<hbm>>
          %dma_wait3A_175 = tpu.memref_slice %arg9[%dma_wait3A_164] : memref<2x!tpu.dma_semaphore, #tpu.memory_space<semaphore_mem>> -> memref<1x!tpu.dma_semaphore, #tpu.memory_space<semaphore_mem>>
          %dma_wait3A_176 = tpu.memref_squeeze %dma_wait3A_175 : memref<1x!tpu.dma_semaphore, #tpu.memory_space<semaphore_mem>> -> memref<!tpu.dma_semaphore, #tpu.memory_space<semaphore_mem>>
          tpu.wait_indirect_dma semaphore(%dma_wait3A_176 : memref<!tpu.dma_semaphore, #tpu.memory_space<semaphore_mem>>) src(%dma_wait3A_174 : memref<250000x128xf32, #tpu.memory_space<hbm>>) dst(%dma_wait3A_168 : memref<128x128xf32, #tpu.memory_space<vmem>>)
          %add3A_177 = arith.constant 2 : i32
          %add3A_178 = arith.addi %add3A_131, %add3A_177 : i32
          %lt3A_179 = arith.constant 50 : i32
          %lt3A_180 = arith.cmpi slt, %add3A_178, %lt3A_179 : i32
          %convert_element_type3A_181 = arith.extui %lt3A_180 : i1 to i32
          %cond3A_182 = arith.constant 0 : i32
          %cond3A_183 = arith.cmpi ne, %convert_element_type3A_181, %cond3A_182 : i32
          scf.if %cond3A_183 {
            %add3A_198 = arith.constant 2 : i32
            %add3A_199 = arith.addi %add3A_131, %add3A_198 : i32
            %dma_start3A_200 = arith.constant 0 : i32
            %dma_start3A_201 = arith.constant 0 : i32
            %dma_start3A_202 = arith.constant 0 : i32
            %dma_start3A_203 = arith.constant 0 : i32
            %dma_start3A_204 = tpu.memref_slice %arg7[%dma_start3A_200, %dma_start3A_202, %dma_start3A_203] : memref<2x128x128xf32, #tpu.memory_space<vmem>> -> memref<1x128x128xf32, #tpu.memory_space<vmem>>
            %dma_start3A_205 = tpu.memref_squeeze %dma_start3A_204 : memref<1x128x128xf32, #tpu.memory_space<vmem>> -> memref<128x128xf32, #tpu.memory_space<vmem>>
            %dma_start3A_206 = arith.constant 0 : i32
            %dma_start3A_207 = tpu.memref_slice %arg6[%add3A_199, %dma_start3A_206] : memref<50x128xi32, #tpu.memory_space<vmem>> -> memref<1x128xi32, #tpu.memory_space<vmem>>
            %dma_start3A_208 = tpu.memref_squeeze %dma_start3A_207 : memref<1x128xi32, #tpu.memory_space<vmem>> -> memref<128xi32, #tpu.memory_space<vmem>>
            %dma_start3A_209 = arith.constant 0 : i32
            %dma_start3A_210 = arith.constant 0 : i32
            %dma_start3A_211 = tpu.memref_slice %arg2[%dma_start3A_209, %dma_start3A_210] : memref<250000x128xf32, #tpu.memory_space<hbm>> -> memref<250000x128xf32, #tpu.memory_space<hbm>>
            %dma_start3A_212 = tpu.memref_slice %arg9[%dma_start3A_201] : memref<2x!tpu.dma_semaphore, #tpu.memory_space<semaphore_mem>> -> memref<1x!tpu.dma_semaphore, #tpu.memory_space<semaphore_mem>>
            %dma_start3A_213 = tpu.memref_squeeze %dma_start3A_212 : memref<1x!tpu.dma_semaphore, #tpu.memory_space<semaphore_mem>> -> memref<!tpu.dma_semaphore, #tpu.memory_space<semaphore_mem>>
            tpu.enqueue_indirect_dma source(%dma_start3A_211 : memref<250000x128xf32, #tpu.memory_space<hbm>>) target(%dma_start3A_205 : memref<128x128xf32, #tpu.memory_space<vmem>>) offsets(%dma_start3A_208 : memref<128xi32, #tpu.memory_space<vmem>>) semaphore(%dma_start3A_213 : memref<!tpu.dma_semaphore, #tpu.memory_space<semaphore_mem>>)
          } else {
          }
          %mul3A_184 = arith.constant 2 : i32
          %mul3A_185 = arith.muli %scan3A_127, %mul3A_184 : i32
          %add3A_186 = arith.constant 1 : i32
          %add3A_187 = arith.addi %mul3A_185, %add3A_186 : i32
          %add3A_188 = arith.constant 1 : i32
          %add3A_189 = arith.addi %add3A_131, %add3A_188 : i32
          %scan3A_190 = arith.constant 0 : i32
          %scan3A_191 = arith.constant 0 : i32
          %scan3A_192 = arith.constant 8 : i32
          %scan3A_193 = arith.addi %scan3A_191, %scan3A_192 : i32
          %scan3A_194 = arith.constant 1 : i32
          %scan3A_195 = scf.for %scan3A_198 = %scan3A_191 to %scan3A_193 step %scan3A_194 iter_args(%scan3A_199 = %scan3A_190) -> (i32)  : i32 {
            %mul3A_200 = arith.constant 16 : i32
            %mul3A_201 = arith.muli %scan3A_198, %mul3A_200 : i32
            %get3A = arith.index_cast %add3A_189 : i32 to index
            %get3A_202 = arith.index_cast %mul3A_201 : i32 to index
            %get3A_203 = tpu.vector_load %arg5[%get3A, %get3A_202] {strides = array<i32>} : memref<50x128xi32, #tpu.memory_space<vmem>>, vector<16xi32>,
            %mul3A_204 = arith.constant 16 : i32
            %mul3A_205 = arith.muli %scan3A_198, %mul3A_204 : i32
            %add3A_206 = vector.broadcast %mul3A_205 : i32 to vector<16xi32>
            %add3A_207 = arith.addi %add3A_206, %iota3A : vector<16xi32>
            %add3A_208 = arith.constant 0 : i32
            %add3A_209 = vector.broadcast %add3A_208 : i32 to vector<16xi32>
            %add3A_210 = arith.addi %get3A_203, %add3A_209 : vector<16xi32>
            %add3A_211 = arith.constant 0 : i32
            %add3A_212 = vector.broadcast %add3A_211 : i32 to vector<16xi32>
            %add3A_213 = arith.addi %iota3A, %add3A_212 : vector<16xi32>
            %and3A_214 = arith.constant 15 : i32
            %and3A_215 = vector.broadcast %and3A_214 : i32 to vector<16xi32>
            %and3A_216 = arith.andi %add3A_213, %and3A_215 : vector<16xi32>
            %add3A_217 = arith.addi %add3A_210, %and3A_216 : vector<16xi32>
            %gather3A = arith.constant 1 : i32
            %gather3A_218 = arith.constant 0 : i32
            %gather3A_219 = arith.constant 0 : i32
            %gather3A_220 = tpu.memref_slice %arg7[%gather3A, %gather3A_218, %gather3A_219] : memref<2x128x128xf32, #tpu.memory_space<vmem>> -> memref<1x128x128xf32, #tpu.memory_space<vmem>>
            %gather3A_221 = tpu.memref_squeeze %gather3A_220 : memref<1x128x128xf32, #tpu.memory_space<vmem>> -> memref<128x128xf32, #tpu.memory_space<vmem>>
            %gather3A_222 = tpu.vector_load_idx %gather3A_221[%add3A_207, %add3A_217] : memref<128x128xf32, #tpu.memory_space<vmem>>[vector<16xi32>, vector<16xi32>], vector<16xf32>,
            %add3A_223 = arith.constant 0 : i32
            %add3A_224 = vector.broadcast %add3A_223 : i32 to vector<16xi32>
            %add3A_225 = arith.addi %add3A_224, %and3A_216 : vector<16xi32>
            %scatter3A = arith.constant 0 : i32
            %scatter3A_226 = arith.constant 0 : i32
            %scatter3A_227 = tpu.memref_slice %arg8[%and3A_98, %add3A_187, %scatter3A, %scatter3A_226] : memref<2x10x32x128xf32, #tpu.memory_space<vmem>> -> memref<1x1x32x128xf32, #tpu.memory_space<vmem>>
            %scatter3A_228 = tpu.memref_squeeze %scatter3A_227 : memref<1x1x32x128xf32, #tpu.memory_space<vmem>> -> memref<32x128xf32, #tpu.memory_space<vmem>>
            tpu.vector_store_idx %scatter3A_228[%add3A_225, %add3A_207], %gather3A_222 : memref<32x128xf32, #tpu.memory_space<vmem>>[vector<16xi32>, vector<16xi32>], vector<16xf32>,
            %add3A_229 = arith.constant 1 : i32
            %add3A_230 = vector.broadcast %add3A_229 : i32 to vector<16xi32>
            %add3A_231 = arith.addi %iota3A, %add3A_230 : vector<16xi32>
            %and3A_232 = arith.constant 15 : i32
            %and3A_233 = vector.broadcast %and3A_232 : i32 to vector<16xi32>
            %and3A_234 = arith.andi %add3A_231, %and3A_233 : vector<16xi32>
            %add3A_235 = arith.addi %add3A_210, %and3A_234 : vector<16xi32>
            %gather3A_236 = arith.constant 1 : i32
            %gather3A_237 = arith.constant 0 : i32
            %gather3A_238 = arith.constant 0 : i32
            %gather3A_239 = tpu.memref_slice %arg7[%gather3A_236, %gather3A_237, %gather3A_238] : memref<2x128x128xf32, #tpu.memory_space<vmem>> -> memref<1x128x128xf32, #tpu.memory_space<vmem>>
            %gather3A_240 = tpu.memref_squeeze %gather3A_239 : memref<1x128x128xf32, #tpu.memory_space<vmem>> -> memref<128x128xf32, #tpu.memory_space<vmem>>
            %gather3A_241 = tpu.vector_load_idx %gather3A_240[%add3A_207, %add3A_235] : memref<128x128xf32, #tpu.memory_space<vmem>>[vector<16xi32>, vector<16xi32>], vector<16xf32>,
            %add3A_242 = arith.constant 0 : i32
            %add3A_243 = vector.broadcast %add3A_242 : i32 to vector<16xi32>
            %add3A_244 = arith.addi %add3A_243, %and3A_234 : vector<16xi32>
            %scatter3A_245 = arith.constant 0 : i32
            %scatter3A_246 = arith.constant 0 : i32
            %scatter3A_247 = tpu.memref_slice %arg8[%and3A_98, %add3A_187, %scatter3A_245, %scatter3A_246] : memref<2x10x32x128xf32, #tpu.memory_space<vmem>> -> memref<1x1x32x128xf32, #tpu.memory_space<vmem>>
            %scatter3A_248 = tpu.memref_squeeze %scatter3A_247 : memref<1x1x32x128xf32, #tpu.memory_space<vmem>> -> memref<32x128xf32, #tpu.memory_space<vmem>>
            tpu.vector_store_idx %scatter3A_248[%add3A_244, %add3A_207], %gather3A_241 : memref<32x128xf32, #tpu.memory_space<vmem>>[vector<16xi32>, vector<16xi32>], vector<16xf32>,
            %add3A_249 = arith.constant 2 : i32
            %add3A_250 = vector.broadcast %add3A_249 : i32 to vector<16xi32>
            %add3A_251 = arith.addi %iota3A, %add3A_250 : vector<16xi32>
            %and3A_252 = arith.constant 15 : i32
            %and3A_253 = vector.broadcast %and3A_252 : i32 to vector<16xi32>
            %and3A_254 = arith.andi %add3A_251, %and3A_253 : vector<16xi32>
            %add3A_255 = arith.addi %add3A_210, %and3A_254 : vector<16xi32>
            %gather3A_256 = arith.constant 1 : i32
            %gather3A_257 = arith.constant 0 : i32
            %gather3A_258 = arith.constant 0 : i32
            %gather3A_259 = tpu.memref_slice %arg7[%gather3A_256, %gather3A_257, %gather3A_258] : memref<2x128x128xf32, #tpu.memory_space<vmem>> -> memref<1x128x128xf32, #tpu.memory_space<vmem>>
            %gather3A_260 = tpu.memref_squeeze %gather3A_259 : memref<1x128x128xf32, #tpu.memory_space<vmem>> -> memref<128x128xf32, #tpu.memory_space<vmem>>
            %gather3A_261 = tpu.vector_load_idx %gather3A_260[%add3A_207, %add3A_255] : memref<128x128xf32, #tpu.memory_space<vmem>>[vector<16xi32>, vector<16xi32>], vector<16xf32>,
            %add3A_262 = arith.constant 0 : i32
            %add3A_263 = vector.broadcast %add3A_262 : i32 to vector<16xi32>
            %add3A_264 = arith.addi %add3A_263, %and3A_254 : vector<16xi32>
            %scatter3A_265 = arith.constant 0 : i32
            %scatter3A_266 = arith.constant 0 : i32
            %scatter3A_267 = tpu.memref_slice %arg8[%and3A_98, %add3A_187, %scatter3A_265, %scatter3A_266] : memref<2x10x32x128xf32, #tpu.memory_space<vmem>> -> memref<1x1x32x128xf32, #tpu.memory_space<vmem>>
            %scatter3A_268 = tpu.memref_squeeze %scatter3A_267 : memref<1x1x32x128xf32, #tpu.memory_space<vmem>> -> memref<32x128xf32, #tpu.memory_space<vmem>>
            tpu.vector_store_idx %scatter3A_268[%add3A_264, %add3A_207], %gather3A_261 : memref<32x128xf32, #tpu.memory_space<vmem>>[vector<16xi32>, vector<16xi32>], vector<16xf32>,
            %add3A_269 = arith.constant 3 : i32
            %add3A_270 = vector.broadcast %add3A_269 : i32 to vector<16xi32>
            %add3A_271 = arith.addi %iota3A, %add3A_270 : vector<16xi32>
            %and3A_272 = arith.constant 15 : i32
            %and3A_273 = vector.broadcast %and3A_272 : i32 to vector<16xi32>
            %and3A_274 = arith.andi %add3A_271, %and3A_273 : vector<16xi32>
            %add3A_275 = arith.addi %add3A_210, %and3A_274 : vector<16xi32>
            %gather3A_276 = arith.constant 1 : i32
            %gather3A_277 = arith.constant 0 : i32
            %gather3A_278 = arith.constant 0 : i32
            %gather3A_279 = tpu.memref_slice %arg7[%gather3A_276, %gather3A_277, %gather3A_278] : memref<2x128x128xf32, #tpu.memory_space<vmem>> -> memref<1x128x128xf32, #tpu.memory_space<vmem>>
            %gather3A_280 = tpu.memref_squeeze %gather3A_279 : memref<1x128x128xf32, #tpu.memory_space<vmem>> -> memref<128x128xf32, #tpu.memory_space<vmem>>
            %gather3A_281 = tpu.vector_load_idx %gather3A_280[%add3A_207, %add3A_275] : memref<128x128xf32, #tpu.memory_space<vmem>>[vector<16xi32>, vector<16xi32>], vector<16xf32>,
            %add3A_282 = arith.constant 0 : i32
            %add3A_283 = vector.broadcast %add3A_282 : i32 to vector<16xi32>
            %add3A_284 = arith.addi %add3A_283, %and3A_274 : vector<16xi32>
            %scatter3A_285 = arith.constant 0 : i32
            %scatter3A_286 = arith.constant 0 : i32
            %scatter3A_287 = tpu.memref_slice %arg8[%and3A_98, %add3A_187, %scatter3A_285, %scatter3A_286] : memref<2x10x32x128xf32, #tpu.memory_space<vmem>> -> memref<1x1x32x128xf32, #tpu.memory_space<vmem>>
            %scatter3A_288 = tpu.memref_squeeze %scatter3A_287 : memref<1x1x32x128xf32, #tpu.memory_space<vmem>> -> memref<32x128xf32, #tpu.memory_space<vmem>>
            tpu.vector_store_idx %scatter3A_288[%add3A_284, %add3A_207], %gather3A_281 : memref<32x128xf32, #tpu.memory_space<vmem>>[vector<16xi32>, vector<16xi32>], vector<16xf32>,
            %add3A_289 = arith.constant 4 : i32
            %add3A_290 = vector.broadcast %add3A_289 : i32 to vector<16xi32>
            %add3A_291 = arith.addi %iota3A, %add3A_290 : vector<16xi32>
            %and3A_292 = arith.constant 15 : i32
            %and3A_293 = vector.broadcast %and3A_292 : i32 to vector<16xi32>
            %and3A_294 = arith.andi %add3A_291, %and3A_293 : vector<16xi32>
            %add3A_295 = arith.addi %add3A_210, %and3A_294 : vector<16xi32>
            %gather3A_296 = arith.constant 1 : i32
            %gather3A_297 = arith.constant 0 : i32
            %gather3A_298 = arith.constant 0 : i32
            %gather3A_299 = tpu.memref_slice %arg7[%gather3A_296, %gather3A_297, %gather3A_298] : memref<2x128x128xf32, #tpu.memory_space<vmem>> -> memref<1x128x128xf32, #tpu.memory_space<vmem>>
            %gather3A_300 = tpu.memref_squeeze %gather3A_299 : memref<1x128x128xf32, #tpu.memory_space<vmem>> -> memref<128x128xf32, #tpu.memory_space<vmem>>
            %gather3A_301 = tpu.vector_load_idx %gather3A_300[%add3A_207, %add3A_295] : memref<128x128xf32, #tpu.memory_space<vmem>>[vector<16xi32>, vector<16xi32>], vector<16xf32>,
            %add3A_302 = arith.constant 0 : i32
            %add3A_303 = vector.broadcast %add3A_302 : i32 to vector<16xi32>
            %add3A_304 = arith.addi %add3A_303, %and3A_294 : vector<16xi32>
            %scatter3A_305 = arith.constant 0 : i32
            %scatter3A_306 = arith.constant 0 : i32
            %scatter3A_307 = tpu.memref_slice %arg8[%and3A_98, %add3A_187, %scatter3A_305, %scatter3A_306] : memref<2x10x32x128xf32, #tpu.memory_space<vmem>> -> memref<1x1x32x128xf32, #tpu.memory_space<vmem>>
            %scatter3A_308 = tpu.memref_squeeze %scatter3A_307 : memref<1x1x32x128xf32, #tpu.memory_space<vmem>> -> memref<32x128xf32, #tpu.memory_space<vmem>>
            tpu.vector_store_idx %scatter3A_308[%add3A_304, %add3A_207], %gather3A_301 : memref<32x128xf32, #tpu.memory_space<vmem>>[vector<16xi32>, vector<16xi32>], vector<16xf32>,
            %add3A_309 = arith.constant 5 : i32
            %add3A_310 = vector.broadcast %add3A_309 : i32 to vector<16xi32>
            %add3A_311 = arith.addi %iota3A, %add3A_310 : vector<16xi32>
            %and3A_312 = arith.constant 15 : i32
            %and3A_313 = vector.broadcast %and3A_312 : i32 to vector<16xi32>
            %and3A_314 = arith.andi %add3A_311, %and3A_313 : vector<16xi32>
            %add3A_315 = arith.addi %add3A_210, %and3A_314 : vector<16xi32>
            %gather3A_316 = arith.constant 1 : i32
            %gather3A_317 = arith.constant 0 : i32
            %gather3A_318 = arith.constant 0 : i32
            %gather3A_319 = tpu.memref_slice %arg7[%gather3A_316, %gather3A_317, %gather3A_318] : memref<2x128x128xf32, #tpu.memory_space<vmem>> -> memref<1x128x128xf32, #tpu.memory_space<vmem>>
            %gather3A_320 = tpu.memref_squeeze %gather3A_319 : memref<1x128x128xf32, #tpu.memory_space<vmem>> -> memref<128x128xf32, #tpu.memory_space<vmem>>
            %gather3A_321 = tpu.vector_load_idx %gather3A_320[%add3A_207, %add3A_315] : memref<128x128xf32, #tpu.memory_space<vmem>>[vector<16xi32>, vector<16xi32>], vector<16xf32>,
            %add3A_322 = arith.constant 0 : i32
            %add3A_323 = vector.broadcast %add3A_322 : i32 to vector<16xi32>
            %add3A_324 = arith.addi %add3A_323, %and3A_314 : vector<16xi32>
            %scatter3A_325 = arith.constant 0 : i32
            %scatter3A_326 = arith.constant 0 : i32
            %scatter3A_327 = tpu.memref_slice %arg8[%and3A_98, %add3A_187, %scatter3A_325, %scatter3A_326] : memref<2x10x32x128xf32, #tpu.memory_space<vmem>> -> memref<1x1x32x128xf32, #tpu.memory_space<vmem>>
            %scatter3A_328 = tpu.memref_squeeze %scatter3A_327 : memref<1x1x32x128xf32, #tpu.memory_space<vmem>> -> memref<32x128xf32, #tpu.memory_space<vmem>>
            tpu.vector_store_idx %scatter3A_328[%add3A_324, %add3A_207], %gather3A_321 : memref<32x128xf32, #tpu.memory_space<vmem>>[vector<16xi32>, vector<16xi32>], vector<16xf32>,
            %add3A_329 = arith.constant 6 : i32
            %add3A_330 = vector.broadcast %add3A_329 : i32 to vector<16xi32>
            %add3A_331 = arith.addi %iota3A, %add3A_330 : vector<16xi32>
            %and3A_332 = arith.constant 15 : i32
            %and3A_333 = vector.broadcast %and3A_332 : i32 to vector<16xi32>
            %and3A_334 = arith.andi %add3A_331, %and3A_333 : vector<16xi32>
            %add3A_335 = arith.addi %add3A_210, %and3A_334 : vector<16xi32>
            %gather3A_336 = arith.constant 1 : i32
            %gather3A_337 = arith.constant 0 : i32
            %gather3A_338 = arith.constant 0 : i32
            %gather3A_339 = tpu.memref_slice %arg7[%gather3A_336, %gather3A_337, %gather3A_338] : memref<2x128x128xf32, #tpu.memory_space<vmem>> -> memref<1x128x128xf32, #tpu.memory_space<vmem>>
            %gather3A_340 = tpu.memref_squeeze %gather3A_339 : memref<1x128x128xf32, #tpu.memory_space<vmem>> -> memref<128x128xf32, #tpu.memory_space<vmem>>
            %gather3A_341 = tpu.vector_load_idx %gather3A_340[%add3A_207, %add3A_335] : memref<128x128xf32, #tpu.memory_space<vmem>>[vector<16xi32>, vector<16xi32>], vector<16xf32>,
            %add3A_342 = arith.constant 0 : i32
            %add3A_343 = vector.broadcast %add3A_342 : i32 to vector<16xi32>
            %add3A_344 = arith.addi %add3A_343, %and3A_334 : vector<16xi32>
            %scatter3A_345 = arith.constant 0 : i32
            %scatter3A_346 = arith.constant 0 : i32
            %scatter3A_347 = tpu.memref_slice %arg8[%and3A_98, %add3A_187, %scatter3A_345, %scatter3A_346] : memref<2x10x32x128xf32, #tpu.memory_space<vmem>> -> memref<1x1x32x128xf32, #tpu.memory_space<vmem>>
            %scatter3A_348 = tpu.memref_squeeze %scatter3A_347 : memref<1x1x32x128xf32, #tpu.memory_space<vmem>> -> memref<32x128xf32, #tpu.memory_space<vmem>>
            tpu.vector_store_idx %scatter3A_348[%add3A_344, %add3A_207], %gather3A_341 : memref<32x128xf32, #tpu.memory_space<vmem>>[vector<16xi32>, vector<16xi32>], vector<16xf32>,
            %add3A_349 = arith.constant 7 : i32
            %add3A_350 = vector.broadcast %add3A_349 : i32 to vector<16xi32>
            %add3A_351 = arith.addi %iota3A, %add3A_350 : vector<16xi32>
            %and3A_352 = arith.constant 15 : i32
            %and3A_353 = vector.broadcast %and3A_352 : i32 to vector<16xi32>
            %and3A_354 = arith.andi %add3A_351, %and3A_353 : vector<16xi32>
            %add3A_355 = arith.addi %add3A_210, %and3A_354 : vector<16xi32>
            %gather3A_356 = arith.constant 1 : i32
            %gather3A_357 = arith.constant 0 : i32
            %gather3A_358 = arith.constant 0 : i32
            %gather3A_359 = tpu.memref_slice %arg7[%gather3A_356, %gather3A_357, %gather3A_358] : memref<2x128x128xf32, #tpu.memory_space<vmem>> -> memref<1x128x128xf32, #tpu.memory_space<vmem>>
            %gather3A_360 = tpu.memref_squeeze %gather3A_359 : memref<1x128x128xf32, #tpu.memory_space<vmem>> -> memref<128x128xf32, #tpu.memory_space<vmem>>
            %gather3A_361 = tpu.vector_load_idx %gather3A_360[%add3A_207, %add3A_355] : memref<128x128xf32, #tpu.memory_space<vmem>>[vector<16xi32>, vector<16xi32>], vector<16xf32>,
            %add3A_362 = arith.constant 0 : i32
            %add3A_363 = vector.broadcast %add3A_362 : i32 to vector<16xi32>
            %add3A_364 = arith.addi %add3A_363, %and3A_354 : vector<16xi32>
            %scatter3A_365 = arith.constant 0 : i32
            %scatter3A_366 = arith.constant 0 : i32
            %scatter3A_367 = tpu.memref_slice %arg8[%and3A_98, %add3A_187, %scatter3A_365, %scatter3A_366] : memref<2x10x32x128xf32, #tpu.memory_space<vmem>> -> memref<1x1x32x128xf32, #tpu.memory_space<vmem>>
            %scatter3A_368 = tpu.memref_squeeze %scatter3A_367 : memref<1x1x32x128xf32, #tpu.memory_space<vmem>> -> memref<32x128xf32, #tpu.memory_space<vmem>>
            tpu.vector_store_idx %scatter3A_368[%add3A_364, %add3A_207], %gather3A_361 : memref<32x128xf32, #tpu.memory_space<vmem>>[vector<16xi32>, vector<16xi32>], vector<16xf32>,
            %add3A_369 = arith.constant 8 : i32
            %add3A_370 = vector.broadcast %add3A_369 : i32 to vector<16xi32>
            %add3A_371 = arith.addi %iota3A, %add3A_370 : vector<16xi32>
            %and3A_372 = arith.constant 15 : i32
            %and3A_373 = vector.broadcast %and3A_372 : i32 to vector<16xi32>
            %and3A_374 = arith.andi %add3A_371, %and3A_373 : vector<16xi32>
            %add3A_375 = arith.addi %add3A_210, %and3A_374 : vector<16xi32>
            %gather3A_376 = arith.constant 1 : i32
            %gather3A_377 = arith.constant 0 : i32
            %gather3A_378 = arith.constant 0 : i32
            %gather3A_379 = tpu.memref_slice %arg7[%gather3A_376, %gather3A_377, %gather3A_378] : memref<2x128x128xf32, #tpu.memory_space<vmem>> -> memref<1x128x128xf32, #tpu.memory_space<vmem>>
            %gather3A_380 = tpu.memref_squeeze %gather3A_379 : memref<1x128x128xf32, #tpu.memory_space<vmem>> -> memref<128x128xf32, #tpu.memory_space<vmem>>
            %gather3A_381 = tpu.vector_load_idx %gather3A_380[%add3A_207, %add3A_375] : memref<128x128xf32, #tpu.memory_space<vmem>>[vector<16xi32>, vector<16xi32>], vector<16xf32>,
            %add3A_382 = arith.constant 0 : i32
            %add3A_383 = vector.broadcast %add3A_382 : i32 to vector<16xi32>
            %add3A_384 = arith.addi %add3A_383, %and3A_374 : vector<16xi32>
            %scatter3A_385 = arith.constant 0 : i32
            %scatter3A_386 = arith.constant 0 : i32
            %scatter3A_387 = tpu.memref_slice %arg8[%and3A_98, %add3A_187, %scatter3A_385, %scatter3A_386] : memref<2x10x32x128xf32, #tpu.memory_space<vmem>> -> memref<1x1x32x128xf32, #tpu.memory_space<vmem>>
            %scatter3A_388 = tpu.memref_squeeze %scatter3A_387 : memref<1x1x32x128xf32, #tpu.memory_space<vmem>> -> memref<32x128xf32, #tpu.memory_space<vmem>>
            tpu.vector_store_idx %scatter3A_388[%add3A_384, %add3A_207], %gather3A_381 : memref<32x128xf32, #tpu.memory_space<vmem>>[vector<16xi32>, vector<16xi32>], vector<16xf32>,
            %add3A_389 = arith.constant 9 : i32
            %add3A_390 = vector.broadcast %add3A_389 : i32 to vector<16xi32>
            %add3A_391 = arith.addi %iota3A, %add3A_390 : vector<16xi32>
            %and3A_392 = arith.constant 15 : i32
            %and3A_393 = vector.broadcast %and3A_392 : i32 to vector<16xi32>
            %and3A_394 = arith.andi %add3A_391, %and3A_393 : vector<16xi32>
            %add3A_395 = arith.addi %add3A_210, %and3A_394 : vector<16xi32>
            %gather3A_396 = arith.constant 1 : i32
            %gather3A_397 = arith.constant 0 : i32
            %gather3A_398 = arith.constant 0 : i32
            %gather3A_399 = tpu.memref_slice %arg7[%gather3A_396, %gather3A_397, %gather3A_398] : memref<2x128x128xf32, #tpu.memory_space<vmem>> -> memref<1x128x128xf32, #tpu.memory_space<vmem>>
            %gather3A_400 = tpu.memref_squeeze %gather3A_399 : memref<1x128x128xf32, #tpu.memory_space<vmem>> -> memref<128x128xf32, #tpu.memory_space<vmem>>
            %gather3A_401 = tpu.vector_load_idx %gather3A_400[%add3A_207, %add3A_395] : memref<128x128xf32, #tpu.memory_space<vmem>>[vector<16xi32>, vector<16xi32>], vector<16xf32>,
            %add3A_402 = arith.constant 0 : i32
            %add3A_403 = vector.broadcast %add3A_402 : i32 to vector<16xi32>
            %add3A_404 = arith.addi %add3A_403, %and3A_394 : vector<16xi32>
            %scatter3A_405 = arith.constant 0 : i32
            %scatter3A_406 = arith.constant 0 : i32
            %scatter3A_407 = tpu.memref_slice %arg8[%and3A_98, %add3A_187, %scatter3A_405, %scatter3A_406] : memref<2x10x32x128xf32, #tpu.memory_space<vmem>> -> memref<1x1x32x128xf32, #tpu.memory_space<vmem>>
            %scatter3A_408 = tpu.memref_squeeze %scatter3A_407 : memref<1x1x32x128xf32, #tpu.memory_space<vmem>> -> memref<32x128xf32, #tpu.memory_space<vmem>>
            tpu.vector_store_idx %scatter3A_408[%add3A_404, %add3A_207], %gather3A_401 : memref<32x128xf32, #tpu.memory_space<vmem>>[vector<16xi32>, vector<16xi32>], vector<16xf32>,
            %add3A_409 = arith.constant 10 : i32
            %add3A_410 = vector.broadcast %add3A_409 : i32 to vector<16xi32>
            %add3A_411 = arith.addi %iota3A, %add3A_410 : vector<16xi32>
            %and3A_412 = arith.constant 15 : i32
            %and3A_413 = vector.broadcast %and3A_412 : i32 to vector<16xi32>
            %and3A_414 = arith.andi %add3A_411, %and3A_413 : vector<16xi32>
            %add3A_415 = arith.addi %add3A_210, %and3A_414 : vector<16xi32>
            %gather3A_416 = arith.constant 1 : i32
            %gather3A_417 = arith.constant 0 : i32
            %gather3A_418 = arith.constant 0 : i32
            %gather3A_419 = tpu.memref_slice %arg7[%gather3A_416, %gather3A_417, %gather3A_418] : memref<2x128x128xf32, #tpu.memory_space<vmem>> -> memref<1x128x128xf32, #tpu.memory_space<vmem>>
            %gather3A_420 = tpu.memref_squeeze %gather3A_419 : memref<1x128x128xf32, #tpu.memory_space<vmem>> -> memref<128x128xf32, #tpu.memory_space<vmem>>
            %gather3A_421 = tpu.vector_load_idx %gather3A_420[%add3A_207, %add3A_415] : memref<128x128xf32, #tpu.memory_space<vmem>>[vector<16xi32>, vector<16xi32>], vector<16xf32>,
            %add3A_422 = arith.constant 0 : i32
            %add3A_423 = vector.broadcast %add3A_422 : i32 to vector<16xi32>
            %add3A_424 = arith.addi %add3A_423, %and3A_414 : vector<16xi32>
            %scatter3A_425 = arith.constant 0 : i32
            %scatter3A_426 = arith.constant 0 : i32
            %scatter3A_427 = tpu.memref_slice %arg8[%and3A_98, %add3A_187, %scatter3A_425, %scatter3A_426] : memref<2x10x32x128xf32, #tpu.memory_space<vmem>> -> memref<1x1x32x128xf32, #tpu.memory_space<vmem>>
            %scatter3A_428 = tpu.memref_squeeze %scatter3A_427 : memref<1x1x32x128xf32, #tpu.memory_space<vmem>> -> memref<32x128xf32, #tpu.memory_space<vmem>>
            tpu.vector_store_idx %scatter3A_428[%add3A_424, %add3A_207], %gather3A_421 : memref<32x128xf32, #tpu.memory_space<vmem>>[vector<16xi32>, vector<16xi32>], vector<16xf32>,
            %add3A_429 = arith.constant 11 : i32
            %add3A_430 = vector.broadcast %add3A_429 : i32 to vector<16xi32>
            %add3A_431 = arith.addi %iota3A, %add3A_430 : vector<16xi32>
            %and3A_432 = arith.constant 15 : i32
            %and3A_433 = vector.broadcast %and3A_432 : i32 to vector<16xi32>
            %and3A_434 = arith.andi %add3A_431, %and3A_433 : vector<16xi32>
            %add3A_435 = arith.addi %add3A_210, %and3A_434 : vector<16xi32>
            %gather3A_436 = arith.constant 1 : i32
            %gather3A_437 = arith.constant 0 : i32
            %gather3A_438 = arith.constant 0 : i32
            %gather3A_439 = tpu.memref_slice %arg7[%gather3A_436, %gather3A_437, %gather3A_438] : memref<2x128x128xf32, #tpu.memory_space<vmem>> -> memref<1x128x128xf32, #tpu.memory_space<vmem>>
            %gather3A_440 = tpu.memref_squeeze %gather3A_439 : memref<1x128x128xf32, #tpu.memory_space<vmem>> -> memref<128x128xf32, #tpu.memory_space<vmem>>
            %gather3A_441 = tpu.vector_load_idx %gather3A_440[%add3A_207, %add3A_435] : memref<128x128xf32, #tpu.memory_space<vmem>>[vector<16xi32>, vector<16xi32>], vector<16xf32>,
            %add3A_442 = arith.constant 0 : i32
            %add3A_443 = vector.broadcast %add3A_442 : i32 to vector<16xi32>
            %add3A_444 = arith.addi %add3A_443, %and3A_434 : vector<16xi32>
            %scatter3A_445 = arith.constant 0 : i32
            %scatter3A_446 = arith.constant 0 : i32
            %scatter3A_447 = tpu.memref_slice %arg8[%and3A_98, %add3A_187, %scatter3A_445, %scatter3A_446] : memref<2x10x32x128xf32, #tpu.memory_space<vmem>> -> memref<1x1x32x128xf32, #tpu.memory_space<vmem>>
            %scatter3A_448 = tpu.memref_squeeze %scatter3A_447 : memref<1x1x32x128xf32, #tpu.memory_space<vmem>> -> memref<32x128xf32, #tpu.memory_space<vmem>>
            tpu.vector_store_idx %scatter3A_448[%add3A_444, %add3A_207], %gather3A_441 : memref<32x128xf32, #tpu.memory_space<vmem>>[vector<16xi32>, vector<16xi32>], vector<16xf32>,
            %add3A_449 = arith.constant 12 : i32
            %add3A_450 = vector.broadcast %add3A_449 : i32 to vector<16xi32>
            %add3A_451 = arith.addi %iota3A, %add3A_450 : vector<16xi32>
            %and3A_452 = arith.constant 15 : i32
            %and3A_453 = vector.broadcast %and3A_452 : i32 to vector<16xi32>
            %and3A_454 = arith.andi %add3A_451, %and3A_453 : vector<16xi32>
            %add3A_455 = arith.addi %add3A_210, %and3A_454 : vector<16xi32>
            %gather3A_456 = arith.constant 1 : i32
            %gather3A_457 = arith.constant 0 : i32
            %gather3A_458 = arith.constant 0 : i32
            %gather3A_459 = tpu.memref_slice %arg7[%gather3A_456, %gather3A_457, %gather3A_458] : memref<2x128x128xf32, #tpu.memory_space<vmem>> -> memref<1x128x128xf32, #tpu.memory_space<vmem>>
            %gather3A_460 = tpu.memref_squeeze %gather3A_459 : memref<1x128x128xf32, #tpu.memory_space<vmem>> -> memref<128x128xf32, #tpu.memory_space<vmem>>
            %gather3A_461 = tpu.vector_load_idx %gather3A_460[%add3A_207, %add3A_455] : memref<128x128xf32, #tpu.memory_space<vmem>>[vector<16xi32>, vector<16xi32>], vector<16xf32>,
            %add3A_462 = arith.constant 0 : i32
            %add3A_463 = vector.broadcast %add3A_462 : i32 to vector<16xi32>
            %add3A_464 = arith.addi %add3A_463, %and3A_454 : vector<16xi32>
            %scatter3A_465 = arith.constant 0 : i32
            %scatter3A_466 = arith.constant 0 : i32
            %scatter3A_467 = tpu.memref_slice %arg8[%and3A_98, %add3A_187, %scatter3A_465, %scatter3A_466] : memref<2x10x32x128xf32, #tpu.memory_space<vmem>> -> memref<1x1x32x128xf32, #tpu.memory_space<vmem>>
            %scatter3A_468 = tpu.memref_squeeze %scatter3A_467 : memref<1x1x32x128xf32, #tpu.memory_space<vmem>> -> memref<32x128xf32, #tpu.memory_space<vmem>>
            tpu.vector_store_idx %scatter3A_468[%add3A_464, %add3A_207], %gather3A_461 : memref<32x128xf32, #tpu.memory_space<vmem>>[vector<16xi32>, vector<16xi32>], vector<16xf32>,
            %add3A_469 = arith.constant 13 : i32
            %add3A_470 = vector.broadcast %add3A_469 : i32 to vector<16xi32>
            %add3A_471 = arith.addi %iota3A, %add3A_470 : vector<16xi32>
            %and3A_472 = arith.constant 15 : i32
            %and3A_473 = vector.broadcast %and3A_472 : i32 to vector<16xi32>
            %and3A_474 = arith.andi %add3A_471, %and3A_473 : vector<16xi32>
            %add3A_475 = arith.addi %add3A_210, %and3A_474 : vector<16xi32>
            %gather3A_476 = arith.constant 1 : i32
            %gather3A_477 = arith.constant 0 : i32
            %gather3A_478 = arith.constant 0 : i32
            %gather3A_479 = tpu.memref_slice %arg7[%gather3A_476, %gather3A_477, %gather3A_478] : memref<2x128x128xf32, #tpu.memory_space<vmem>> -> memref<1x128x128xf32, #tpu.memory_space<vmem>>
            %gather3A_480 = tpu.memref_squeeze %gather3A_479 : memref<1x128x128xf32, #tpu.memory_space<vmem>> -> memref<128x128xf32, #tpu.memory_space<vmem>>
            %gather3A_481 = tpu.vector_load_idx %gather3A_480[%add3A_207, %add3A_475] : memref<128x128xf32, #tpu.memory_space<vmem>>[vector<16xi32>, vector<16xi32>], vector<16xf32>,
            %add3A_482 = arith.constant 0 : i32
            %add3A_483 = vector.broadcast %add3A_482 : i32 to vector<16xi32>
            %add3A_484 = arith.addi %add3A_483, %and3A_474 : vector<16xi32>
            %scatter3A_485 = arith.constant 0 : i32
            %scatter3A_486 = arith.constant 0 : i32
            %scatter3A_487 = tpu.memref_slice %arg8[%and3A_98, %add3A_187, %scatter3A_485, %scatter3A_486] : memref<2x10x32x128xf32, #tpu.memory_space<vmem>> -> memref<1x1x32x128xf32, #tpu.memory_space<vmem>>
            %scatter3A_488 = tpu.memref_squeeze %scatter3A_487 : memref<1x1x32x128xf32, #tpu.memory_space<vmem>> -> memref<32x128xf32, #tpu.memory_space<vmem>>
            tpu.vector_store_idx %scatter3A_488[%add3A_484, %add3A_207], %gather3A_481 : memref<32x128xf32, #tpu.memory_space<vmem>>[vector<16xi32>, vector<16xi32>], vector<16xf32>,
            %add3A_489 = arith.constant 14 : i32
            %add3A_490 = vector.broadcast %add3A_489 : i32 to vector<16xi32>
            %add3A_491 = arith.addi %iota3A, %add3A_490 : vector<16xi32>
            %and3A_492 = arith.constant 15 : i32
            %and3A_493 = vector.broadcast %and3A_492 : i32 to vector<16xi32>
            %and3A_494 = arith.andi %add3A_491, %and3A_493 : vector<16xi32>
            %add3A_495 = arith.addi %add3A_210, %and3A_494 : vector<16xi32>
            %gather3A_496 = arith.constant 1 : i32
            %gather3A_497 = arith.constant 0 : i32
            %gather3A_498 = arith.constant 0 : i32
            %gather3A_499 = tpu.memref_slice %arg7[%gather3A_496, %gather3A_497, %gather3A_498] : memref<2x128x128xf32, #tpu.memory_space<vmem>> -> memref<1x128x128xf32, #tpu.memory_space<vmem>>
            %gather3A_500 = tpu.memref_squeeze %gather3A_499 : memref<1x128x128xf32, #tpu.memory_space<vmem>> -> memref<128x128xf32, #tpu.memory_space<vmem>>
            %gather3A_501 = tpu.vector_load_idx %gather3A_500[%add3A_207, %add3A_495] : memref<128x128xf32, #tpu.memory_space<vmem>>[vector<16xi32>, vector<16xi32>], vector<16xf32>,
            %add3A_502 = arith.constant 0 : i32
            %add3A_503 = vector.broadcast %add3A_502 : i32 to vector<16xi32>
            %add3A_504 = arith.addi %add3A_503, %and3A_494 : vector<16xi32>
            %scatter3A_505 = arith.constant 0 : i32
            %scatter3A_506 = arith.constant 0 : i32
            %scatter3A_507 = tpu.memref_slice %arg8[%and3A_98, %add3A_187, %scatter3A_505, %scatter3A_506] : memref<2x10x32x128xf32, #tpu.memory_space<vmem>> -> memref<1x1x32x128xf32, #tpu.memory_space<vmem>>
            %scatter3A_508 = tpu.memref_squeeze %scatter3A_507 : memref<1x1x32x128xf32, #tpu.memory_space<vmem>> -> memref<32x128xf32, #tpu.memory_space<vmem>>
            tpu.vector_store_idx %scatter3A_508[%add3A_504, %add3A_207], %gather3A_501 : memref<32x128xf32, #tpu.memory_space<vmem>>[vector<16xi32>, vector<16xi32>], vector<16xf32>,
            %add3A_509 = arith.constant 15 : i32
            %add3A_510 = vector.broadcast %add3A_509 : i32 to vector<16xi32>
            %add3A_511 = arith.addi %iota3A, %add3A_510 : vector<16xi32>
            %and3A_512 = arith.constant 15 : i32
            %and3A_513 = vector.broadcast %and3A_512 : i32 to vector<16xi32>
            %and3A_514 = arith.andi %add3A_511, %and3A_513 : vector<16xi32>
            %add3A_515 = arith.addi %add3A_210, %and3A_514 : vector<16xi32>
            %gather3A_516 = arith.constant 1 : i32
            %gather3A_517 = arith.constant 0 : i32
            %gather3A_518 = arith.constant 0 : i32
            %gather3A_519 = tpu.memref_slice %arg7[%gather3A_516, %gather3A_517, %gather3A_518] : memref<2x128x128xf32, #tpu.memory_space<vmem>> -> memref<1x128x128xf32, #tpu.memory_space<vmem>>
            %gather3A_520 = tpu.memref_squeeze %gather3A_519 : memref<1x128x128xf32, #tpu.memory_space<vmem>> -> memref<128x128xf32, #tpu.memory_space<vmem>>
            %gather3A_521 = tpu.vector_load_idx %gather3A_520[%add3A_207, %add3A_515] : memref<128x128xf32, #tpu.memory_space<vmem>>[vector<16xi32>, vector<16xi32>], vector<16xf32>,
            %add3A_522 = arith.constant 0 : i32
            %add3A_523 = vector.broadcast %add3A_522 : i32 to vector<16xi32>
            %add3A_524 = arith.addi %add3A_523, %and3A_514 : vector<16xi32>
            %scatter3A_525 = arith.constant 0 : i32
            %scatter3A_526 = arith.constant 0 : i32
            %scatter3A_527 = tpu.memref_slice %arg8[%and3A_98, %add3A_187, %scatter3A_525, %scatter3A_526] : memref<2x10x32x128xf32, #tpu.memory_space<vmem>> -> memref<1x1x32x128xf32, #tpu.memory_space<vmem>>
            %scatter3A_528 = tpu.memref_squeeze %scatter3A_527 : memref<1x1x32x128xf32, #tpu.memory_space<vmem>> -> memref<32x128xf32, #tpu.memory_space<vmem>>
            tpu.vector_store_idx %scatter3A_528[%add3A_524, %add3A_207], %gather3A_521 : memref<32x128xf32, #tpu.memory_space<vmem>>[vector<16xi32>, vector<16xi32>], vector<16xf32>,
            %add3A_529 = arith.constant 16 : i32
            %add3A_530 = vector.broadcast %add3A_529 : i32 to vector<16xi32>
            %add3A_531 = arith.addi %get3A_203, %add3A_530 : vector<16xi32>
            %add3A_532 = arith.constant 0 : i32
            %add3A_533 = vector.broadcast %add3A_532 : i32 to vector<16xi32>
            %add3A_534 = arith.addi %iota3A, %add3A_533 : vector<16xi32>
            %and3A_535 = arith.constant 15 : i32
            %and3A_536 = vector.broadcast %and3A_535 : i32 to vector<16xi32>
            %and3A_537 = arith.andi %add3A_534, %and3A_536 : vector<16xi32>
            %add3A_538 = arith.addi %add3A_531, %and3A_537 : vector<16xi32>
            %gather3A_539 = arith.constant 1 : i32
            %gather3A_540 = arith.constant 0 : i32
            %gather3A_541 = arith.constant 0 : i32
            %gather3A_542 = tpu.memref_slice %arg7[%gather3A_539, %gather3A_540, %gather3A_541] : memref<2x128x128xf32, #tpu.memory_space<vmem>> -> memref<1x128x128xf32, #tpu.memory_space<vmem>>
            %gather3A_543 = tpu.memref_squeeze %gather3A_542 : memref<1x128x128xf32, #tpu.memory_space<vmem>> -> memref<128x128xf32, #tpu.memory_space<vmem>>
            %gather3A_544 = tpu.vector_load_idx %gather3A_543[%add3A_207, %add3A_538] : memref<128x128xf32, #tpu.memory_space<vmem>>[vector<16xi32>, vector<16xi32>], vector<16xf32>,
            %add3A_545 = arith.constant 16 : i32
            %add3A_546 = vector.broadcast %add3A_545 : i32 to vector<16xi32>
            %add3A_547 = arith.addi %add3A_546, %and3A_537 : vector<16xi32>
            %scatter3A_548 = arith.constant 0 : i32
            %scatter3A_549 = arith.constant 0 : i32
            %scatter3A_550 = tpu.memref_slice %arg8[%and3A_98, %add3A_187, %scatter3A_548, %scatter3A_549] : memref<2x10x32x128xf32, #tpu.memory_space<vmem>> -> memref<1x1x32x128xf32, #tpu.memory_space<vmem>>
            %scatter3A_551 = tpu.memref_squeeze %scatter3A_550 : memref<1x1x32x128xf32, #tpu.memory_space<vmem>> -> memref<32x128xf32, #tpu.memory_space<vmem>>
            tpu.vector_store_idx %scatter3A_551[%add3A_547, %add3A_207], %gather3A_544 : memref<32x128xf32, #tpu.memory_space<vmem>>[vector<16xi32>, vector<16xi32>], vector<16xf32>,
            %add3A_552 = arith.constant 1 : i32
            %add3A_553 = vector.broadcast %add3A_552 : i32 to vector<16xi32>
            %add3A_554 = arith.addi %iota3A, %add3A_553 : vector<16xi32>
            %and3A_555 = arith.constant 15 : i32
            %and3A_556 = vector.broadcast %and3A_555 : i32 to vector<16xi32>
            %and3A_557 = arith.andi %add3A_554, %and3A_556 : vector<16xi32>
            %add3A_558 = arith.addi %add3A_531, %and3A_557 : vector<16xi32>
            %gather3A_559 = arith.constant 1 : i32
            %gather3A_560 = arith.constant 0 : i32
            %gather3A_561 = arith.constant 0 : i32
            %gather3A_562 = tpu.memref_slice %arg7[%gather3A_559, %gather3A_560, %gather3A_561] : memref<2x128x128xf32, #tpu.memory_space<vmem>> -> memref<1x128x128xf32, #tpu.memory_space<vmem>>
            %gather3A_563 = tpu.memref_squeeze %gather3A_562 : memref<1x128x128xf32, #tpu.memory_space<vmem>> -> memref<128x128xf32, #tpu.memory_space<vmem>>
            %gather3A_564 = tpu.vector_load_idx %gather3A_563[%add3A_207, %add3A_558] : memref<128x128xf32, #tpu.memory_space<vmem>>[vector<16xi32>, vector<16xi32>], vector<16xf32>,
            %add3A_565 = arith.constant 16 : i32
            %add3A_566 = vector.broadcast %add3A_565 : i32 to vector<16xi32>
            %add3A_567 = arith.addi %add3A_566, %and3A_557 : vector<16xi32>
            %scatter3A_568 = arith.constant 0 : i32
            %scatter3A_569 = arith.constant 0 : i32
            %scatter3A_570 = tpu.memref_slice %arg8[%and3A_98, %add3A_187, %scatter3A_568, %scatter3A_569] : memref<2x10x32x128xf32, #tpu.memory_space<vmem>> -> memref<1x1x32x128xf32, #tpu.memory_space<vmem>>
            %scatter3A_571 = tpu.memref_squeeze %scatter3A_570 : memref<1x1x32x128xf32, #tpu.memory_space<vmem>> -> memref<32x128xf32, #tpu.memory_space<vmem>>
            tpu.vector_store_idx %scatter3A_571[%add3A_567, %add3A_207], %gather3A_564 : memref<32x128xf32, #tpu.memory_space<vmem>>[vector<16xi32>, vector<16xi32>], vector<16xf32>,
            %add3A_572 = arith.constant 2 : i32
            %add3A_573 = vector.broadcast %add3A_572 : i32 to vector<16xi32>
            %add3A_574 = arith.addi %iota3A, %add3A_573 : vector<16xi32>
            %and3A_575 = arith.constant 15 : i32
            %and3A_576 = vector.broadcast %and3A_575 : i32 to vector<16xi32>
            %and3A_577 = arith.andi %add3A_574, %and3A_576 : vector<16xi32>
            %add3A_578 = arith.addi %add3A_531, %and3A_577 : vector<16xi32>
            %gather3A_579 = arith.constant 1 : i32
            %gather3A_580 = arith.constant 0 : i32
            %gather3A_581 = arith.constant 0 : i32
            %gather3A_582 = tpu.memref_slice %arg7[%gather3A_579, %gather3A_580, %gather3A_581] : memref<2x128x128xf32, #tpu.memory_space<vmem>> -> memref<1x128x128xf32, #tpu.memory_space<vmem>>
            %gather3A_583 = tpu.memref_squeeze %gather3A_582 : memref<1x128x128xf32, #tpu.memory_space<vmem>> -> memref<128x128xf32, #tpu.memory_space<vmem>>
            %gather3A_584 = tpu.vector_load_idx %gather3A_583[%add3A_207, %add3A_578] : memref<128x128xf32, #tpu.memory_space<vmem>>[vector<16xi32>, vector<16xi32>], vector<16xf32>,
            %add3A_585 = arith.constant 16 : i32
            %add3A_586 = vector.broadcast %add3A_585 : i32 to vector<16xi32>
            %add3A_587 = arith.addi %add3A_586, %and3A_577 : vector<16xi32>
            %scatter3A_588 = arith.constant 0 : i32
            %scatter3A_589 = arith.constant 0 : i32
            %scatter3A_590 = tpu.memref_slice %arg8[%and3A_98, %add3A_187, %scatter3A_588, %scatter3A_589] : memref<2x10x32x128xf32, #tpu.memory_space<vmem>> -> memref<1x1x32x128xf32, #tpu.memory_space<vmem>>
            %scatter3A_591 = tpu.memref_squeeze %scatter3A_590 : memref<1x1x32x128xf32, #tpu.memory_space<vmem>> -> memref<32x128xf32, #tpu.memory_space<vmem>>
            tpu.vector_store_idx %scatter3A_591[%add3A_587, %add3A_207], %gather3A_584 : memref<32x128xf32, #tpu.memory_space<vmem>>[vector<16xi32>, vector<16xi32>], vector<16xf32>,
            %add3A_592 = arith.constant 3 : i32
            %add3A_593 = vector.broadcast %add3A_592 : i32 to vector<16xi32>
            %add3A_594 = arith.addi %iota3A, %add3A_593 : vector<16xi32>
            %and3A_595 = arith.constant 15 : i32
            %and3A_596 = vector.broadcast %and3A_595 : i32 to vector<16xi32>
            %and3A_597 = arith.andi %add3A_594, %and3A_596 : vector<16xi32>
            %add3A_598 = arith.addi %add3A_531, %and3A_597 : vector<16xi32>
            %gather3A_599 = arith.constant 1 : i32
            %gather3A_600 = arith.constant 0 : i32
            %gather3A_601 = arith.constant 0 : i32
            %gather3A_602 = tpu.memref_slice %arg7[%gather3A_599, %gather3A_600, %gather3A_601] : memref<2x128x128xf32, #tpu.memory_space<vmem>> -> memref<1x128x128xf32, #tpu.memory_space<vmem>>
            %gather3A_603 = tpu.memref_squeeze %gather3A_602 : memref<1x128x128xf32, #tpu.memory_space<vmem>> -> memref<128x128xf32, #tpu.memory_space<vmem>>
            %gather3A_604 = tpu.vector_load_idx %gather3A_603[%add3A_207, %add3A_598] : memref<128x128xf32, #tpu.memory_space<vmem>>[vector<16xi32>, vector<16xi32>], vector<16xf32>,
            %add3A_605 = arith.constant 16 : i32
            %add3A_606 = vector.broadcast %add3A_605 : i32 to vector<16xi32>
            %add3A_607 = arith.addi %add3A_606, %and3A_597 : vector<16xi32>
            %scatter3A_608 = arith.constant 0 : i32
            %scatter3A_609 = arith.constant 0 : i32
            %scatter3A_610 = tpu.memref_slice %arg8[%and3A_98, %add3A_187, %scatter3A_608, %scatter3A_609] : memref<2x10x32x128xf32, #tpu.memory_space<vmem>> -> memref<1x1x32x128xf32, #tpu.memory_space<vmem>>
            %scatter3A_611 = tpu.memref_squeeze %scatter3A_610 : memref<1x1x32x128xf32, #tpu.memory_space<vmem>> -> memref<32x128xf32, #tpu.memory_space<vmem>>
            tpu.vector_store_idx %scatter3A_611[%add3A_607, %add3A_207], %gather3A_604 : memref<32x128xf32, #tpu.memory_space<vmem>>[vector<16xi32>, vector<16xi32>], vector<16xf32>,
            %add3A_612 = arith.constant 4 : i32
            %add3A_613 = vector.broadcast %add3A_612 : i32 to vector<16xi32>
            %add3A_614 = arith.addi %iota3A, %add3A_613 : vector<16xi32>
            %and3A_615 = arith.constant 15 : i32
            %and3A_616 = vector.broadcast %and3A_615 : i32 to vector<16xi32>
            %and3A_617 = arith.andi %add3A_614, %and3A_616 : vector<16xi32>
            %add3A_618 = arith.addi %add3A_531, %and3A_617 : vector<16xi32>
            %gather3A_619 = arith.constant 1 : i32
            %gather3A_620 = arith.constant 0 : i32
            %gather3A_621 = arith.constant 0 : i32
            %gather3A_622 = tpu.memref_slice %arg7[%gather3A_619, %gather3A_620, %gather3A_621] : memref<2x128x128xf32, #tpu.memory_space<vmem>> -> memref<1x128x128xf32, #tpu.memory_space<vmem>>
            %gather3A_623 = tpu.memref_squeeze %gather3A_622 : memref<1x128x128xf32, #tpu.memory_space<vmem>> -> memref<128x128xf32, #tpu.memory_space<vmem>>
            %gather3A_624 = tpu.vector_load_idx %gather3A_623[%add3A_207, %add3A_618] : memref<128x128xf32, #tpu.memory_space<vmem>>[vector<16xi32>, vector<16xi32>], vector<16xf32>,
            %add3A_625 = arith.constant 16 : i32
            %add3A_626 = vector.broadcast %add3A_625 : i32 to vector<16xi32>
            %add3A_627 = arith.addi %add3A_626, %and3A_617 : vector<16xi32>
            %scatter3A_628 = arith.constant 0 : i32
            %scatter3A_629 = arith.constant 0 : i32
            %scatter3A_630 = tpu.memref_slice %arg8[%and3A_98, %add3A_187, %scatter3A_628, %scatter3A_629] : memref<2x10x32x128xf32, #tpu.memory_space<vmem>> -> memref<1x1x32x128xf32, #tpu.memory_space<vmem>>
            %scatter3A_631 = tpu.memref_squeeze %scatter3A_630 : memref<1x1x32x128xf32, #tpu.memory_space<vmem>> -> memref<32x128xf32, #tpu.memory_space<vmem>>
            tpu.vector_store_idx %scatter3A_631[%add3A_627, %add3A_207], %gather3A_624 : memref<32x128xf32, #tpu.memory_space<vmem>>[vector<16xi32>, vector<16xi32>], vector<16xf32>,
            %add3A_632 = arith.constant 5 : i32
            %add3A_633 = vector.broadcast %add3A_632 : i32 to vector<16xi32>
            %add3A_634 = arith.addi %iota3A, %add3A_633 : vector<16xi32>
            %and3A_635 = arith.constant 15 : i32
            %and3A_636 = vector.broadcast %and3A_635 : i32 to vector<16xi32>
            %and3A_637 = arith.andi %add3A_634, %and3A_636 : vector<16xi32>
            %add3A_638 = arith.addi %add3A_531, %and3A_637 : vector<16xi32>
            %gather3A_639 = arith.constant 1 : i32
            %gather3A_640 = arith.constant 0 : i32
            %gather3A_641 = arith.constant 0 : i32
            %gather3A_642 = tpu.memref_slice %arg7[%gather3A_639, %gather3A_640, %gather3A_641] : memref<2x128x128xf32, #tpu.memory_space<vmem>> -> memref<1x128x128xf32, #tpu.memory_space<vmem>>
            %gather3A_643 = tpu.memref_squeeze %gather3A_642 : memref<1x128x128xf32, #tpu.memory_space<vmem>> -> memref<128x128xf32, #tpu.memory_space<vmem>>
            %gather3A_644 = tpu.vector_load_idx %gather3A_643[%add3A_207, %add3A_638] : memref<128x128xf32, #tpu.memory_space<vmem>>[vector<16xi32>, vector<16xi32>], vector<16xf32>,
            %add3A_645 = arith.constant 16 : i32
            %add3A_646 = vector.broadcast %add3A_645 : i32 to vector<16xi32>
            %add3A_647 = arith.addi %add3A_646, %and3A_637 : vector<16xi32>
            %scatter3A_648 = arith.constant 0 : i32
            %scatter3A_649 = arith.constant 0 : i32
            %scatter3A_650 = tpu.memref_slice %arg8[%and3A_98, %add3A_187, %scatter3A_648, %scatter3A_649] : memref<2x10x32x128xf32, #tpu.memory_space<vmem>> -> memref<1x1x32x128xf32, #tpu.memory_space<vmem>>
            %scatter3A_651 = tpu.memref_squeeze %scatter3A_650 : memref<1x1x32x128xf32, #tpu.memory_space<vmem>> -> memref<32x128xf32, #tpu.memory_space<vmem>>
            tpu.vector_store_idx %scatter3A_651[%add3A_647, %add3A_207], %gather3A_644 : memref<32x128xf32, #tpu.memory_space<vmem>>[vector<16xi32>, vector<16xi32>], vector<16xf32>,
            %add3A_652 = arith.constant 6 : i32
            %add3A_653 = vector.broadcast %add3A_652 : i32 to vector<16xi32>
            %add3A_654 = arith.addi %iota3A, %add3A_653 : vector<16xi32>
            %and3A_655 = arith.constant 15 : i32
            %and3A_656 = vector.broadcast %and3A_655 : i32 to vector<16xi32>
            %and3A_657 = arith.andi %add3A_654, %and3A_656 : vector<16xi32>
            %add3A_658 = arith.addi %add3A_531, %and3A_657 : vector<16xi32>
            %gather3A_659 = arith.constant 1 : i32
            %gather3A_660 = arith.constant 0 : i32
            %gather3A_661 = arith.constant 0 : i32
            %gather3A_662 = tpu.memref_slice %arg7[%gather3A_659, %gather3A_660, %gather3A_661] : memref<2x128x128xf32, #tpu.memory_space<vmem>> -> memref<1x128x128xf32, #tpu.memory_space<vmem>>
            %gather3A_663 = tpu.memref_squeeze %gather3A_662 : memref<1x128x128xf32, #tpu.memory_space<vmem>> -> memref<128x128xf32, #tpu.memory_space<vmem>>
            %gather3A_664 = tpu.vector_load_idx %gather3A_663[%add3A_207, %add3A_658] : memref<128x128xf32, #tpu.memory_space<vmem>>[vector<16xi32>, vector<16xi32>], vector<16xf32>,
            %add3A_665 = arith.constant 16 : i32
            %add3A_666 = vector.broadcast %add3A_665 : i32 to vector<16xi32>
            %add3A_667 = arith.addi %add3A_666, %and3A_657 : vector<16xi32>
            %scatter3A_668 = arith.constant 0 : i32
            %scatter3A_669 = arith.constant 0 : i32
            %scatter3A_670 = tpu.memref_slice %arg8[%and3A_98, %add3A_187, %scatter3A_668, %scatter3A_669] : memref<2x10x32x128xf32, #tpu.memory_space<vmem>> -> memref<1x1x32x128xf32, #tpu.memory_space<vmem>>
            %scatter3A_671 = tpu.memref_squeeze %scatter3A_670 : memref<1x1x32x128xf32, #tpu.memory_space<vmem>> -> memref<32x128xf32, #tpu.memory_space<vmem>>
            tpu.vector_store_idx %scatter3A_671[%add3A_667, %add3A_207], %gather3A_664 : memref<32x128xf32, #tpu.memory_space<vmem>>[vector<16xi32>, vector<16xi32>], vector<16xf32>,
            %add3A_672 = arith.constant 7 : i32
            %add3A_673 = vector.broadcast %add3A_672 : i32 to vector<16xi32>
            %add3A_674 = arith.addi %iota3A, %add3A_673 : vector<16xi32>
            %and3A_675 = arith.constant 15 : i32
            %and3A_676 = vector.broadcast %and3A_675 : i32 to vector<16xi32>
            %and3A_677 = arith.andi %add3A_674, %and3A_676 : vector<16xi32>
            %add3A_678 = arith.addi %add3A_531, %and3A_677 : vector<16xi32>
            %gather3A_679 = arith.constant 1 : i32
            %gather3A_680 = arith.constant 0 : i32
            %gather3A_681 = arith.constant 0 : i32
            %gather3A_682 = tpu.memref_slice %arg7[%gather3A_679, %gather3A_680, %gather3A_681] : memref<2x128x128xf32, #tpu.memory_space<vmem>> -> memref<1x128x128xf32, #tpu.memory_space<vmem>>
            %gather3A_683 = tpu.memref_squeeze %gather3A_682 : memref<1x128x128xf32, #tpu.memory_space<vmem>> -> memref<128x128xf32, #tpu.memory_space<vmem>>
            %gather3A_684 = tpu.vector_load_idx %gather3A_683[%add3A_207, %add3A_678] : memref<128x128xf32, #tpu.memory_space<vmem>>[vector<16xi32>, vector<16xi32>], vector<16xf32>,
            %add3A_685 = arith.constant 16 : i32
            %add3A_686 = vector.broadcast %add3A_685 : i32 to vector<16xi32>
            %add3A_687 = arith.addi %add3A_686, %and3A_677 : vector<16xi32>
            %scatter3A_688 = arith.constant 0 : i32
            %scatter3A_689 = arith.constant 0 : i32
            %scatter3A_690 = tpu.memref_slice %arg8[%and3A_98, %add3A_187, %scatter3A_688, %scatter3A_689] : memref<2x10x32x128xf32, #tpu.memory_space<vmem>> -> memref<1x1x32x128xf32, #tpu.memory_space<vmem>>
            %scatter3A_691 = tpu.memref_squeeze %scatter3A_690 : memref<1x1x32x128xf32, #tpu.memory_space<vmem>> -> memref<32x128xf32, #tpu.memory_space<vmem>>
            tpu.vector_store_idx %scatter3A_691[%add3A_687, %add3A_207], %gather3A_684 : memref<32x128xf32, #tpu.memory_space<vmem>>[vector<16xi32>, vector<16xi32>], vector<16xf32>,
            %add3A_692 = arith.constant 8 : i32
            %add3A_693 = vector.broadcast %add3A_692 : i32 to vector<16xi32>
            %add3A_694 = arith.addi %iota3A, %add3A_693 : vector<16xi32>
            %and3A_695 = arith.constant 15 : i32
            %and3A_696 = vector.broadcast %and3A_695 : i32 to vector<16xi32>
            %and3A_697 = arith.andi %add3A_694, %and3A_696 : vector<16xi32>
            %add3A_698 = arith.addi %add3A_531, %and3A_697 : vector<16xi32>
            %gather3A_699 = arith.constant 1 : i32
            %gather3A_700 = arith.constant 0 : i32
            %gather3A_701 = arith.constant 0 : i32
            %gather3A_702 = tpu.memref_slice %arg7[%gather3A_699, %gather3A_700, %gather3A_701] : memref<2x128x128xf32, #tpu.memory_space<vmem>> -> memref<1x128x128xf32, #tpu.memory_space<vmem>>
            %gather3A_703 = tpu.memref_squeeze %gather3A_702 : memref<1x128x128xf32, #tpu.memory_space<vmem>> -> memref<128x128xf32, #tpu.memory_space<vmem>>
            %gather3A_704 = tpu.vector_load_idx %gather3A_703[%add3A_207, %add3A_698] : memref<128x128xf32, #tpu.memory_space<vmem>>[vector<16xi32>, vector<16xi32>], vector<16xf32>,
            %add3A_705 = arith.constant 16 : i32
            %add3A_706 = vector.broadcast %add3A_705 : i32 to vector<16xi32>
            %add3A_707 = arith.addi %add3A_706, %and3A_697 : vector<16xi32>
            %scatter3A_708 = arith.constant 0 : i32
            %scatter3A_709 = arith.constant 0 : i32
            %scatter3A_710 = tpu.memref_slice %arg8[%and3A_98, %add3A_187, %scatter3A_708, %scatter3A_709] : memref<2x10x32x128xf32, #tpu.memory_space<vmem>> -> memref<1x1x32x128xf32, #tpu.memory_space<vmem>>
            %scatter3A_711 = tpu.memref_squeeze %scatter3A_710 : memref<1x1x32x128xf32, #tpu.memory_space<vmem>> -> memref<32x128xf32, #tpu.memory_space<vmem>>
            tpu.vector_store_idx %scatter3A_711[%add3A_707, %add3A_207], %gather3A_704 : memref<32x128xf32, #tpu.memory_space<vmem>>[vector<16xi32>, vector<16xi32>], vector<16xf32>,
            %add3A_712 = arith.constant 9 : i32
            %add3A_713 = vector.broadcast %add3A_712 : i32 to vector<16xi32>
            %add3A_714 = arith.addi %iota3A, %add3A_713 : vector<16xi32>
            %and3A_715 = arith.constant 15 : i32
            %and3A_716 = vector.broadcast %and3A_715 : i32 to vector<16xi32>
            %and3A_717 = arith.andi %add3A_714, %and3A_716 : vector<16xi32>
            %add3A_718 = arith.addi %add3A_531, %and3A_717 : vector<16xi32>
            %gather3A_719 = arith.constant 1 : i32
            %gather3A_720 = arith.constant 0 : i32
            %gather3A_721 = arith.constant 0 : i32
            %gather3A_722 = tpu.memref_slice %arg7[%gather3A_719, %gather3A_720, %gather3A_721] : memref<2x128x128xf32, #tpu.memory_space<vmem>> -> memref<1x128x128xf32, #tpu.memory_space<vmem>>
            %gather3A_723 = tpu.memref_squeeze %gather3A_722 : memref<1x128x128xf32, #tpu.memory_space<vmem>> -> memref<128x128xf32, #tpu.memory_space<vmem>>
            %gather3A_724 = tpu.vector_load_idx %gather3A_723[%add3A_207, %add3A_718] : memref<128x128xf32, #tpu.memory_space<vmem>>[vector<16xi32>, vector<16xi32>], vector<16xf32>,
            %add3A_725 = arith.constant 16 : i32
            %add3A_726 = vector.broadcast %add3A_725 : i32 to vector<16xi32>
            %add3A_727 = arith.addi %add3A_726, %and3A_717 : vector<16xi32>
            %scatter3A_728 = arith.constant 0 : i32
            %scatter3A_729 = arith.constant 0 : i32
            %scatter3A_730 = tpu.memref_slice %arg8[%and3A_98, %add3A_187, %scatter3A_728, %scatter3A_729] : memref<2x10x32x128xf32, #tpu.memory_space<vmem>> -> memref<1x1x32x128xf32, #tpu.memory_space<vmem>>
            %scatter3A_731 = tpu.memref_squeeze %scatter3A_730 : memref<1x1x32x128xf32, #tpu.memory_space<vmem>> -> memref<32x128xf32, #tpu.memory_space<vmem>>
            tpu.vector_store_idx %scatter3A_731[%add3A_727, %add3A_207], %gather3A_724 : memref<32x128xf32, #tpu.memory_space<vmem>>[vector<16xi32>, vector<16xi32>], vector<16xf32>,
            %add3A_732 = arith.constant 10 : i32
            %add3A_733 = vector.broadcast %add3A_732 : i32 to vector<16xi32>
            %add3A_734 = arith.addi %iota3A, %add3A_733 : vector<16xi32>
            %and3A_735 = arith.constant 15 : i32
            %and3A_736 = vector.broadcast %and3A_735 : i32 to vector<16xi32>
            %and3A_737 = arith.andi %add3A_734, %and3A_736 : vector<16xi32>
            %add3A_738 = arith.addi %add3A_531, %and3A_737 : vector<16xi32>
            %gather3A_739 = arith.constant 1 : i32
            %gather3A_740 = arith.constant 0 : i32
            %gather3A_741 = arith.constant 0 : i32
            %gather3A_742 = tpu.memref_slice %arg7[%gather3A_739, %gather3A_740, %gather3A_741] : memref<2x128x128xf32, #tpu.memory_space<vmem>> -> memref<1x128x128xf32, #tpu.memory_space<vmem>>
            %gather3A_743 = tpu.memref_squeeze %gather3A_742 : memref<1x128x128xf32, #tpu.memory_space<vmem>> -> memref<128x128xf32, #tpu.memory_space<vmem>>
            %gather3A_744 = tpu.vector_load_idx %gather3A_743[%add3A_207, %add3A_738] : memref<128x128xf32, #tpu.memory_space<vmem>>[vector<16xi32>, vector<16xi32>], vector<16xf32>,
            %add3A_745 = arith.constant 16 : i32
            %add3A_746 = vector.broadcast %add3A_745 : i32 to vector<16xi32>
            %add3A_747 = arith.addi %add3A_746, %and3A_737 : vector<16xi32>
            %scatter3A_748 = arith.constant 0 : i32
            %scatter3A_749 = arith.constant 0 : i32
            %scatter3A_750 = tpu.memref_slice %arg8[%and3A_98, %add3A_187, %scatter3A_748, %scatter3A_749] : memref<2x10x32x128xf32, #tpu.memory_space<vmem>> -> memref<1x1x32x128xf32, #tpu.memory_space<vmem>>
            %scatter3A_751 = tpu.memref_squeeze %scatter3A_750 : memref<1x1x32x128xf32, #tpu.memory_space<vmem>> -> memref<32x128xf32, #tpu.memory_space<vmem>>
            tpu.vector_store_idx %scatter3A_751[%add3A_747, %add3A_207], %gather3A_744 : memref<32x128xf32, #tpu.memory_space<vmem>>[vector<16xi32>, vector<16xi32>], vector<16xf32>,
            %add3A_752 = arith.constant 11 : i32
            %add3A_753 = vector.broadcast %add3A_752 : i32 to vector<16xi32>
            %add3A_754 = arith.addi %iota3A, %add3A_753 : vector<16xi32>
            %and3A_755 = arith.constant 15 : i32
            %and3A_756 = vector.broadcast %and3A_755 : i32 to vector<16xi32>
            %and3A_757 = arith.andi %add3A_754, %and3A_756 : vector<16xi32>
            %add3A_758 = arith.addi %add3A_531, %and3A_757 : vector<16xi32>
            %gather3A_759 = arith.constant 1 : i32
            %gather3A_760 = arith.constant 0 : i32
            %gather3A_761 = arith.constant 0 : i32
            %gather3A_762 = tpu.memref_slice %arg7[%gather3A_759, %gather3A_760, %gather3A_761] : memref<2x128x128xf32, #tpu.memory_space<vmem>> -> memref<1x128x128xf32, #tpu.memory_space<vmem>>
            %gather3A_763 = tpu.memref_squeeze %gather3A_762 : memref<1x128x128xf32, #tpu.memory_space<vmem>> -> memref<128x128xf32, #tpu.memory_space<vmem>>
            %gather3A_764 = tpu.vector_load_idx %gather3A_763[%add3A_207, %add3A_758] : memref<128x128xf32, #tpu.memory_space<vmem>>[vector<16xi32>, vector<16xi32>], vector<16xf32>,
            %add3A_765 = arith.constant 16 : i32
            %add3A_766 = vector.broadcast %add3A_765 : i32 to vector<16xi32>
            %add3A_767 = arith.addi %add3A_766, %and3A_757 : vector<16xi32>
            %scatter3A_768 = arith.constant 0 : i32
            %scatter3A_769 = arith.constant 0 : i32
            %scatter3A_770 = tpu.memref_slice %arg8[%and3A_98, %add3A_187, %scatter3A_768, %scatter3A_769] : memref<2x10x32x128xf32, #tpu.memory_space<vmem>> -> memref<1x1x32x128xf32, #tpu.memory_space<vmem>>
            %scatter3A_771 = tpu.memref_squeeze %scatter3A_770 : memref<1x1x32x128xf32, #tpu.memory_space<vmem>> -> memref<32x128xf32, #tpu.memory_space<vmem>>
            tpu.vector_store_idx %scatter3A_771[%add3A_767, %add3A_207], %gather3A_764 : memref<32x128xf32, #tpu.memory_space<vmem>>[vector<16xi32>, vector<16xi32>], vector<16xf32>,
            %add3A_772 = arith.constant 12 : i32
            %add3A_773 = vector.broadcast %add3A_772 : i32 to vector<16xi32>
            %add3A_774 = arith.addi %iota3A, %add3A_773 : vector<16xi32>
            %and3A_775 = arith.constant 15 : i32
            %and3A_776 = vector.broadcast %and3A_775 : i32 to vector<16xi32>
            %and3A_777 = arith.andi %add3A_774, %and3A_776 : vector<16xi32>
            %add3A_778 = arith.addi %add3A_531, %and3A_777 : vector<16xi32>
            %gather3A_779 = arith.constant 1 : i32
            %gather3A_780 = arith.constant 0 : i32
            %gather3A_781 = arith.constant 0 : i32
            %gather3A_782 = tpu.memref_slice %arg7[%gather3A_779, %gather3A_780, %gather3A_781] : memref<2x128x128xf32, #tpu.memory_space<vmem>> -> memref<1x128x128xf32, #tpu.memory_space<vmem>>
            %gather3A_783 = tpu.memref_squeeze %gather3A_782 : memref<1x128x128xf32, #tpu.memory_space<vmem>> -> memref<128x128xf32, #tpu.memory_space<vmem>>
            %gather3A_784 = tpu.vector_load_idx %gather3A_783[%add3A_207, %add3A_778] : memref<128x128xf32, #tpu.memory_space<vmem>>[vector<16xi32>, vector<16xi32>], vector<16xf32>,
            %add3A_785 = arith.constant 16 : i32
            %add3A_786 = vector.broadcast %add3A_785 : i32 to vector<16xi32>
            %add3A_787 = arith.addi %add3A_786, %and3A_777 : vector<16xi32>
            %scatter3A_788 = arith.constant 0 : i32
            %scatter3A_789 = arith.constant 0 : i32
            %scatter3A_790 = tpu.memref_slice %arg8[%and3A_98, %add3A_187, %scatter3A_788, %scatter3A_789] : memref<2x10x32x128xf32, #tpu.memory_space<vmem>> -> memref<1x1x32x128xf32, #tpu.memory_space<vmem>>
            %scatter3A_791 = tpu.memref_squeeze %scatter3A_790 : memref<1x1x32x128xf32, #tpu.memory_space<vmem>> -> memref<32x128xf32, #tpu.memory_space<vmem>>
            tpu.vector_store_idx %scatter3A_791[%add3A_787, %add3A_207], %gather3A_784 : memref<32x128xf32, #tpu.memory_space<vmem>>[vector<16xi32>, vector<16xi32>], vector<16xf32>,
            %add3A_792 = arith.constant 13 : i32
            %add3A_793 = vector.broadcast %add3A_792 : i32 to vector<16xi32>
            %add3A_794 = arith.addi %iota3A, %add3A_793 : vector<16xi32>
            %and3A_795 = arith.constant 15 : i32
            %and3A_796 = vector.broadcast %and3A_795 : i32 to vector<16xi32>
            %and3A_797 = arith.andi %add3A_794, %and3A_796 : vector<16xi32>
            %add3A_798 = arith.addi %add3A_531, %and3A_797 : vector<16xi32>
            %gather3A_799 = arith.constant 1 : i32
            %gather3A_800 = arith.constant 0 : i32
            %gather3A_801 = arith.constant 0 : i32
            %gather3A_802 = tpu.memref_slice %arg7[%gather3A_799, %gather3A_800, %gather3A_801] : memref<2x128x128xf32, #tpu.memory_space<vmem>> -> memref<1x128x128xf32, #tpu.memory_space<vmem>>
            %gather3A_803 = tpu.memref_squeeze %gather3A_802 : memref<1x128x128xf32, #tpu.memory_space<vmem>> -> memref<128x128xf32, #tpu.memory_space<vmem>>
            %gather3A_804 = tpu.vector_load_idx %gather3A_803[%add3A_207, %add3A_798] : memref<128x128xf32, #tpu.memory_space<vmem>>[vector<16xi32>, vector<16xi32>], vector<16xf32>,
            %add3A_805 = arith.constant 16 : i32
            %add3A_806 = vector.broadcast %add3A_805 : i32 to vector<16xi32>
            %add3A_807 = arith.addi %add3A_806, %and3A_797 : vector<16xi32>
            %scatter3A_808 = arith.constant 0 : i32
            %scatter3A_809 = arith.constant 0 : i32
            %scatter3A_810 = tpu.memref_slice %arg8[%and3A_98, %add3A_187, %scatter3A_808, %scatter3A_809] : memref<2x10x32x128xf32, #tpu.memory_space<vmem>> -> memref<1x1x32x128xf32, #tpu.memory_space<vmem>>
            %scatter3A_811 = tpu.memref_squeeze %scatter3A_810 : memref<1x1x32x128xf32, #tpu.memory_space<vmem>> -> memref<32x128xf32, #tpu.memory_space<vmem>>
            tpu.vector_store_idx %scatter3A_811[%add3A_807, %add3A_207], %gather3A_804 : memref<32x128xf32, #tpu.memory_space<vmem>>[vector<16xi32>, vector<16xi32>], vector<16xf32>,
            %add3A_812 = arith.constant 14 : i32
            %add3A_813 = vector.broadcast %add3A_812 : i32 to vector<16xi32>
            %add3A_814 = arith.addi %iota3A, %add3A_813 : vector<16xi32>
            %and3A_815 = arith.constant 15 : i32
            %and3A_816 = vector.broadcast %and3A_815 : i32 to vector<16xi32>
            %and3A_817 = arith.andi %add3A_814, %and3A_816 : vector<16xi32>
            %add3A_818 = arith.addi %add3A_531, %and3A_817 : vector<16xi32>
            %gather3A_819 = arith.constant 1 : i32
            %gather3A_820 = arith.constant 0 : i32
            %gather3A_821 = arith.constant 0 : i32
            %gather3A_822 = tpu.memref_slice %arg7[%gather3A_819, %gather3A_820, %gather3A_821] : memref<2x128x128xf32, #tpu.memory_space<vmem>> -> memref<1x128x128xf32, #tpu.memory_space<vmem>>
            %gather3A_823 = tpu.memref_squeeze %gather3A_822 : memref<1x128x128xf32, #tpu.memory_space<vmem>> -> memref<128x128xf32, #tpu.memory_space<vmem>>
            %gather3A_824 = tpu.vector_load_idx %gather3A_823[%add3A_207, %add3A_818] : memref<128x128xf32, #tpu.memory_space<vmem>>[vector<16xi32>, vector<16xi32>], vector<16xf32>,
            %add3A_825 = arith.constant 16 : i32
            %add3A_826 = vector.broadcast %add3A_825 : i32 to vector<16xi32>
            %add3A_827 = arith.addi %add3A_826, %and3A_817 : vector<16xi32>
            %scatter3A_828 = arith.constant 0 : i32
            %scatter3A_829 = arith.constant 0 : i32
            %scatter3A_830 = tpu.memref_slice %arg8[%and3A_98, %add3A_187, %scatter3A_828, %scatter3A_829] : memref<2x10x32x128xf32, #tpu.memory_space<vmem>> -> memref<1x1x32x128xf32, #tpu.memory_space<vmem>>
            %scatter3A_831 = tpu.memref_squeeze %scatter3A_830 : memref<1x1x32x128xf32, #tpu.memory_space<vmem>> -> memref<32x128xf32, #tpu.memory_space<vmem>>
            tpu.vector_store_idx %scatter3A_831[%add3A_827, %add3A_207], %gather3A_824 : memref<32x128xf32, #tpu.memory_space<vmem>>[vector<16xi32>, vector<16xi32>], vector<16xf32>,
            %add3A_832 = arith.constant 15 : i32
            %add3A_833 = vector.broadcast %add3A_832 : i32 to vector<16xi32>
            %add3A_834 = arith.addi %iota3A, %add3A_833 : vector<16xi32>
            %and3A_835 = arith.constant 15 : i32
            %and3A_836 = vector.broadcast %and3A_835 : i32 to vector<16xi32>
            %and3A_837 = arith.andi %add3A_834, %and3A_836 : vector<16xi32>
            %add3A_838 = arith.addi %add3A_531, %and3A_837 : vector<16xi32>
            %gather3A_839 = arith.constant 1 : i32
            %gather3A_840 = arith.constant 0 : i32
            %gather3A_841 = arith.constant 0 : i32
            %gather3A_842 = tpu.memref_slice %arg7[%gather3A_839, %gather3A_840, %gather3A_841] : memref<2x128x128xf32, #tpu.memory_space<vmem>> -> memref<1x128x128xf32, #tpu.memory_space<vmem>>
            %gather3A_843 = tpu.memref_squeeze %gather3A_842 : memref<1x128x128xf32, #tpu.memory_space<vmem>> -> memref<128x128xf32, #tpu.memory_space<vmem>>
            %gather3A_844 = tpu.vector_load_idx %gather3A_843[%add3A_207, %add3A_838] : memref<128x128xf32, #tpu.memory_space<vmem>>[vector<16xi32>, vector<16xi32>], vector<16xf32>,
            %add3A_845 = arith.constant 16 : i32
            %add3A_846 = vector.broadcast %add3A_845 : i32 to vector<16xi32>
            %add3A_847 = arith.addi %add3A_846, %and3A_837 : vector<16xi32>
            %scatter3A_848 = arith.constant 0 : i32
            %scatter3A_849 = arith.constant 0 : i32
            %scatter3A_850 = tpu.memref_slice %arg8[%and3A_98, %add3A_187, %scatter3A_848, %scatter3A_849] : memref<2x10x32x128xf32, #tpu.memory_space<vmem>> -> memref<1x1x32x128xf32, #tpu.memory_space<vmem>>
            %scatter3A_851 = tpu.memref_squeeze %scatter3A_850 : memref<1x1x32x128xf32, #tpu.memory_space<vmem>> -> memref<32x128xf32, #tpu.memory_space<vmem>>
            tpu.vector_store_idx %scatter3A_851[%add3A_847, %add3A_207], %gather3A_844 : memref<32x128xf32, #tpu.memory_space<vmem>>[vector<16xi32>, vector<16xi32>], vector<16xf32>,
            %scan3A_852 = arith.constant 0 : i32
            scf.yield %scan3A_852 : i32
          }
          %scan3A_196 = arith.constant 8 : i32
          %scan3A_197 = arith.constant 0 : i32
          scf.yield %scan3A_197 : i32
        }
        %scan3A_109 = arith.constant 5 : i32
        %dma_start3A_110 = arith.constant 0 : i32
        %dma_start3A_111 = arith.constant 0 : i32
        %dma_start3A_112 = arith.constant 0 : i32
        %dma_start3A_113 = tpu.memref_slice %arg8[%and3A_98, %dma_start3A_110, %dma_start3A_111, %dma_start3A_112] : memref<2x10x32x128xf32, #tpu.memory_space<vmem>> -> memref<1x10x32x128xf32, #tpu.memory_space<vmem>>
        %dma_start3A_114 = tpu.memref_squeeze %dma_start3A_113 : memref<1x10x32x128xf32, #tpu.memory_space<vmem>> -> memref<10x32x128xf32, #tpu.memory_space<vmem>>
        %dma_start3A_115 = arith.constant 0 : i32
        %dma_start3A_116 = tpu.memref_slice %arg4[%mul3A_100, %dma_start3A_115, %mul3A_56] : memref<50x32x16384xf32, #tpu.memory_space<hbm>> -> memref<10x32x128xf32, #tpu.memory_space<hbm>>
        %dma_start3A_117 = tpu.memref_slice %arg10[%and3A_98] : memref<2x!tpu.dma_semaphore, #tpu.memory_space<semaphore_mem>> -> memref<1x!tpu.dma_semaphore, #tpu.memory_space<semaphore_mem>>
        %dma_start3A_118 = tpu.memref_squeeze %dma_start3A_117 : memref<1x!tpu.dma_semaphore, #tpu.memory_space<semaphore_mem>> -> memref<!tpu.dma_semaphore, #tpu.memory_space<semaphore_mem>>
        %dma_start3A_119 = arith.constant 0 : i32
        %dma_start3A_120 = tpu.memref_slice %arg4[%mul3A_100, %dma_start3A_119, %mul3A_56] : memref<50x32x16384xf32, #tpu.memory_space<hbm>> -> memref<10x32x128xf32, #tpu.memory_space<hbm>>
        %dma_start3A_121 = arith.constant 0 : i32
        %dma_start3A_122 = arith.constant 0 : i32
        %dma_start3A_123 = arith.constant 0 : i32
        %dma_start3A_124 = tpu.memref_slice %arg8[%and3A_98, %dma_start3A_121, %dma_start3A_122, %dma_start3A_123] : memref<2x10x32x128xf32, #tpu.memory_space<vmem>> -> memref<1x10x32x128xf32, #tpu.memory_space<vmem>>
        %dma_start3A_125 = tpu.memref_squeeze %dma_start3A_124 : memref<1x10x32x128xf32, #tpu.memory_space<vmem>> -> memref<10x32x128xf32, #tpu.memory_space<vmem>>
        tpu.enqueue_dma source(%dma_start3A_125 : memref<10x32x128xf32, #tpu.memory_space<vmem>>) target(%dma_start3A_120 : memref<10x32x128xf32, #tpu.memory_space<hbm>>) target_semaphore(%dma_start3A_118 : memref<!tpu.dma_semaphore, #tpu.memory_space<semaphore_mem>>)
        %scan3A_126 = arith.constant 0 : i32
        scf.yield %scan3A_126 : i32
      }
      %scan3A_91 = arith.constant 5 : i32
      %scan3A_92 = arith.constant 0 : i32
      scf.yield %scan3A_92 : i32
    }
    %scan3A_6 = arith.constant 4 : i32
    %dma_wait3A = arith.constant 0 : i32
    %dma_wait3A_7 = arith.constant 0 : i32
    %dma_wait3A_8 = arith.constant 0 : i32
    %dma_wait3A_9 = arith.constant 0 : i32
    %dma_wait3A_10 = arith.constant 0 : i32
    %dma_wait3A_11 = tpu.memref_slice %arg8[%dma_wait3A, %dma_wait3A_8, %dma_wait3A_9, %dma_wait3A_10] : memref<2x10x32x128xf32, #tpu.memory_space<vmem>> -> memref<1x10x32x128xf32, #tpu.memory_space<vmem>>
    %dma_wait3A_12 = tpu.memref_squeeze %dma_wait3A_11 : memref<1x10x32x128xf32, #tpu.memory_space<vmem>> -> memref<10x32x128xf32, #tpu.memory_space<vmem>>
    %dma_wait3A_13 = arith.constant 0 : i32
    %dma_wait3A_14 = arith.constant 0 : i32
    %dma_wait3A_15 = arith.constant 0 : i32
    %dma_wait3A_16 = tpu.memref_slice %arg4[%dma_wait3A_13, %dma_wait3A_14, %dma_wait3A_15] : memref<50x32x16384xf32, #tpu.memory_space<hbm>> -> memref<10x32x128xf32, #tpu.memory_space<hbm>>
    %dma_wait3A_17 = tpu.memref_slice %arg10[%dma_wait3A_7] : memref<2x!tpu.dma_semaphore, #tpu.memory_space<semaphore_mem>> -> memref<1x!tpu.dma_semaphore, #tpu.memory_space<semaphore_mem>>
    %dma_wait3A_18 = tpu.memref_squeeze %dma_wait3A_17 : memref<1x!tpu.dma_semaphore, #tpu.memory_space<semaphore_mem>> -> memref<!tpu.dma_semaphore, #tpu.memory_space<semaphore_mem>>
    %dma_wait3A_19 = arith.constant 0 : i32
    %dma_wait3A_20 = arith.constant 0 : i32
    %dma_wait3A_21 = arith.constant 0 : i32
    %dma_wait3A_22 = tpu.memref_slice %arg4[%dma_wait3A_19, %dma_wait3A_20, %dma_wait3A_21] : memref<50x32x16384xf32, #tpu.memory_space<hbm>> -> memref<10x32x128xf32, #tpu.memory_space<hbm>>
    %dma_wait3A_23 = arith.constant 0 : i32
    %dma_wait3A_24 = arith.constant 0 : i32
    %dma_wait3A_25 = arith.constant 0 : i32
    %dma_wait3A_26 = tpu.memref_slice %arg8[%dma_wait3A, %dma_wait3A_23, %dma_wait3A_24, %dma_wait3A_25] : memref<2x10x32x128xf32, #tpu.memory_space<vmem>> -> memref<1x10x32x128xf32, #tpu.memory_space<vmem>>
    %dma_wait3A_27 = tpu.memref_squeeze %dma_wait3A_26 : memref<1x10x32x128xf32, #tpu.memory_space<vmem>> -> memref<10x32x128xf32, #tpu.memory_space<vmem>>
    tpu.wait_dma2 semaphore(%dma_wait3A_18 : memref<!tpu.dma_semaphore, #tpu.memory_space<semaphore_mem>>) src(%dma_wait3A_27 : memref<10x32x128xf32, #tpu.memory_space<vmem>>) dst(%dma_wait3A_22 : memref<10x32x128xf32, #tpu.memory_space<hbm>>)
    %dma_wait3A_28 = arith.constant 1 : i32
    %dma_wait3A_29 = arith.constant 1 : i32
    %dma_wait3A_30 = arith.constant 0 : i32
    %dma_wait3A_31 = arith.constant 0 : i32
    %dma_wait3A_32 = arith.constant 0 : i32
    %dma_wait3A_33 = tpu.memref_slice %arg8[%dma_wait3A_28, %dma_wait3A_30, %dma_wait3A_31, %dma_wait3A_32] : memref<2x10x32x128xf32, #tpu.memory_space<vmem>> -> memref<1x10x32x128xf32, #tpu.memory_space<vmem>>
    %dma_wait3A_34 = tpu.memref_squeeze %dma_wait3A_33 : memref<1x10x32x128xf32, #tpu.memory_space<vmem>> -> memref<10x32x128xf32, #tpu.memory_space<vmem>>
    %dma_wait3A_35 = arith.constant 0 : i32
    %dma_wait3A_36 = arith.constant 0 : i32
    %dma_wait3A_37 = arith.constant 0 : i32
    %dma_wait3A_38 = tpu.memref_slice %arg4[%dma_wait3A_35, %dma_wait3A_36, %dma_wait3A_37] : memref<50x32x16384xf32, #tpu.memory_space<hbm>> -> memref<10x32x128xf32, #tpu.memory_space<hbm>>
    %dma_wait3A_39 = tpu.memref_slice %arg10[%dma_wait3A_29] : memref<2x!tpu.dma_semaphore, #tpu.memory_space<semaphore_mem>> -> memref<1x!tpu.dma_semaphore, #tpu.memory_space<semaphore_mem>>
    %dma_wait3A_40 = tpu.memref_squeeze %dma_wait3A_39 : memref<1x!tpu.dma_semaphore, #tpu.memory_space<semaphore_mem>> -> memref<!tpu.dma_semaphore, #tpu.memory_space<semaphore_mem>>
    %dma_wait3A_41 = arith.constant 0 : i32
    %dma_wait3A_42 = arith.constant 0 : i32
    %dma_wait3A_43 = arith.constant 0 : i32
    %dma_wait3A_44 = tpu.memref_slice %arg4[%dma_wait3A_41, %dma_wait3A_42, %dma_wait3A_43] : memref<50x32x16384xf32, #tpu.memory_space<hbm>> -> memref<10x32x128xf32, #tpu.memory_space<hbm>>
    %dma_wait3A_45 = arith.constant 0 : i32
    %dma_wait3A_46 = arith.constant 0 : i32
    %dma_wait3A_47 = arith.constant 0 : i32
    %dma_wait3A_48 = tpu.memref_slice %arg8[%dma_wait3A_28, %dma_wait3A_45, %dma_wait3A_46, %dma_wait3A_47] : memref<2x10x32x128xf32, #tpu.memory_space<vmem>> -> memref<1x10x32x128xf32, #tpu.memory_space<vmem>>
    %dma_wait3A_49 = tpu.memref_squeeze %dma_wait3A_48 : memref<1x10x32x128xf32, #tpu.memory_space<vmem>> -> memref<10x32x128xf32, #tpu.memory_space<vmem>>
    tpu.wait_dma2 semaphore(%dma_wait3A_40 : memref<!tpu.dma_semaphore, #tpu.memory_space<semaphore_mem>>) src(%dma_wait3A_49 : memref<10x32x128xf32, #tpu.memory_space<vmem>>) dst(%dma_wait3A_44 : memref<10x32x128xf32, #tpu.memory_space<hbm>>)
    return
  }
}

</mosaic_0001>

<sc_bundles>
// kernel: _gather.3.cloned.1.call-start
scs
__scs_entry_jumppad:
0x0: {  	(pc) =	sbr.rel $0x88, $3  }
0x1: {  	(tag) =	ssettag $0x0;
	lr =	simm.s32 $0x1  }
0x2: {  	[smem:$0x3F9F] =	sst lr;
	_ =	strace $0xD0000000  }
0x3: {  	_ = 	snop  }
0x4: {  	_ = 	snop  }
0x5: {  	_ = 	snop  }
0x6: {  	_ = 	snop  }
0x7: {  	_ = 	snop  }
__scs_overlays_trampoline_lowered:
0x8: {  	[smem:$0x3FAE] =	sst s0  }
0x9: {  	[smem:$0x3FAF] =	sst s1  }
0xa: {  	[smem:$0x3FB0] =	sst s2  }
0xb: {  	[smem:$0x3FB1] =	sst s3  }
0xc: {  	[smem:$0x3FB2] =	sst s4  }
0xd: {  	[smem:$0x3FB3] =	sst s5  }
0xe: {  	[smem:$0x3FB4] =	sst s6  }
0xf: {  	[smem:$0x3FB5] =	sst s7  }
0x10: {  	[smem:$0x3FB6] =	sst s8  }
0x11: {  	[smem:$0x3FB7] =	sst s9;
	s0 =	simm.s32 @!p0 $0x0  }
0x12: {  	s1 =	sld [smem:$0x3F9D];
	s0 =	simm.s32 @p0 $0x1  }
0x13: {  	[smem:$0x3FB8] =	sst s0;
	s0 =	simm.s32 @!p1 $0x0  }
0x14: {  	s2 =	sld [smem:$0x3F9C];
	s0 =	simm.s32 @p1 $0x1  }
0x15: {  	[smem:$0x3FB9] =	sst s0;
	s0 =	simm.s32 @!p2 $0x0  }
0x16: {  	s3 =	sld [smem:$0x3FDB];
	s0 =	simm.s32 @p2 $0x1  }
0x17: {  	s4 =	simm.s32 $0x1BF5;
	[smem:$0x3FBB] =	sst s0  }
0x18: {  	s0 =	sld [smem:$0x3F9E];
	_ =	swait.ge [sflag:s4], $0x0  }
0x19: {  	s7 =	sld [smem:$0x3F9F]  }
0x1a: {  	s8 =	sadd.s32 $0xFFFFE003, lr  }
0x1b: {  	s9 =	sadd.s32 $0xFFFFFEF7, lr;
	s5 =	simm.s32 $0xFFFFFFFF;
	p2 =	slt.u32 s8, $0xFFFFF086  }
0x1c: {  	p1 =	slt.u32 s9, $0xF7A;
	s5 =	simm.s32 @!p2 $0x0  }
0x1d: {  	s5 =	simm.s32 @p1 $0x1;
	p0 =	seq.s32 s7, s2  }
0x1e: {  	s7 =	smul.u32 @!p0 $0xF7A, s2;
	p2 =	seq.s32 @!p0 s5, $0x0  }
0x1f: {  	s9 =	smul.u32 $0xF7A, s1;
	s8 =	simm.s32 @!p0 $0x1BF5;
	p2 =	por !p2, p0  }
0x20: {  	[sflag:s8] =	ssyncset.s32 @!p0 $0xFFFFF086;
	s6 =	sadd.s32 @!p0 s3, s7;
	s7 =	simm.s32 @!p0 $0x108  }
0x21: {  	s3 =	sadd.s32 s3, s9;
	s6 =	sadd.s32 @!p0 $0x88, s6;
	s7 =	simm.s32 @p2 $0x1082  }
0x22: {  	[simem:s7], [sflag:s8] =	dma.local @!p0 [hbm:s6], $0xF7A  }
0x23: {  	s9 =	sor.u32 $0xD0000000, s2;
	s6 =	simm.s32 $0x108;
	_ =	swait.ge @!p0 [sflag:s8], $0x0  }
0x24: {  	s3 =	sadd.s32 $0x88, s3;
	s6 =	simm.s32 @!p1 $0x1082;
	[sflag:s4] =	ssyncset.s32 $0xFFFFF086  }
0x25: {  	[simem:s6], [sflag:s4] =	dma.local [hbm:s3], $0xF7A  }
0x26: {  	[smem:$0x3F9F] =	sst s1;
	(tag) =	ssettag s2;
	_ =	strace s9  }
0x27: {  	s1 =	sld [smem:$0x3FAF]  }
0x28: {  	s2 =	sld [smem:$0x3FB0]  }
0x29: {  	s4 =	sld [smem:$0x3FB2]  }
0x2a: {  	p0 =	seq.s32 s5, $0x0;
	s5 =	sld [smem:$0x3FB3]  }
0x2b: {  	s6 =	sld [smem:$0x3FB4]  }
0x2c: {  	s7 =	sld [smem:$0x3FB5]  }
0x2d: {  	s3 =	simm.s32 $0x108;
	s8 =	sld [smem:$0x3FB6]  }
0x2e: {  	s3 =	simm.s32 @!p0 $0x1082;
	s9 =	sld [smem:$0x3FB7]  }
0x2f: {  	lr =	sadd.s32 s0, s3;
	s0 =	sld [smem:$0x3FAE]  }
0x30: {  	s3 =	sld [smem:$0x3FB1]  }
0x31: {  	[smem:$0x3FBA] =	sst s10  }
0x32: {  	s10 =	sld [smem:$0x3FB8];
	_ =	sdelay $0x3  }
0x33: {  	p0 =	seq.s32 s10, $0x1;
	s10 =	sld [smem:$0x3FBA];
	_ =	sdelay $0x3  }
0x34: {  	[smem:$0x3FBA] =	sst s10  }
0x35: {  	s10 =	sld [smem:$0x3FB9];
	_ =	sdelay $0x3  }
0x36: {  	p1 =	seq.s32 s10, $0x1;
	s10 =	sld [smem:$0x3FBA];
	_ =	sdelay $0x3  }
0x37: {  	[smem:$0x3FBA] =	sst s10  }
0x38: {  	s10 =	sld [smem:$0x3FBB]  }
0x39: {  	_ = 	snop;
	(pc) =	sbr.ind lr, $3  }
0x3a: {  	_ = 	snop  }
0x3b: {  	_ = 	snop  }
0x3c: {  	p2 =	seq.s32 s10, $0x1;
	s10 =	sld [smem:$0x3FBA]  }
0x3d: {  	_ =	shalt  }
0x3e: {  	_ =	shalt  }
0x3f: {  	_ =	shalt  }
0x40: {  	_ =	shalt  }
0x41: {  	_ =	shalt  }
0x42: {  	_ =	shalt  }
0x43: {  	_ =	shalt  }
0x44: {  	_ =	shalt  }
0x45: {  	_ =	shalt  }
0x46: {  	_ =	shalt  }
0x47: {  	_ =	shalt  }
0x48: {  	_ =	shalt  }
0x49: {  	_ =	shalt  }
0x4a: {  	_ =	shalt  }
0x4b: {  	_ =	shalt  }
0x4c: {  	_ =	shalt  }
0x4d: {  	_ =	shalt  }
0x4e: {  	_ =	shalt  }
0x4f: {  	_ =	shalt  }
0x50: {  	_ =	shalt  }
0x51: {  	_ =	shalt  }
0x52: {  	_ =	shalt  }
0x53: {  	_ =	shalt  }
0x54: {  	_ =	shalt  }
0x55: {  	_ =	shalt  }
0x56: {  	_ =	shalt  }
0x57: {  	_ =	shalt  }
0x58: {  	_ =	shalt  }
0x59: {  	_ =	shalt  }
0x5a: {  	_ =	shalt  }
0x5b: {  	_ =	shalt  }
0x5c: {  	_ =	shalt  }
0x5d: {  	_ =	shalt  }
0x5e: {  	_ =	shalt  }
0x5f: {  	_ =	shalt  }
0x60: {  	_ =	shalt  }
0x61: {  	_ =	shalt  }
0x62: {  	_ =	shalt  }
0x63: {  	_ =	shalt  }
0x64: {  	_ =	shalt  }
0x65: {  	_ =	shalt  }
0x66: {  	_ =	shalt  }
0x67: {  	_ =	shalt  }
0x68: {  	_ =	shalt  }
0x69: {  	_ =	shalt  }
0x6a: {  	_ =	shalt  }
0x6b: {  	_ =	shalt  }
0x6c: {  	_ =	shalt  }
0x6d: {  	_ =	shalt  }
0x6e: {  	_ =	shalt  }
0x6f: {  	_ =	shalt  }
0x70: {  	_ =	shalt  }
0x71: {  	_ =	shalt  }
0x72: {  	_ =	shalt  }
0x73: {  	_ =	shalt  }
0x74: {  	_ =	shalt  }
0x75: {  	_ =	shalt  }
0x76: {  	_ =	shalt  }
0x77: {  	_ =	shalt  }
0x78: {  	_ =	shalt  }
0x79: {  	_ =	shalt  }
0x7a: {  	_ =	shalt  }
0x7b: {  	_ =	shalt  }
0x7c: {  	_ =	shalt  }
0x7d: {  	_ =	shalt  }
0x7e: {  	_ =	shalt  }
0x7f: {  	_ =	shalt  }
0x80: {  	_ =	shalt  }
0x81: {  	_ =	shalt  }
0x82: {  	_ =	shalt  }
0x83: {  	_ =	shalt  }
0x84: {  	_ =	shalt  }
0x85: {  	_ =	shalt  }
0x86: {  	_ =	shalt  }
0x87: {  	_ =	shalt  }
.Lfunc_end0:
.L_simem_size_0:
called_computation_lowered:
.L_overlay_start_0:
0x88: {  	s2 =	sld [smem:$0x3FD9]  }
0x89: {  	s3 =	sld [smem:$0x3FFE];
	_ =	sdelay $0x1  }
0x8a: {  	s1 =	srdreg.scid  }
0x8b: {  	s0 =	sand.u32 $0x1, s1  }
0x8c: {  	s18 =	sshll.u32 s0, $0xA;
	s2 =	sadd.s32 s3, s2  }
0x8d: {  	s2 =	sadd.s32 s2, s18  }
0x8e: {  	[smem:$0x3FC6] =	sst s2  }
0x8f: {  	_ = 	snop  }
0x90: {  	s2 =	sld [smem:$0x3FC9]  }
0x91: {  	s19 =	sld [smem:$0x3FC8]  }
0x92: {  	s4 =	sld [smem:$0x3FD0];
	(tm) =	ssettm $0x1  }
0x93: {  	s5 =	sld [smem:$0x3FFB];
	_ =	sdelay $0x3  }
0x94: {  	_ =	strace s5  }
0x95: {  	s5 =	sld [smem:$0x3FFC];
	_ =	sdelay $0x3  }
0x96: {  	_ =	strace s5  }
0x97: {  	s5 =	sld [smem:$0x3FFD];
	_ =	sdelay $0x3  }
0x98: {  	_ =	strace s5  }
0x99: {  	_ =	strace $0x8FFFFFFF  }
0x9a: {  	s20 =	sld [smem:$0x3FDB];
	_ =	sdelay $0x1  }
0x9b: {  	s6 =	simm.s32 $_scs_section_size  }
0x9c: {  	s7 =	simm.s32 $_size__tile_overlayer_lowered;
	s8 =	simm.s32 $_tile_overlayer_lowered  }
0x9d: {  	s23 =	simm.s32 $0x1BFF;
	s22 =	sshll.u32 s8, $0x1;
	s5 =	sadd.s32 s6, s20  }
0x9e: {  	s9 =	simm.s32 $0x0;
	s21 =	sshll.u32 s7, $0x1;
	s7 =	sadd.s32 s22, s5  }
0x9f: {  	[timem:s9], [sflag:s23] =	dma.local [hbm:s7], s21  }
0xa0: {  	_ =	swait.ge [sflag:s23], s21  }
0xa1: {  	s6 =	ssub.s32 $0x0, s21;
	[sflag:s23] =	ssyncset.done $0x0  }
0xa2: {  	[sflag:s23] =	ssyncadd.s32 s6;
	_ =	sdelay $0x1  }
0xa3: {  	s24 =	simm.s32 $0x1B8B  }
0xa4: {  	_ =	swait.ge [sflag:s24], $0x1  }
0xa5: {  	[sflag:s24] =	ssyncset.done $0x0  }
0xa6: {  	s25 =	simm.s32 $0x1B8E;
	[sflag:s24] =	ssyncadd.s32 $0xFFFFFFFF  }
0xa7: {  	s26 =	simm.s32 $execute0_lowered;
	[smem:$0x3FD2] =	sst s25  }
0xa8: {  	s6 =	sshll.u32 s26, $0x1;
	_ =	strace $0x80000046;
	[dreg:$0x1] =	wrdreg $0xFFFFFFFF  }
0xa9: {  	s28 =	simm.s32 $_size_execute0_lowered;
	s5 =	sadd.s32 s5, s6;
	[dreg:$0x0] =	wrdreg $0x0  }
0xaa: {  	s6 =	sshll.u32 s28, $0x1;
	[dreg:$0x2] =	wrdreg s5  }
0xab: {  	[dreg:$0x3] =	wrdreg s6  }
0xac: {  	[dreg:$0x4] =	wrdreg $0xC0  }
0xad: {  	_ =	task [dreg:s9], $0x5FFFF  }
0xae: {  	[dreg:$0x1] =	wrdreg $0xFFFFFFFF  }
0xaf: {  	[dreg:$0x0] =	wrdreg $0x60  }
0xb0: {  	[dreg:$0x2] =	wrdreg s19  }
0xb1: {  	[dreg:$0x3] =	wrdreg s2  }
0xb2: {  	[dreg:$0x4] =	wrdreg s4  }
0xb3: {  	[dreg:$0x5] =	wrdreg $0x9  }
0xb4: {  	_ =	task.clear_ibuf [dreg:s9], $0x6FFFF;
	_ =	strace $0x90000046  }
0xb5: {  	s29 =	simm.s32 $0x9;
	_ =	strace $0x80000048  }
0xb6: {  	_ =	swait.ge [sflag:s29], $0x1  }
0xb7: {  	[sflag:s29] =	ssyncadd.s32 $0xFFFFFFFF  }
0xb8: {  	_ =	strace $0x90000048  }
0xb9: {  	_ =	sfence  }
0xba: {  	s30 =	sld [smem:$0x0];
	_ =	sdelay $0x2  }
0xbb: {  	s31 =	sshll.u32 s1, $0xD;
	s1 =	sshrl.u32 s1, $0x2  }
0xbc: {  	s3 =	sand.u32 $0x4000, s31;
	s1 =	sadd.s32 s1, s30  }
0xbd: {  	s0 =	sor.u32 s3, s0;
	s1 =	sshll.u32 s1, $0x11  }
0xbe: {  	s0 =	sor.u32 s1, s0  }
0xbf: {  	s0 =	sadd.s32 $0x8F2B, s0  }
0xc0: {  	[sflag:s0] =	ssyncadd.remote.s32 $0x1  }
0xc1: {  	_ =	sfence.sel $0xFFFF  }
0xc2: {  	[dreg:$0x0] =	wrdreg $0xFFFFFFFF;
	(pc) =	sbr.abs _section_cstart, $3  }
0xc3: {  	[dreg:$0x1] =	wrdreg $0xFFFFFFFF  }
0xc4: {  	_ =	task.clear_ibuf [dreg:s9], $0x2FFFF;
	_ =	strace $0x9FFFFFFF  }
0xc5: {  	(tm) =	ssettm $0x7FFFFFFF  }
tec
execute0_lowered:
.L_overlay_start_1:
0x0: {  	(tag) =	ssettag $0x1  }
0x1: {  	vm11 =	vcmask $0x300  }
0x2: {  	v0 =	vimm.s32 $0xF;
	v1 =	vimm.s32 $0xFEDCBA9;
	vm13 =	vcmask $0x704  }
0x3: {  	vm14 =	vcmask $0xB08;
	v2 =	vimm.s32 $0x87654321;
	vm15 =	vcmask $0xF0C  }
0x4: {  	vm12 =	vcmask $0x1310;
	vm10 =	vcmask $0x1714;
	vm9 =	vcmask $0x1B18  }
0x5: {  	vm8 =	vcmask $0x1F1C;
	vm7 =	vcmask $0x2320;
	vm6 =	vcmask $0x2724  }
0x6: {  	v4 =	vimm.s32 $0x8F;
	vm5 =	vcmask $0x2B28;
	vm4 =	vcmask $0x2F2C  }
0x7: {  	vm3 =	vcmask $0x3330;
	vm1 =	vcmask $0x3734;
	vm2 =	vcmask $0x3B38  }
0x8: {  	v49 =	vimm.s32 $0x10FEDCBA;
	v51 =	vimm.s32 $0x98765432;
	v5 =	vimm.s32 $0x10F  }
0x9: {  	v54 =	vimm.s32 $0x210FEDCB;
	v55 =	vimm.s32 $0xA9876543;
	v11 =	vimm.s32 $0x20F  }
0xa: {  	v59 =	vimm.s32 $0x43210FED;
	v60 =	vimm.s32 $0xCBA98765;
	v62 =	vimm.s32 $0x28F  }
0xb: {  	v32 =	vimm.s32 $0x543210FE;
	v14 =	vimm.s32 $0xDCBA9876;
	v16 =	vimm.s32 $0xEDCBA987  }
0xc: {  	v43 =	vimm.s32 $0x58F;
	v0 =	vsel vm11, $0x80, v0;
	v1 =	vunpack.c.l.s4.s8 v1  }
0xd: {  	v2 =	vunpack.c.l.s4.s8 v2;
	v4 =	vsel vm11, $0x100, v4;
	v50 =	vunpack.c.l.s4.s8 v49  }
0xe: {  	v6 =	vsel vm11, $0x180, v5;
	v57 =	vsel vm11, $0x280, v11;
	v11 =	vunpack.c.l.s4.s8 v60  }
0xf: {  	v14 =	vunpack.c.l.s4.s8 v14;
	v16 =	vunpack.c.l.s4.s8 v16;
	v60 =	vimm.s32 $0x68F  }
0x10: {  	v0 =	vsel vm13, $0x101, v0;
	v4 =	vsel vm13, $0x181, v4;
	v53 =	vsel vm13, $0x201, v6  }
0x11: {  	v6 =	vunpack.c.l.s4.s8 v55;
	v0 =	vsel vm14, $0x182, v0;
	v37 =	vunpack.c.0.s8.s32 v1  }
0x12: {  	v38 =	vunpack.c.0.s8.s32 v2;
	v4 =	vsel vm14, $0x202, v4;
	v5 =	vunpack.c.0.s8.s32 v50  }
0x13: {  	v50 =	vimm.s32 $0x18F;
	v3 =	vsel vm15, $0x203, v0;
	v4 =	vsel vm15, $0x283, v4  }
0x14: {  	v56 =	vunpack.c.0.s8.s32 v6;
	v3 =	vsel vm12, $0x284, v3;
	v47 =	vcombine.low v38, v37  }
0x15: {  	v48 =	vsel vm12, $0x304, v4;
	v4 =	vunpack.c.l.s4.s8 v51;
	v51 =	vimm.s32 $0x3210FEDC  }
0x16: {  	v0 =	vcombine.low v37, v38;
	v46 =	vsel vm10, $0x305, v3;
	v3 =	vsel vm10, $0x385, v48  }
0x17: {  	v2 =	vsel vm9, $0x386, v46;
	v22 =	vand.u32 $0xF, v47;
	v3 =	vsel vm9, $0x406, v3  }
0x18: {  	v7 =	vunpack.c.0.s8.s32 v4;
	v4 =	vunpack.c.l.s4.s8 v54;
	v2 =	vsel vm8, $0x407, v2  }
0x19: {  	v29 =	vand.u32 $0xF, v0;
	v3 =	vsel vm8, $0x487, v3;
	v2 =	vsel vm7, $0x488, v2  }
0x1a: {  	v3 =	vsel vm7, $0x508, v3;
	v8 =	vcombine.low v7, v5;
	v5 =	vcombine.low v5, v7  }
0x1b: {  	v2 =	vsel vm6, $0x509, v2;
	v52 =	vsel vm6, $0x589, v3;
	v3 =	vsel vm14, $0x282, v53  }
0x1c: {  	v2 =	vsel vm5, $0x58A, v2;
	v3 =	vsel vm15, $0x303, v3;
	v24 =	vand.u32 $0xF, v8  }
0x1d: {  	v8 =	vunpack.c.l.s4.s8 v51;
	v30 =	vand.u32 $0xF, v5;
	v5 =	vsel vm11, $0x600, v43  }
0x1e: {  	v2 =	vsel vm4, $0x60B, v2;
	v3 =	vsel vm12, $0x384, v3;
	v5 =	vsel vm13, $0x681, v5  }
0x1f: {  	v2 =	vsel vm3, $0x68C, v2;
	v10 =	vsel vm10, $0x405, v3;
	v5 =	vsel vm14, $0x702, v5  }
0x20: {  	v2 =	vsel vm1, $0x70D, v2;
	v47 =	vsel vm9, $0x486, v10;
	v5 =	vsel vm15, $0x783, v5  }
0x21: {  	v23 =	vsel vm2, $0x78E, v2;
	v2 =	vsel vm5, $0x60A, v52;
	v52 =	vimm.s32 $0xBA987654  }
0x22: {  	v9 =	vsel vm4, $0x68B, v2;
	v2 =	vunpack.c.0.s8.s32 v4;
	v4 =	vsel vm8, $0x507, v47  }
0x23: {  	v46 =	vsel vm12, $0x4, v5;
	v48 =	vsel vm3, $0x70C, v9;
	v4 =	vsel vm7, $0x588, v4  }
0x24: {  	v9 =	vunpack.c.l.s4.s8 v52;
	v52 =	vsel vm10, $0x85, v46;
	v6 =	vsel vm1, $0x78D, v48  }
0x25: {  	v49 =	vcombine.low v56, v2;
	v4 =	vsel vm6, $0x609, v4;
	v2 =	vcombine.low v2, v56  }
0x26: {  	v25 =	vsel vm2, $0xE, v6;
	v4 =	vsel vm5, $0x68A, v4;
	v6 =	vsel vm11, $0x200, v50  }
0x27: {  	v55 =	vunpack.c.0.s8.s32 v9;
	v9 =	vsel vm13, $0x301, v57;
	v26 =	vand.u32 $0xF, v49  }
0x28: {  	v4 =	vsel vm4, $0x70B, v4;
	v6 =	vsel vm13, $0x281, v6;
	v9 =	vsel vm14, $0x382, v9  }
0x29: {  	v31 =	vand.u32 $0xF, v2;
	v6 =	vsel vm14, $0x302, v6;
	v53 =	vsel vm3, $0x78C, v4  }
0x2a: {  	v4 =	vunpack.c.0.s8.s32 v8;
	v9 =	vsel vm15, $0x403, v9;
	v6 =	vsel vm15, $0x383, v6  }
0x2b: {  	v10 =	vsel vm1, $0xD, v53;
	v9 =	vsel vm12, $0x484, v9;
	v53 =	vimm.s32 $0x60F  }
0x2c: {  	v54 =	vsel vm12, $0x404, v6;
	v58 =	vcombine.low v55, v4;
	v44 =	vsel vm2, $0x8E, v10  }
0x2d: {  	v9 =	vsel vm10, $0x505, v9;
	v10 =	vunpack.c.l.s4.s8 v59;
	v2 =	vsel vm11, $0x680, v53  }
0x2e: {  	v53 =	vimm.s32 $0x14131211;
	v8 =	vsel vm10, $0x485, v54;
	v9 =	vsel vm9, $0x586, v9  }
0x2f: {  	v2 =	vsel vm13, $0x701, v2;
	v54 =	vcombine.low v4, v55;
	v5 =	vunpack.c.0.s8.s32 v53  }
0x30: {  	v8 =	vsel vm9, $0x506, v8;
	v27 =	vand.u32 $0xF, v58;
	v9 =	vsel vm8, $0x607, v9  }
0x31: {  	v2 =	vsel vm14, $0x782, v2;
	v8 =	vsel vm8, $0x587, v8;
	v61 =	vsel vm7, $0x688, v9  }
0x32: {  	v9 =	vunpack.c.0.s8.s32 v11;
	v11 =	vsel vm11, $0x300, v62;
	v56 =	vsel vm15, $0x3, v2  }
0x33: {  	v62 =	vimm.s32 $0x70F;
	v8 =	vsel vm7, $0x608, v8;
	v11 =	vsel vm13, $0x381, v11  }
0x34: {  	v2 =	vsel vm11, $0x780, v62;
	v62 =	vimm.s32 $0x15141312;
	v8 =	vsel vm6, $0x689, v8  }
0x35: {  	v11 =	vsel vm14, $0x402, v11;
	v2 =	vsel vm13, $0x1, v2;
	v8 =	vsel vm5, $0x70A, v8  }
0x36: {  	v63 =	vsel vm15, $0x483, v11;
	v11 =	vunpack.c.l.s4.s8 v32;
	v32 =	vand.u32 $0xF, v54  }
0x37: {  	v2 =	vsel vm14, $0x82, v2;
	v54 =	vimm.s32 $0x18171615;
	v8 =	vsel vm4, $0x78B, v8  }
0x38: {  	v2 =	vsel vm15, $0x103, v2;
	v12 =	vsel vm3, $0xC, v8;
	v8 =	vunpack.c.0.s8.s32 v10  }
0x39: {  	v10 =	vsel vm6, $0x709, v61;
	v2 =	vsel vm12, $0x184, v2;
	v12 =	vsel vm1, $0x8D, v12  }
0x3a: {  	v10 =	vsel vm5, $0x78A, v10;
	v2 =	vsel vm10, $0x205, v2;
	v13 =	vcombine.low v9, v8  }
0x3b: {  	v10 =	vsel vm4, $0xB, v10;
	v41 =	vsel vm2, $0x10E, v12;
	v57 =	vcombine.low v8, v9  }
0x3c: {  	v7 =	vsel vm9, $0x286, v2;
	v8 =	vimm.s32 $0x80F;
	v10 =	vsel vm3, $0x8C, v10  }
0x3d: {  	v2 =	vsel vm11, $0x880, v8;
	v8 =	vimm.s32 $0x1211101F;
	v28 =	vand.u32 $0xF, v13  }
0x3e: {  	v12 =	vsel vm1, $0x10D, v10;
	v10 =	vsel vm12, $0x504, v63;
	v13 =	vimm.s32 $0x30F  }
0x3f: {  	v2 =	vsel vm13, $0x901, v2;
	v10 =	vsel vm10, $0x585, v10;
	v13 =	vsel vm11, $0x380, v13  }
0x40: {  	v45 =	vsel vm2, $0x18E, v12;
	v10 =	vsel vm9, $0x606, v10;
	v13 =	vsel vm13, $0x401, v13  }
0x41: {  	v2 =	vsel vm14, $0x982, v2;
	v15 =	vsel vm8, $0x687, v10;
	v13 =	vsel vm14, $0x482, v13  }
0x42: {  	v2 =	vsel vm15, $0xA03, v2;
	v33 =	vsel vm7, $0x708, v15;
	v15 =	vsel vm15, $0x503, v13  }
0x43: {  	v10 =	vunpack.c.0.s8.s32 v11;
	v13 =	vunpack.c.0.s8.s32 v14;
	v14 =	vsel vm12, $0x584, v15  }
0x44: {  	v11 =	vsel vm6, $0x789, v33;
	v15 =	vimm.s32 $0x6543210F;
	v12 =	vsel vm10, $0x605, v14  }
0x45: {  	v11 =	vsel vm5, $0xA, v11;
	v14 =	vcombine.low v13, v10;
	v12 =	vsel vm9, $0x686, v12  }
0x46: {  	v15 =	vunpack.c.l.s4.s8 v15;
	v63 =	vcombine.low v10, v13;
	v12 =	vsel vm8, $0x707, v12  }
0x47: {  	v11 =	vsel vm4, $0x8B, v11;
	v51 =	vand.u32 $0xF, v14;
	v12 =	vsel vm7, $0x788, v12  }
0x48: {  	v14 =	vsel vm3, $0x10C, v11;
	v11 =	vunpack.c.0.s8.s32 v15;
	v17 =	vsel vm6, $0x9, v12  }
0x49: {  	v46 =	vand.u32 $0xF, v63;
	v12 =	vunpack.c.0.s8.s32 v16;
	v15 =	vsel vm5, $0x8A, v17  }
0x4a: {  	v63 =	vimm.s32 $0x19181716;
	v14 =	vsel vm1, $0x18D, v14;
	v15 =	vsel vm4, $0x10B, v15  }
0x4b: {  	v16 =	vimm.s32 $0x38F;
	v17 =	vcombine.low v12, v11;
	v15 =	vsel vm3, $0x18C, v15  }
0x4c: {  	v50 =	vsel vm2, $0x20E, v14;
	v16 =	vsel vm11, $0x400, v16;
	v14 =	vsel vm1, $0x20D, v15  }
0x4d: {  	v15 =	vsel vm13, $0x481, v16;
	v48 =	vand.u32 $0xF, v17;
	v16 =	vimm.s32 $0x40F  }
0x4e: {  	v17 =	vimm.s32 $0xFEDCBA98;
	v49 =	vsel vm2, $0x28E, v14;
	v14 =	vsel vm14, $0x502, v15  }
0x4f: {  	v15 =	vimm.s32 $0x76543210;
	v16 =	vsel vm11, $0x480, v16;
	v14 =	vsel vm15, $0x583, v14  }
0x50: {  	v17 =	vunpack.c.l.s4.s8 v17;
	v16 =	vsel vm13, $0x501, v16;
	v14 =	vsel vm12, $0x604, v14  }
0x51: {  	v15 =	vunpack.c.l.s4.s8 v15;
	v16 =	vsel vm14, $0x582, v16;
	v14 =	vsel vm10, $0x685, v14  }
0x52: {  	v17 =	vunpack.c.0.s8.s32 v17;
	v16 =	vsel vm15, $0x603, v16;
	v14 =	vsel vm9, $0x706, v14  }
0x53: {  	v15 =	vunpack.c.0.s8.s32 v15;
	v16 =	vsel vm12, $0x684, v16;
	v14 =	vsel vm8, $0x787, v14  }
0x54: {  	v17 =	vand.u32 $0xF, v17;
	v16 =	vsel vm10, $0x705, v16;
	v14 =	vsel vm7, $0x8, v14  }
0x55: {  	v35 =	vcombine.low v17, v15;
	v15 =	vsel vm9, $0x786, v16;
	v14 =	vsel vm6, $0x89, v14  }
0x56: {  	v16 =	vimm.s32 $0x48F;
	v15 =	vsel vm8, $0x7, v15;
	v14 =	vsel vm5, $0x10A, v14  }
0x57: {  	v16 =	vsel vm11, $0x500, v16;
	v15 =	vsel vm7, $0x88, v15;
	v14 =	vsel vm4, $0x18B, v14  }
0x58: {  	v16 =	vsel vm13, $0x581, v16;
	v15 =	vsel vm6, $0x109, v15;
	v14 =	vsel vm3, $0x20C, v14  }
0x59: {  	v34 =	vsel vm5, $0x18A, v15;
	v15 =	vsel vm14, $0x602, v16;
	v14 =	vsel vm1, $0x28D, v14  }
0x5a: {  	v9 =	vcombine.low v11, v12;
	v36 =	vsel vm2, $0x30E, v14;
	v14 =	vsel vm15, $0x683, v15  }
0x5b: {  	v1 =	vsel vm4, $0x20B, v34;
	v38 =	vsel vm12, $0x704, v14;
	v14 =	vimm.s32 $0x50F  }
0x5c: {  	v37 =	vsel vm3, $0x28C, v1;
	v1 =	vsel vm10, $0x785, v38;
	v39 =	vsel vm11, $0x580, v14  }
0x5d: {  	v11 =	vsel vm12, $0xA84, v2;
	v1 =	vsel vm9, $0x6, v1;
	v42 =	vsel vm13, $0x601, v39  }
0x5e: {  	v33 =	vsel vm10, $0xB05, v11;
	v40 =	vsel vm8, $0x87, v1;
	v1 =	vsel vm14, $0x682, v42  }
0x5f: {  	v34 =	vimm.s32 $0x1C1B1A19;
	v0 =	vsel vm1, $0x30D, v37;
	v1 =	vsel vm15, $0x703, v1  }
0x60: {  	v61 =	vsel vm2, $0x38E, v0;
	v0 =	vsel vm7, $0x108, v40;
	v1 =	vsel vm12, $0x784, v1  }
0x61: {  	v3 =	vunpack.c.0.s8.s32 v34;
	v0 =	vsel vm6, $0x189, v0;
	v1 =	vsel vm10, $0x5, v1  }
0x62: {  	v37 =	vand.u32 $0xF, v57;
	v0 =	vsel vm5, $0x20A, v0;
	v1 =	vsel vm9, $0x86, v1  }
0x63: {  	v14 =	vand.u32 $0xF, v9;
	v0 =	vsel vm4, $0x28B, v0;
	v1 =	vsel vm8, $0x107, v1  }
0x64: {  	v9 =	vimm.s32 $0x16151413;
	v0 =	vsel vm3, $0x30C, v0;
	v1 =	vsel vm7, $0x188, v1  }
0x65: {  	v0 =	vsel vm1, $0x38D, v0;
	v47 =	vsel vm6, $0x209, v1;
	v1 =	vsel vm9, $0x106, v52  }
0x66: {  	v58 =	vsel vm2, $0x40E, v0;
	v52 =	vimm.s32 $0x88F;
	v1 =	vsel vm8, $0x187, v1  }
0x67: {  	v0 =	vsel vm5, $0x28A, v47;
	v47 =	vimm.s32 $0x101F1E1D;
	v1 =	vsel vm7, $0x208, v1  }
0x68: {  	v0 =	vsel vm4, $0x30B, v0;
	v4 =	vunpack.c.0.s8.s32 v47;
	v1 =	vsel vm6, $0x289, v1  }
0x69: {  	v47 =	vimm.s32 $0x1F1E1D1C;
	v0 =	vsel vm3, $0x38C, v0;
	v1 =	vsel vm5, $0x30A, v1  }
0x6a: {  	v53 =	vunpack.c.0.s8.s32 v47;
	v0 =	vsel vm1, $0x40D, v0;
	v55 =	vsel vm4, $0x38B, v1  }
0x6b: {  	v43 =	vsel vm2, $0x48E, v0;
	v1 =	vsel vm12, $0x84, v56;
	v0 =	vsel vm3, $0x40C, v55  }
0x6c: {  	v1 =	vsel vm10, $0x105, v1;
	v55 =	vimm.s32 $0x90F;
	v0 =	vsel vm1, $0x48D, v0  }
0x6d: {  	v59 =	vsel vm9, $0x186, v1;
	v1 =	vsel vm11, $0x700, v60;
	v57 =	vsel vm11, $0x980, v55  }
0x6e: {  	v40 =	vsel vm2, $0x50E, v0;
	v0 =	vsel vm8, $0x207, v59;
	v1 =	vsel vm13, $0x781, v1  }
0x6f: {  	v59 =	vimm.s32 $0x1D1C1B1A;
	v0 =	vsel vm7, $0x288, v0;
	v1 =	vsel vm14, $0x2, v1  }
0x70: {  	v2 =	vunpack.c.0.s8.s32 v59;
	v0 =	vsel vm6, $0x309, v0;
	v1 =	vsel vm15, $0x83, v1  }
0x71: {  	v60 =	vimm.s32 $0x11101F1E;
	v0 =	vsel vm5, $0x38A, v0;
	v1 =	vsel vm12, $0x104, v1  }
0x72: {  	[tilespmem:$0x1FC30] =	vst v2;
	v2 =	vunpack.c.0.s8.s32 v60;
	v0 =	vsel vm4, $0x40B, v0;
	v1 =	vsel vm10, $0x185, v1  }
0x73: {  	v60 =	vimm.s32 $0x98F;
	v0 =	vsel vm3, $0x48C, v0;
	v1 =	vsel vm9, $0x206, v1  }
0x74: {  	[tilespmem:$0x1FC40] =	vst v2;
	v2 =	vunpack.c.0.s8.s32 v62;
	v0 =	vsel vm1, $0x50D, v0;
	v1 =	vsel vm8, $0x287, v1  }
0x75: {  	v62 =	vimm.s32 $0xA0F;
	v39 =	vsel vm2, $0x58E, v0;
	v6 =	vsel vm7, $0x308, v1  }
0x76: {  	v1 =	vsel vm8, $0x307, v7;
	[tilespmem:$0x1FC50] =	vst v2;
	v2 =	vunpack.c.0.s8.s32 v63;
	v7 =	vimm.s32 $0x1E1D1C1B  }
0x77: {  	v63 =	vimm.s32 $0xA8F;
	v0 =	vsel vm6, $0x389, v6;
	v1 =	vsel vm7, $0x388, v1  }
0x78: {  	v6 =	vunpack.c.0.s8.s32 v54;
	v54 =	vimm.s32 $0x13121110;
	v0 =	vsel vm5, $0x40A, v0  }
0x79: {  	v1 =	vsel vm6, $0x409, v1;
	[tilespmem:$0x1FC60] =	vst v2;
	v2 =	vsel vm11, $0xB00, v63;
	v0 =	vsel vm4, $0x48B, v0  }
0x7a: {  	v1 =	vsel vm5, $0x48A, v1;
	v2 =	vsel vm13, $0xB81, v2;
	v0 =	vsel vm3, $0x50C, v0  }
0x7b: {  	v1 =	vsel vm4, $0x50B, v1;
	v2 =	vsel vm14, $0xC02, v2;
	v0 =	vsel vm1, $0x58D, v0  }
0x7c: {  	v1 =	vsel vm3, $0x58C, v1;
	v38 =	vsel vm2, $0x60E, v0;
	v0 =	vsel vm9, $0xB86, v33  }
0x7d: {  	v10 =	vsel vm1, $0x60D, v1;
	v1 =	vsel vm11, $0x900, v52;
	v0 =	vsel vm8, $0xC07, v0  }
0x7e: {  	v2 =	vsel vm15, $0xC83, v2;
	v1 =	vsel vm13, $0x981, v1;
	v0 =	vsel vm7, $0xC88, v0  }
0x7f: {  	v2 =	vsel vm12, $0xD04, v2;
	v1 =	vsel vm14, $0xA02, v1;
	v0 =	vsel vm6, $0xD09, v0  }
0x80: {  	v42 =	vsel vm2, $0x68E, v10;
	v1 =	vsel vm15, $0xA83, v1;
	v0 =	vsel vm5, $0xD8A, v0  }
0x81: {  	v10 =	vimm.s32 $0x1A191817;
	v1 =	vsel vm12, $0xB04, v1;
	v0 =	vsel vm4, $0xE0B, v0  }
0x82: {  	v56 =	vsel vm10, $0xB85, v1;
	v1 =	vsel vm13, $0xA01, v57;
	v0 =	vsel vm3, $0xE8C, v0  }
0x83: {  	v2 =	vsel vm10, $0xD85, v2;
	v1 =	vsel vm14, $0xA82, v1;
	v0 =	vsel vm1, $0xF0D, v0  }
0x84: {  	v1 =	vsel vm15, $0xB03, v1;
	v33 =	vsel vm2, $0xF8E, v0;
	v0 =	vsel vm9, $0xC06, v56  }
0x85: {  	v2 =	vsel vm9, $0xE06, v2;
	v1 =	vsel vm12, $0xB84, v1;
	v0 =	vsel vm8, $0xC87, v0  }
0x86: {  	v2 =	vsel vm8, $0xE87, v2;
	v1 =	vsel vm10, $0xC05, v1;
	v0 =	vsel vm7, $0xD08, v0  }
0x87: {  	v2 =	vsel vm7, $0xF08, v2;
	v1 =	vsel vm9, $0xC86, v1;
	v0 =	vsel vm6, $0xD89, v0  }
0x88: {  	v57 =	vimm.s32 $0x1B1A1918;
	v1 =	vsel vm8, $0xD07, v1;
	v0 =	vsel vm5, $0xE0A, v0  }
0x89: {  	v2 =	vsel vm6, $0xF89, v2;
	v1 =	vsel vm7, $0xD88, v1;
	v0 =	vsel vm4, $0xE8B, v0  }
0x8a: {  	v59 =	vunpack.c.0.s8.s32 v57;
	v1 =	vsel vm6, $0xE09, v1;
	v0 =	vsel vm3, $0xF0C, v0  }
0x8b: {  	v2 =	vsel vm5, $0x80A, v2;
	v1 =	vsel vm5, $0xE8A, v1;
	v0 =	vsel vm1, $0xF8D, v0  }
0x8c: {  	v1 =	vsel vm4, $0xF0B, v1;
	v34 =	vsel vm2, $0x80E, v0;
	v0 =	vunpack.c.0.s8.s32 v7  }
0x8d: {  	v57 =	vimm.s32 $0xD8F;
	v2 =	vsel vm4, $0x88B, v2;
	v1 =	vsel vm3, $0xF8C, v1  }
0x8e: {  	v11 =	vsel vm1, $0x80D, v1;
	v1 =	vsel vm11, $0xA80, v62;
	[tilespmem:$0x1FC70] =	vst v0;
	v0 =	vunpack.c.0.s8.s32 v8  }
0x8f: {  	v2 =	vsel vm3, $0x90C, v2;
	v55 =	vsel vm2, $0x88E, v11;
	v1 =	vsel vm13, $0xB01, v1  }
0x90: {  	v11 =	vimm.s32 $0xC0F;
	v1 =	vsel vm14, $0xB82, v1;
	[tilespmem:$0x1FC80] =	vst v0;
	v0 =	vunpack.c.0.s8.s32 v9  }
0x91: {  	v8 =	vsel vm1, $0x98D, v2;
	v2 =	vsel vm11, $0xC80, v11;
	v1 =	vsel vm15, $0xC03, v1  }
0x92: {  	v2 =	vsel vm13, $0xD01, v2;
	v1 =	vsel vm12, $0xC84, v1;
	[tilespmem:$0x1FC90] =	vst v0;
	v0 =	vunpack.c.0.s8.s32 v10  }
0x93: {  	v56 =	vimm.s32 $0x17161514;
	v2 =	vsel vm14, $0xD82, v2;
	v1 =	vsel vm10, $0xD05, v1  }
0x94: {  	v2 =	vsel vm15, $0xE03, v2;
	v1 =	vsel vm9, $0xD86, v1;
	[tilespmem:$0x1FCA0] =	vst v0;
	v0 =	vunpack.c.0.s8.s32 v54  }
0x95: {  	v9 =	vimm.s32 $0xB0F;
	v2 =	vsel vm12, $0xE84, v2;
	v1 =	vsel vm8, $0xE07, v1  }
0x96: {  	v2 =	vsel vm10, $0xF05, v2;
	v1 =	vsel vm7, $0xE88, v1;
	[tilespmem:$0x1FCC0] =	vst v0;
	v0 =	vunpack.c.0.s8.s32 v56  }
0x97: {  	v10 =	vimm.s32 $0xB8F;
	v2 =	vsel vm9, $0xF86, v2;
	v1 =	vsel vm6, $0xF09, v1  }
0x98: {  	v2 =	vsel vm8, $0x807, v2;
	v56 =	vimm.s32 $0xD0F;
	[tilespmem:$0x1FCD0] =	vst v0;
	v0 =	vsel vm11, $0xA00, v60  }
0x99: {  	v1 =	vsel vm5, $0xF8A, v1;
	v2 =	vsel vm7, $0x888, v2;
	v0 =	vsel vm13, $0xA81, v0  }
0x9a: {  	v1 =	vsel vm4, $0x80B, v1;
	v2 =	vsel vm6, $0x909, v2;
	v0 =	vsel vm14, $0xB02, v0  }
0x9b: {  	v1 =	vsel vm3, $0x88C, v1;
	v2 =	vsel vm5, $0x98A, v2;
	v0 =	vsel vm15, $0xB83, v0  }
0x9c: {  	v7 =	vsel vm1, $0x90D, v1;
	v1 =	vsel vm11, $0xC00, v10;
	v0 =	vsel vm12, $0xC04, v0  }
0x9d: {  	v2 =	vsel vm4, $0xA0B, v2;
	v1 =	vsel vm13, $0xC81, v1;
	v0 =	vsel vm10, $0xC85, v0  }
0x9e: {  	v63 =	vsel vm2, $0x98E, v7;
	v1 =	vsel vm14, $0xD02, v1;
	v0 =	vsel vm9, $0xD06, v0  }
0x9f: {  	v7 =	vsel vm2, $0xA0E, v8;
	v1 =	vsel vm15, $0xD83, v1;
	v0 =	vsel vm8, $0xD87, v0  }
0xa0: {  	v2 =	vsel vm3, $0xA8C, v2;
	v1 =	vsel vm12, $0xE04, v1;
	v0 =	vsel vm7, $0xE08, v0  }
0xa1: {  	v52 =	vsel vm1, $0xB0D, v2;
	v1 =	vsel vm10, $0xE85, v1;
	v0 =	vsel vm6, $0xE89, v0  }
0xa2: {  	v2 =	vsel vm11, $0xE00, v57;
	v1 =	vsel vm9, $0xF06, v1;
	v0 =	vsel vm5, $0xF0A, v0  }
0xa3: {  	[tilespmem:$0x1FCB0] =	vst v53;
	v53 =	vsel vm2, $0xB8E, v52;
	v1 =	vsel vm8, $0xF87, v1;
	v0 =	vsel vm4, $0xF8B, v0  }
0xa4: {  	v2 =	vsel vm13, $0xE81, v2;
	v1 =	vsel vm7, $0x808, v1;
	v0 =	vsel vm3, $0x80C, v0  }
0xa5: {  	v2 =	vsel vm14, $0xF02, v2;
	v1 =	vsel vm6, $0x889, v1;
	v0 =	vsel vm1, $0x88D, v0  }
0xa6: {  	v1 =	vsel vm5, $0x90A, v1;
	v62 =	vsel vm2, $0x90E, v0;
	v0 =	vsel vm11, $0xB80, v9  }
0xa7: {  	v2 =	vsel vm15, $0xF83, v2;
	v1 =	vsel vm4, $0x98B, v1;
	v0 =	vsel vm13, $0xC01, v0  }
0xa8: {  	v2 =	vsel vm12, $0x804, v2;
	v1 =	vsel vm3, $0xA0C, v1;
	v0 =	vsel vm14, $0xC82, v0  }
0xa9: {  	v47 =	vsel vm1, $0xA8D, v1;
	v1 =	vsel vm11, $0xD80, v56;
	v0 =	vsel vm15, $0xD03, v0  }
0xaa: {  	v2 =	vsel vm10, $0x885, v2;
	v1 =	vsel vm13, $0xE01, v1;
	v0 =	vsel vm12, $0xD84, v0  }
0xab: {  	v2 =	vsel vm9, $0x906, v2;
	v1 =	vsel vm14, $0xE82, v1;
	v0 =	vsel vm10, $0xE05, v0  }
0xac: {  	v2 =	vsel vm8, $0x987, v2;
	v1 =	vsel vm15, $0xF03, v1;
	v0 =	vsel vm9, $0xE86, v0  }
0xad: {  	v2 =	vsel vm7, $0xA08, v2;
	v1 =	vsel vm12, $0xF84, v1;
	v0 =	vsel vm8, $0xF07, v0  }
0xae: {  	v2 =	vsel vm6, $0xA89, v2;
	v1 =	vsel vm10, $0x805, v1;
	v0 =	vsel vm7, $0xF88, v0  }
0xaf: {  	v2 =	vsel vm5, $0xB0A, v2;
	v1 =	vsel vm9, $0x886, v1;
	v0 =	vsel vm6, $0x809, v0  }
0xb0: {  	v2 =	vsel vm4, $0xB8B, v2;
	v1 =	vsel vm8, $0x907, v1;
	v0 =	vsel vm5, $0x88A, v0  }
0xb1: {  	v2 =	vsel vm3, $0xC0C, v2;
	v1 =	vsel vm7, $0x988, v1;
	v0 =	vsel vm4, $0x90B, v0  }
0xb2: {  	[tilespmem:$0x1FCE0] =	vst v59;
	v60 =	vsel vm1, $0xC8D, v2;
	v1 =	vsel vm6, $0xA09, v1;
	v0 =	vsel vm3, $0x98C, v0  }
0xb3: {  	[tilespmem:$0x1FD00] =	vst v53;
	v11 =	vsel vm2, $0xD0E, v60;
	v1 =	vsel vm5, $0xA8A, v1;
	v0 =	vsel vm1, $0xA0D, v0  }
0xb4: {  	s0 =	rddreg [dreg:$0x0];
	s4 =	simm.s32 $0x0;
	[tilespmem:$0x1FD10] =	vst v11;
	v1 =	vsel vm4, $0xB0B, v1;
	v8 =	vsel vm2, $0xA8E, v0;
	v0 =	vsel vm2, $0xB0E, v47  }
0xb5: {  	[smem:$0x7FF] =	sst s4;
	v1 =	vsel vm3, $0xB8C, v1;
	[tilespmem:$0x1FCF0] =	vst v0  }
0xb6: {  	vm0 =	vcmask $0x1F10;
	s3 =	rddreg [dreg:$0x2];
	v59 =	vsel vm1, $0xC0D, v1;
	_ =	strace $0x80000047;
	[tilespmem:$0x1FD50] =	vst v3  }
0xb7: {  	v10 =	vsel vm2, $0xC8E, v59;
	v59 =	vsel vm0, v4, v3;
	[tilespmem:$0x1FD60] =	vst v4  }
0xb8: {  	[tilespmem:$0x1FD70] =	vst v59  }
0xb9: {  	[tilespmem:$0x1FD80] =	vst v5  }
0xba: {  	v60 =	vsel vm0, v6, v5;
	[tilespmem:$0x1FD90] =	vst v6  }
0xbb: {  	[tilespmem:$0x1FDA0] =	vst v60  }
0xbc: {  	[tilespmem:$0x1FDB0] =	vst v26  }
0xbd: {  	[tilespmem:$0x1FDC0] =	vst v24  }
0xbe: {  	v18 =	vlaneseq.u32;
	[tilespmem:$0x1FDD0] =	vst v28  }
0xbf: {  	v20 =	vmul.u32 $0x80, v18;
	[tilespmem:$0x1FDE0] =	vst v23  }
0xc0: {  	v21 =	vmul.u32 $0x81, v18;
	[tilespmem:$0x1FDF0] =	vst v22  }
0xc1: {  	[tilespmem:$0x1FE00] =	vst v20  }
0xc2: {  	[tilespmem:$0x1FE10] =	vst v21  }
0xc3: {  	[tilespmem:$0x1FE20] =	vst v27  }
0xc4: {  	v54 =	vimm.s32 $0xC8F;
	[tilespmem:$0x1FE30] =	vst v25  }
0xc5: {  	v0 =	vsel vm11, $0xD00, v54;
	[tilespmem:$0x1FE40] =	vst v44  }
0xc6: {  	v0 =	vsel vm13, $0xD81, v0;
	[tilespmem:$0x1FE50] =	vst v29  }
0xc7: {  	[tilespmem:$0x1FE60] =	vst v61;
	v0 =	vsel vm14, $0xE02, v0  }
0xc8: {  	[tilespmem:$0x1FE70] =	vst v30;
	v0 =	vsel vm15, $0xE83, v0  }
0xc9: {  	[tilespmem:$0x1FE80] =	vst v58;
	v0 =	vsel vm12, $0xF04, v0  }
0xca: {  	[tilespmem:$0x1FE90] =	vst v31;
	v0 =	vsel vm10, $0xF85, v0  }
0xcb: {  	[tilespmem:$0x1FEA0] =	vst v43;
	v0 =	vsel vm9, $0x806, v0  }
0xcc: {  	[tilespmem:$0x1FEB0] =	vst v32;
	v0 =	vsel vm8, $0x887, v0  }
0xcd: {  	[tilespmem:$0x1FEC0] =	vst v40;
	v0 =	vsel vm7, $0x908, v0  }
0xce: {  	[tilespmem:$0x1FED0] =	vst v37;
	v0 =	vsel vm6, $0x989, v0  }
0xcf: {  	v53 =	vimm.s32 $0xF0F;
	[tilespmem:$0x1FEE0] =	vst v39;
	v0 =	vsel vm5, $0xA0A, v0  }
0xd0: {  	v15 =	vor.u32 $0x10, v18;
	v2 =	vsel vm11, $0xF80, v53;
	[tilespmem:$0x1FEF0] =	vst v46;
	v0 =	vsel vm4, $0xA8B, v0  }
0xd1: {  	v52 =	vimm.s32 $0xE8F;
	v2 =	vsel vm13, $0x801, v2;
	[tilespmem:$0x1FF00] =	vst v38;
	v0 =	vsel vm3, $0xB0C, v0  }
0xd2: {  	v2 =	vsel vm14, $0x882, v2;
	v47 =	vimm.s32 $0xE0F;
	[tilespmem:$0x1FF10] =	vst v14;
	v0 =	vsel vm1, $0xB8D, v0  }
0xd3: {  	v2 =	vsel vm15, $0x903, v2;
	[tilespmem:$0x1FF20] =	vst v42;
	v9 =	vsel vm2, $0xC0E, v0;
	v0 =	vsel vm11, $0xE80, v47  }
0xd4: {  	v2 =	vsel vm12, $0x984, v2;
	v1 =	vsel vm11, $0xF00, v52;
	[tilespmem:$0x1FF30] =	vst v33;
	v0 =	vsel vm13, $0xF01, v0  }
0xd5: {  	v2 =	vsel vm10, $0xA05, v2;
	v1 =	vsel vm13, $0xF81, v1;
	[tilespmem:$0x1FF40] =	vst v34;
	v0 =	vsel vm14, $0xF82, v0  }
0xd6: {  	v2 =	vsel vm9, $0xA86, v2;
	v1 =	vsel vm14, $0x802, v1;
	[tilespmem:$0x1FF50] =	vst v55;
	v0 =	vsel vm15, $0x803, v0  }
0xd7: {  	v2 =	vsel vm8, $0xB07, v2;
	[tilespmem:$0x1FF60] =	vst v62;
	v1 =	vsel vm15, $0x883, v1;
	v0 =	vsel vm12, $0x884, v0  }
0xd8: {  	v2 =	vsel vm7, $0xB88, v2;
	[tilespmem:$0x1FF70] =	vst v63;
	v1 =	vsel vm12, $0x904, v1;
	v0 =	vsel vm10, $0x905, v0  }
0xd9: {  	v2 =	vsel vm6, $0xC09, v2;
	[tilespmem:$0x1FF80] =	vst v7;
	v1 =	vsel vm10, $0x985, v1;
	v0 =	vsel vm9, $0x986, v0  }
0xda: {  	v2 =	vsel vm5, $0xC8A, v2;
	[tilespmem:$0x1FF90] =	vst v8;
	v1 =	vsel vm9, $0xA06, v1;
	v0 =	vsel vm8, $0xA07, v0  }
0xdb: {  	v52 =	vor.u32 $0x800, v21;
	[tilespmem:$0x1FFB0] =	vst v10;
	v1 =	vsel vm8, $0xA87, v1;
	v0 =	vsel vm7, $0xA88, v0  }
0xdc: {  	v2 =	vsel vm4, $0xD0B, v2;
	[tilespmem:$0x1FFC0] =	vst v52;
	v1 =	vsel vm7, $0xB08, v1;
	v0 =	vsel vm6, $0xB09, v0  }
0xdd: {  	s1 =	srdreg.scid;
	s6 =	stileid.u32;
	s8 =	simm.s32 $0x400;
	v2 =	vsel vm3, $0xD8C, v2;
	[tilespmem:$0x1FFD0] =	vst v15;
	v1 =	vsel vm6, $0xB89, v1;
	v0 =	vsel vm5, $0xB8A, v0  }
0xde: {  	s9 =	simm.s32 $0x20000;
	s11 =	simm.s32 $0x5;
	s1 =	sand.u32 $0x1, s1;
	v56 =	vsel vm1, $0xE0D, v2;
	[tilespmem:$0x1FFE0] =	vst v45;
	v1 =	vsel vm5, $0xC0A, v1;
	v0 =	vsel vm4, $0xC0B, v0  }
0xdf: {  	s12 =	simm.s32 $0x80;
	s13 =	simm.s32 $0x1C00;
	s2 =	ssub.s32 $0x2, s1;
	[tilespmem:$0x1FFF0] =	vst v41;
	v57 =	vsel vm2, $0xE8E, v56;
	v1 =	vsel vm4, $0xC8B, v1;
	v0 =	vsel vm3, $0xC8C, v0  }
0xe0: {  	s14 =	simm.s32 $0x3800;
	s15 =	simm.s32 $0x1;
	s5 =	sshrl.u32 s2, $0x1;
	[tilespmem:$0x1FD40] =	vst v57;
	v1 =	vsel vm3, $0xD0C, v1;
	v0 =	vsel vm1, $0xD0D, v0  }
0xe1: {  	s16 =	simm.s32 $0x7800;
	s17 =	simm.s32 $0x2;
	s2 =	ssub.s32 s2, s5;
	v54 =	vsel vm1, $0xD8D, v1;
	[tilespmem:$0x1FFA0] =	vst v9;
	v0 =	vsel vm2, $0xD8E, v0  }
0xe2: {  	s30 =	sshll.u32 s6, $0x3;
	s1 =	sshll.u32 s1, $0x2;
	s31 =	smax.u32 s2, $0x1;
	[tilespmem:$0x1FD20] =	vst v0;
	v0 =	vsel vm2, $0xE0E, v54  }
0xe3: {  	s6 =	sor.u32 s1, s30;
	s5 =	simm.s32 $0x0;
	[dreg:$0x4] =	wrdreg s31;
	[tilespmem:$0x1FD30] =	vst v0  }
.LBB2_1:
0xe4: {  	[dreg:$0x5] =	wrdreg s5;
	s21 =	simm.s32 $0x0  }
.LBB2_2:
0xe5: {  	s1 =	sadd.s32 s6, s21  }
0xe6: {  	s5 =	rddreg [dreg:$0x1];
	s2 =	sshll.u32 s1, $0x7  }
0xe7: {  	s2 =	sadd.s32 s5, s2  }
0xe8: {  	[tilespmem:s4], [sflag:$0x5] =	stream.strided.gather [hbm4b:s2+s8], $0x1800, s9, s8, $0x38;
	[tilespmem:$0x1F800] =	vst v63  }
0xe9: {  	s31 =	simm.s32 $0x1800;
	s2 =	sadd.s32 $0x18000, s2  }
0xea: {  	[tilespmem:s31], [sflag:$0x5] =	stream.linear.gather [hbm4b:s2+s4], $0x100, $0x38;
	[tilespmem:$0x1F800] =	vst v63  }
0xeb: {  	_ =	swait.ge [sflag:s11], $0x1900  }
0xec: {  	[sflag:s11] =	ssyncset.done $0x0  }
0xed: {  	[sflag:s11] =	ssyncadd.s32 $0xFFFFE700  }
0xee: {  	v0 =	vld [tilespmem:$0x0]  }
0xef: {  	v1 =	vld [tilespmem:$0x10]  }
0xf0: {  	v2 =	vld [tilespmem:$0x20]  }
0xf1: {  	v47 =	vld [tilespmem:$0x30]  }
0xf2: {  	v56 =	vld [tilespmem:$0x40]  }
0xf3: {  	v3 =	vshrl.u32 v0, $0x2  }
0xf4: {  	v53 =	vshrl.u32 v1, $0x2;
	[tilespmem:$0x1C00] =	vst v3  }
0xf5: {  	v57 =	vshrl.u32 v2, $0x2;
	[tilespmem:$0x1C10] =	vst v53  }
0xf6: {  	v60 =	vld [tilespmem:$0x50];
	v6 =	vshrl.u32 v47, $0x2;
	[tilespmem:$0x1C20] =	vst v57  }
0xf7: {  	v0 =	vshll.u32 v0, $0x5;
	v9 =	vshrl.u32 v56, $0x2;
	[tilespmem:$0x1C30] =	vst v6  }
0xf8: {  	v1 =	vshll.u32 v1, $0x5;
	v0 =	vand.u32 $0x60, v0;
	[tilespmem:$0x1C40] =	vst v9  }
0xf9: {  	v2 =	vshll.u32 v2, $0x5;
	v54 =	vand.u32 $0x60, v1;
	[tilespmem:$0x0] =	vst v0  }
0xfa: {  	v8 =	vld [tilespmem:$0x60];
	v59 =	vand.u32 $0x60, v2;
	[tilespmem:$0x10] =	vst v54  }
0xfb: {  	v3 =	vshll.u32 v47, $0x5;
	v47 =	vshrl.u32 v60, $0x2;
	[tilespmem:$0x20] =	vst v59  }
0xfc: {  	v11 =	vld [tilespmem:$0x70];
	v1 =	vshll.u32 v56, $0x5;
	v7 =	vand.u32 $0x60, v3;
	[tilespmem:$0x1C50] =	vst v47  }
0xfd: {  	v2 =	vshll.u32 v60, $0x5;
	v10 =	vand.u32 $0x60, v1;
	[tilespmem:$0x30] =	vst v7  }
0xfe: {  	v53 =	vand.u32 $0x60, v2;
	[tilespmem:$0x40] =	vst v10  }
0xff: {  	v56 =	vshll.u32 v8, $0x5;
	v54 =	vshrl.u32 v8, $0x2;
	[tilespmem:$0x50] =	vst v53  }
0x100: {  	v57 =	vand.u32 $0x60, v56;
	[tilespmem:$0x1C60] =	vst v54  }
0x101: {  	v59 =	vshrl.u32 v11, $0x2;
	v1 =	vshll.u32 v11, $0x5;
	[tilespmem:$0x60] =	vst v57  }
0x102: {  	[tilespmem:$0x1C70] =	vst v59;
	v60 =	vand.u32 $0x60, v1  }
0x103: {  	s5 =	simm.s32 $0x240;
	s2 =	simm.s32 $0x80;
	[tilespmem:$0x70] =	vst v60  }
0x104: {  	[tilespmem:s14], [sflag:$0x1] =	stream.indirect.gather [hbm4b:s0+s12], $0x80, s13, s12, $0xb8;
	[tilespmem:$0x1F800] =	vst v63  }
.LBB2_3:
0x105: {  	p0 =	seq.s32 s5, $0x63C0;
	v0 =	vld [tilespmem:s2+$0x0];
	_ =	sdelay $0x2  }
.Ltmp0:
0x106: {  	(pc) =	sbr.rel @!p0 .LBB2_3-.Ltmp0, $4  }
0x107: {  	_ = 	snop  }
0x108: {  	v1 =	vshrl.u32 v0, $0x2;
	v0 =	vshll.u32 v0, $0x5  }
0x109: {  	[tilespmem:s2+$0x1C00] =	vst v1;
	v0 =	vand.u32 $0x60, v0  }
0x10a: {  	[tilespmem:s2+$0x0] =	vst v0;
	s2 =	sshra.s32 s5, $0x2;
	s5 =	sadd.s32 $0x40, s5  }
0x10b: {  	v0 =	vld [tilespmem:s2+$0x0];
	_ =	sdelay $0x4  }
0x10c: {  	v1 =	vshrl.u32 v0, $0x2;
	v0 =	vshll.u32 v0, $0x5  }
0x10d: {  	s22 =	sshll.u32 s1, $0xA;
	s23 =	smul.u32 $0x5, s21;
	[tilespmem:s2+$0x1C00] =	vst v1;
	v0 =	vand.u32 $0x60, v0  }
0x10e: {  	s1 =	simm.s32 $0x0;
	s25 =	simm.s32 $0x80;
	s26 =	simm.s32 $0x0;
	[tilespmem:s2+$0x0] =	vst v0  }
.LBB2_5:
0x10f: {  	s2 =	sadd.s32 s23, s26  }
0x110: {  	s28 =	sand.u32 $0x1, s2;
	p0 =	slt.u32 s2, $0x2  }
0x111: {  	s2 =	sadd.s32 @!p0 $0x3, s28  }
0x112: {  	s5 =	smul.u32 $0x28000, s28;
	_ =	swait.ge @!p0 [sflag:s2], $0xA000  }
0x113: {  	s30 =	smul.u32 $0xA, s26;
	[sflag:s2] =	ssyncset.done @!p0 $0x0  }
0x114: {  	s31 =	smov.u32 s25;
	s5 =	sshrl.u32 s5, $0x2;
	[sflag:s2] =	ssyncadd.s32 @!p0 $0xFFFF6000  }
0x115: {  	s29 =	sadd.s32 $0xB800, s5;
	s2 =	smov.u32 s1;
	s5 =	simm.s32 $0x0  }
.LBB2_6:
0x116: {  	s7 =	sshll.u32 s5, $0x1  }
0x117: {  	s18 =	sadd.s32 s30, s7  }
0x118: {  	s7 =	sshll.u32 s18, $0x9  }
0x119: {  	_ =	swait.ge [sflag:s15], $0x4000;
	s10 =	sshra.s32 s7, $0x2  }
0x11a: {  	[sflag:s15] =	ssyncset.done $0x0;
	s10 =	sor.u32 $0x80, s10  }
0x11b: {  	[sflag:s15] =	ssyncadd.s32 $0xFFFFC000;
	s10 =	sadd.s32 $0x1C00, s10  }
0x11c: {  	[tilespmem:s16], [sflag:$0x2] =	stream.indirect.gather [hbm4b:s0+s12], $0x80, s10, s12, $0xb8;
	[tilespmem:$0x1F800] =	vst v63  }
0x11d: {  	v1 =	vld [tilespmem:s2+$0x0];
	_ =	sdelay $0x2  }
0x11e: {  	s24 =	simm.s32 $0x0  }
0x11f: {  	v2 =	vlaneseq.u32;
	v0 =	vmov s24  }
0x120: {  	v0 =	vshll.u32 v0, $0x7;
	v3 =	vadd.s32 v2, v1  }
0x121: {  	v2 =	vor.u32 v20, v0;
	v0 =	vand.u32 $0xFFFFFF80, v3  }
0x122: {  	v3 =	vand.u32 $0x7F, v3;
	v0 =	vadd.s32 v2, v0  }
0x123: {  	v0 =	vor.u32 v3, v0;
	_ =	sdelay $0x2  }
0x124: {  	v3 =	vadd.s32 v22, v1  }
0x125: {  	v4 =	vand.u32 $0xFFFFFF80, v3  }
0x126: {  	v5 =	vor.u32 s24, v21;
	v3 =	vand.u32 $0x7F, v3;
	v4 =	vadd.s32 v2, v4;
	v0 =	vld.idx.msk [tilespmem:v0+s14+$0x0], $0xffff  }
0x127: {  	v3 =	vor.u32 v3, v4  }
0x128: {  	s19 =	sshll.u32 s5, $0xD  }
0x129: {  	s19 =	sand.u32 $0x3FFFE000, s19  }
0x12a: {  	s19 =	sadd.s32 s19, s29;
	v16 =	vadd.s32 v24, v1  }
0x12b: {  	v6 =	vand.u32 $0xFFFFFF80, v16;
	[tilespmem:v5+s19+$0x0] =	vst.idx.msk $0xffff, v0  }
0x12c: {  	v17 =	vor.u32 s24, v23;
	v4 =	vand.u32 $0x7F, v16;
	v0 =	vadd.s32 v2, v6;
	v3 =	vld.idx.msk [tilespmem:v3+s14+$0x0], $0xffff  }
0x12d: {  	v0 =	vor.u32 v4, v0;
	_ =	sdelay $0x2  }
0x12e: {  	v47 =	vadd.s32 v26, v1  }
0x12f: {  	v53 =	vand.u32 $0xFFFFFF80, v47;
	[tilespmem:v17+s19+$0x0] =	vst.idx.msk $0xffff, v3  }
0x130: {  	v56 =	vor.u32 s24, v25;
	v54 =	vadd.s32 v2, v53;
	v3 =	vand.u32 $0x7F, v47;
	v0 =	vld.idx.msk [tilespmem:v0+s14+$0x0], $0xffff  }
0x131: {  	v3 =	vor.u32 v3, v54;
	_ =	sdelay $0x2  }
0x132: {  	v57 =	vadd.s32 v27, v1  }
0x133: {  	v59 =	vand.u32 $0xFFFFFF80, v57;
	[tilespmem:v56+s19+$0x0] =	vst.idx.msk $0xffff, v0  }
0x134: {  	v60 =	vor.u32 s24, v44;
	v4 =	vand.u32 $0x7F, v57;
	v0 =	vadd.s32 v2, v59;
	v3 =	vld.idx.msk [tilespmem:v3+s14+$0x0], $0xffff  }
0x135: {  	v0 =	vor.u32 v4, v0;
	_ =	sdelay $0x2  }
0x136: {  	v9 =	vadd.s32 v28, v1  }
0x137: {  	v10 =	vand.u32 $0xFFFFFF80, v9;
	[tilespmem:v60+s19+$0x0] =	vst.idx.msk $0xffff, v3  }
0x138: {  	v11 =	vor.u32 s24, v41;
	v4 =	vand.u32 $0x7F, v9;
	v3 =	vadd.s32 v2, v10;
	v0 =	vld.idx.msk [tilespmem:v0+s14+$0x0], $0xffff  }
0x139: {  	v3 =	vor.u32 v4, v3;
	_ =	sdelay $0x2  }
0x13a: {  	v12 =	vadd.s32 v51, v1  }
0x13b: {  	v13 =	vand.u32 $0xFFFFFF80, v12;
	[tilespmem:v11+s19+$0x0] =	vst.idx.msk $0xffff, v0  }
0x13c: {  	v16 =	vor.u32 s24, v45;
	v4 =	vand.u32 $0x7F, v12;
	v0 =	vadd.s32 v2, v13;
	v3 =	vld.idx.msk [tilespmem:v3+s14+$0x0], $0xffff  }
0x13d: {  	v0 =	vor.u32 v4, v0;
	_ =	sdelay $0x2  }
0x13e: {  	v17 =	vadd.s32 v48, v1  }
0x13f: {  	v45 =	vand.u32 $0xFFFFFF80, v17;
	[tilespmem:v16+s19+$0x0] =	vst.idx.msk $0xffff, v3  }
0x140: {  	v47 =	vadd.s32 v2, v45;
	v4 =	vand.u32 $0x7F, v17;
	v3 =	vor.u32 s24, v50;
	v0 =	vld.idx.msk [tilespmem:v0+s14+$0x0], $0xffff  }
0x141: {  	v4 =	vor.u32 v4, v47;
	_ =	sdelay $0x2  }
0x142: {  	v53 =	vadd.s32 v35, v1  }
0x143: {  	v54 =	vand.u32 $0xFFFFFF80, v53;
	[tilespmem:v3+s19+$0x0] =	vst.idx.msk $0xffff, v0  }
0x144: {  	v5 =	vand.u32 $0x7F, v53;
	v0 =	vadd.s32 v2, v54;
	v3 =	vor.u32 s24, v49;
	v4 =	vld.idx.msk [tilespmem:v4+s14+$0x0], $0xffff  }
0x145: {  	v0 =	vor.u32 v5, v0;
	_ =	sdelay $0x2  }
0x146: {  	v56 =	vadd.s32 v29, v1  }
0x147: {  	v57 =	vand.u32 $0xFFFFFF80, v56;
	[tilespmem:v3+s19+$0x0] =	vst.idx.msk $0xffff, v4  }
0x148: {  	v59 =	vor.u32 s24, v36;
	v5 =	vand.u32 $0x7F, v56;
	v3 =	vadd.s32 v2, v57;
	v0 =	vld.idx.msk [tilespmem:v0+s14+$0x0], $0xffff  }
0x149: {  	v3 =	vor.u32 v5, v3;
	_ =	sdelay $0x2  }
0x14a: {  	v60 =	vadd.s32 v30, v1  }
0x14b: {  	v9 =	vand.u32 $0xFFFFFF80, v60;
	[tilespmem:v59+s19+$0x0] =	vst.idx.msk $0xffff, v0  }
0x14c: {  	v10 =	vor.u32 s24, v61;
	v5 =	vand.u32 $0x7F, v60;
	v0 =	vadd.s32 v2, v9;
	v3 =	vld.idx.msk [tilespmem:v3+s14+$0x0], $0xffff  }
0x14d: {  	v0 =	vor.u32 v5, v0;
	_ =	sdelay $0x2  }
0x14e: {  	v11 =	vadd.s32 v31, v1  }
0x14f: {  	v12 =	vand.u32 $0xFFFFFF80, v11;
	[tilespmem:v10+s19+$0x0] =	vst.idx.msk $0xffff, v3  }
0x150: {  	v13 =	vor.u32 s24, v58;
	v5 =	vand.u32 $0x7F, v11;
	v3 =	vadd.s32 v2, v12;
	v0 =	vld.idx.msk [tilespmem:v0+s14+$0x0], $0xffff  }
0x151: {  	v3 =	vor.u32 v5, v3;
	_ =	sdelay $0x2  }
0x152: {  	v16 =	vadd.s32 v32, v1  }
0x153: {  	v17 =	vand.u32 $0xFFFFFF80, v16;
	[tilespmem:v13+s19+$0x0] =	vst.idx.msk $0xffff, v0  }
0x154: {  	v43 =	vor.u32 s24, v43;
	v5 =	vand.u32 $0x7F, v16;
	v0 =	vadd.s32 v2, v17;
	v3 =	vld.idx.msk [tilespmem:v3+s14+$0x0], $0xffff  }
0x155: {  	v0 =	vor.u32 v5, v0;
	_ =	sdelay $0x2  }
0x156: {  	v45 =	vadd.s32 v37, v1  }
0x157: {  	v47 =	vand.u32 $0xFFFFFF80, v45;
	[tilespmem:v43+s19+$0x0] =	vst.idx.msk $0xffff, v3  }
0x158: {  	v53 =	vor.u32 s24, v40;
	v5 =	vand.u32 $0x7F, v45;
	v3 =	vadd.s32 v2, v47;
	v0 =	vld.idx.msk [tilespmem:v0+s14+$0x0], $0xffff  }
0x159: {  	v3 =	vor.u32 v5, v3;
	_ =	sdelay $0x2  }
0x15a: {  	v54 =	vadd.s32 v46, v1  }
0x15b: {  	v56 =	vand.u32 $0xFFFFFF80, v54;
	[tilespmem:v53+s19+$0x0] =	vst.idx.msk $0xffff, v0  }
0x15c: {  	v57 =	vor.u32 s24, v39;
	v5 =	vand.u32 $0x7F, v54;
	v0 =	vadd.s32 v2, v56;
	v3 =	vld.idx.msk [tilespmem:v3+s14+$0x0], $0xffff  }
0x15d: {  	v0 =	vor.u32 v5, v0;
	_ =	sdelay $0x2  }
0x15e: {  	v58 =	vadd.s32 v14, v1  }
0x15f: {  	v59 =	vand.u32 $0xFFFFFF80, v58;
	[tilespmem:v57+s19+$0x0] =	vst.idx.msk $0xffff, v3  }
0x160: {  	v60 =	vor.u32 s24, v38;
	v5 =	vand.u32 $0x7F, v58;
	v3 =	vadd.s32 v2, v59;
	v0 =	vld.idx.msk [tilespmem:v0+s14+$0x0], $0xffff  }
0x161: {  	v3 =	vor.u32 v5, v3  }
0x162: {  	v7 =	vld [tilespmem:$0x1FDA0]  }
0x163: {  	v11 =	vld [tilespmem:$0x1FD70]  }
0x164: {  	v18 =	vld [tilespmem:$0x1FC50];
	v61 =	vadd.s32 v15, v1  }
0x165: {  	v19 =	vld [tilespmem:$0x1FC60];
	v9 =	vand.u32 $0xFFFFFF80, v61;
	[tilespmem:v60+s19+$0x0] =	vst.idx.msk $0xffff, v0  }
0x166: {  	v10 =	vor.u32 s24, v42;
	v5 =	vand.u32 $0x7F, v61;
	v0 =	vadd.s32 v2, v9;
	v3 =	vld.idx.msk [tilespmem:v3+s14+$0x0], $0xffff  }
0x167: {  	v16 =	vld [tilespmem:$0x1FC30];
	v0 =	vor.u32 v5, v0  }
0x168: {  	v17 =	vld [tilespmem:$0x1FC40];
	v5 =	vcombine.low v7, v11;
	_ =	sdelay $0x1  }
0x169: {  	v13 =	vor.u32 s24, v52;
	v52 =	vld [tilespmem:$0x1FC80];
	[tilespmem:$0x1FB40] =	vst v5;
	v5 =	vadd.s32 v5, v1  }
0x16a: {  	v47 =	vld [tilespmem:$0x1FC70];
	v12 =	vand.u32 $0xFFFFFF80, v5;
	[tilespmem:v10+s19+$0x0] =	vst.idx.msk $0xffff, v3  }
0x16b: {  	v5 =	vand.u32 $0x7F, v5;
	v3 =	vadd.s32 v2, v12;
	v0 =	vld.idx.msk [tilespmem:v0+s14+$0x0], $0xffff  }
0x16c: {  	v6 =	vsel vm0, v19, v18;
	v45 =	vsel vm0, v17, v16;
	v54 =	vld [tilespmem:$0x1FCA0];
	v3 =	vor.u32 v5, v3  }
0x16d: {  	v14 =	vcombine.low v6, v45;
	v53 =	vld [tilespmem:$0x1FC90];
	_ =	sdelay $0x1  }
0x16e: {  	v56 =	vld [tilespmem:$0x1FCB0];
	v5 =	vadd.s32 v14, v1  }
0x16f: {  	v59 =	vld [tilespmem:$0x1FCD0];
	v8 =	vand.u32 $0xFFFFFF80, v5;
	[tilespmem:v13+s19+$0x0] =	vst.idx.msk $0xffff, v0  }
0x170: {  	v15 =	vor.u32 s24, v33;
	v5 =	vand.u32 $0x7F, v5;
	v0 =	vadd.s32 v2, v8;
	v3 =	vld.idx.msk [tilespmem:v3+s14+$0x0], $0xffff  }
0x171: {  	v57 =	vld [tilespmem:$0x1FCC0];
	v9 =	vsel vm0, v52, v47;
	v8 =	vsel vm0, v54, v53;
	v0 =	vor.u32 v5, v0  }
0x172: {  	v60 =	vld [tilespmem:$0x1FCE0];
	v33 =	vcombine.low v8, v9;
	_ =	sdelay $0x1  }
0x173: {  	v40 =	vld [tilespmem:$0x1FD50];
	v5 =	vadd.s32 v33, v1  }
0x174: {  	v39 =	vld [tilespmem:$0x1FD60];
	v10 =	vand.u32 $0xFFFFFF80, v5;
	[tilespmem:v15+s19+$0x0] =	vst.idx.msk $0xffff, v3  }
0x175: {  	v34 =	vor.u32 s24, v34;
	v5 =	vand.u32 $0x7F, v5;
	v3 =	vadd.s32 v2, v10;
	v0 =	vld.idx.msk [tilespmem:v0+s14+$0x0], $0xffff  }
0x176: {  	v42 =	vld [tilespmem:$0x1FD90];
	v11 =	vsel vm0, v57, v56;
	v10 =	vsel vm0, v60, v59;
	v3 =	vor.u32 v5, v3  }
0x177: {  	v13 =	vld [tilespmem:$0x1FD80];
	v37 =	vcombine.low v10, v11;
	_ =	sdelay $0x1  }
0x178: {  	v5 =	vadd.s32 v37, v1  }
0x179: {  	v12 =	vand.u32 $0xFFFFFF80, v5;
	[tilespmem:v34+s19+$0x0] =	vst.idx.msk $0xffff, v0  }
0x17a: {  	v38 =	vor.u32 s24, v55;
	v5 =	vand.u32 $0x7F, v5;
	v0 =	vadd.s32 v2, v12;
	v3 =	vld.idx.msk [tilespmem:v3+s14+$0x0], $0xffff  }
0x17b: {  	v12 =	vsel vm0, v13, v39;
	v13 =	vsel vm0, v40, v42;
	v0 =	vor.u32 v5, v0  }
0x17c: {  	v43 =	vcombine.low v13, v12;
	_ =	sdelay $0x1  }
0x17d: {  	v5 =	vadd.s32 v43, v1  }
0x17e: {  	v55 =	vand.u32 $0xFFFFFF80, v5;
	[tilespmem:v38+s19+$0x0] =	vst.idx.msk $0xffff, v3  }
0x17f: {  	v58 =	vor.u32 s24, v62;
	v5 =	vand.u32 $0x7F, v5;
	v3 =	vadd.s32 v2, v55;
	v0 =	vld.idx.msk [tilespmem:v0+s14+$0x0], $0xffff  }
0x180: {  	[tilespmem:$0x1FB50] =	vst v14;
	v14 =	vsel vm0, v18, v17;
	v15 =	vsel vm0, v16, v19;
	v3 =	vor.u32 v5, v3  }
0x181: {  	v61 =	vcombine.low v15, v14;
	_ =	sdelay $0x1  }
0x182: {  	v5 =	vadd.s32 v61, v1  }
0x183: {  	v62 =	vand.u32 $0xFFFFFF80, v5;
	[tilespmem:v58+s19+$0x0] =	vst.idx.msk $0xffff, v0  }
0x184: {  	[tilespmem:$0x1FB60] =	vst v33;
	v33 =	vor.u32 s24, v63;
	v5 =	vand.u32 $0x7F, v5;
	v0 =	vadd.s32 v2, v62;
	v3 =	vld.idx.msk [tilespmem:v3+s14+$0x0], $0xffff  }
0x185: {  	[tilespmem:$0x1FB70] =	vst v37;
	v37 =	vsel vm0, v47, v54;
	v34 =	vsel vm0, v53, v52;
	v40 =	vld [tilespmem:$0x1FF80];
	v0 =	vor.u32 v5, v0  }
0x186: {  	v38 =	vcombine.low v37, v34;
	_ =	sdelay $0x1  }
0x187: {  	v5 =	vadd.s32 v38, v1  }
0x188: {  	v18 =	vand.u32 $0xFFFFFF80, v5;
	[tilespmem:v33+s19+$0x0] =	vst.idx.msk $0xffff, v3  }
0x189: {  	v39 =	vand.u32 $0x7F, v5;
	v5 =	vor.u32 s24, v40;
	v3 =	vadd.s32 v2, v18;
	v0 =	vld.idx.msk [tilespmem:v0+s14+$0x0], $0xffff  }
0x18a: {  	v19 =	vsel vm0, v59, v57;
	[tilespmem:$0x1FB80] =	vst v43;
	v43 =	vld [tilespmem:$0x1FF90];
	v18 =	vsel vm0, v56, v60;
	v3 =	vor.u32 v39, v3  }
0x18b: {  	v42 =	vcombine.low v18, v19  }
0x18c: {  	v47 =	vld [tilespmem:$0x1FD70]  }
0x18d: {  	v4 =	vadd.s32 v42, v1  }
0x18e: {  	v18 =	vand.u32 $0xFFFFFF80, v4;
	[tilespmem:v5+s19+$0x0] =	vst.idx.msk $0xffff, v0  }
0x18f: {  	v4 =	vand.u32 $0x7F, v4;
	v0 =	vadd.s32 v2, v18;
	v5 =	vor.u32 s24, v43;
	v3 =	vld.idx.msk [tilespmem:v3+s14+$0x0], $0xffff  }
0x190: {  	v52 =	vld [tilespmem:$0x1FCF0];
	v0 =	vor.u32 v4, v0  }
0x191: {  	v4 =	vcombine.low v47, v7;
	_ =	sdelay $0x1  }
0x192: {  	[tilespmem:$0x1FBC0] =	vst v4;
	v4 =	vadd.s32 v4, v1  }
0x193: {  	[tilespmem:v5+s19+$0x0] =	vst.idx.msk $0xffff, v3;
	v3 =	vand.u32 $0xFFFFFF80, v4  }
0x194: {  	v5 =	vor.u32 s24, v52;
	v4 =	vand.u32 $0x7F, v4;
	v3 =	vadd.s32 v2, v3;
	v0 =	vld.idx.msk [tilespmem:v0+s14+$0x0], $0xffff  }
0x195: {  	v54 =	vld [tilespmem:$0x1FD00];
	v3 =	vor.u32 v4, v3  }
0x196: {  	v53 =	vcombine.low v45, v6;
	_ =	sdelay $0x1  }
0x197: {  	v4 =	vadd.s32 v53, v1  }
0x198: {  	[tilespmem:v5+s19+$0x0] =	vst.idx.msk $0xffff, v0;
	v0 =	vand.u32 $0xFFFFFF80, v4  }
0x199: {  	v5 =	vor.u32 s24, v54;
	v4 =	vand.u32 $0x7F, v4;
	v0 =	vadd.s32 v2, v0;
	v3 =	vld.idx.msk [tilespmem:v3+s14+$0x0], $0xffff  }
0x19a: {  	v56 =	vld [tilespmem:$0x1FFA0];
	v0 =	vor.u32 v4, v0  }
0x19b: {  	v55 =	vcombine.low v9, v8;
	_ =	sdelay $0x1  }
0x19c: {  	v4 =	vadd.s32 v55, v1  }
0x19d: {  	[tilespmem:v5+s19+$0x0] =	vst.idx.msk $0xffff, v3;
	v3 =	vand.u32 $0xFFFFFF80, v4  }
0x19e: {  	v5 =	vor.u32 s24, v56;
	v4 =	vand.u32 $0x7F, v4;
	v3 =	vadd.s32 v2, v3;
	v0 =	vld.idx.msk [tilespmem:v0+s14+$0x0], $0xffff  }
0x19f: {  	v58 =	vld [tilespmem:$0x1FFB0];
	v3 =	vor.u32 v4, v3  }
0x1a0: {  	v57 =	vcombine.low v11, v10;
	_ =	sdelay $0x1  }
0x1a1: {  	v4 =	vadd.s32 v57, v1  }
0x1a2: {  	[tilespmem:v5+s19+$0x0] =	vst.idx.msk $0xffff, v0;
	v0 =	vand.u32 $0xFFFFFF80, v4  }
0x1a3: {  	v5 =	vor.u32 s24, v58;
	v4 =	vand.u32 $0x7F, v4;
	v0 =	vadd.s32 v2, v0;
	v3 =	vld.idx.msk [tilespmem:v3+s14+$0x0], $0xffff  }
0x1a4: {  	v60 =	vld [tilespmem:$0x1FD10];
	v0 =	vor.u32 v4, v0;
	_ =	sdelay $0x2  }
0x1a5: {  	v59 =	vcombine.low v12, v13  }
0x1a6: {  	[tilespmem:v5+s19+$0x0] =	vst.idx.msk $0xffff, v3  }
0x1a7: {  	v4 =	vadd.s32 v59, v1;
	v5 =	vor.u32 s24, v60;
	v0 =	vld.idx.msk [tilespmem:v0+s14+$0x0], $0xffff  }
0x1a8: {  	v3 =	vand.u32 $0xFFFFFF80, v4  }
0x1a9: {  	[tilespmem:$0x1FB90] =	vst v61;
	v61 =	vcombine.low v14, v15;
	v4 =	vand.u32 $0x7F, v4;
	v3 =	vadd.s32 v2, v3  }
0x1aa: {  	v62 =	vld [tilespmem:$0x1FD20];
	v3 =	vor.u32 v4, v3  }
0x1ab: {  	v4 =	vadd.s32 v61, v1  }
0x1ac: {  	[tilespmem:v5+s19+$0x0] =	vst.idx.msk $0xffff, v0;
	v0 =	vand.u32 $0xFFFFFF80, v4  }
0x1ad: {  	v4 =	vand.u32 $0x7F, v4;
	v0 =	vadd.s32 v2, v0  }
0x1ae: {  	v4 =	vor.u32 v4, v0;
	v0 =	vcombine.low v34, v37  }
0x1af: {  	v5 =	vor.u32 s24, v62;
	v3 =	vld.idx.msk [tilespmem:v3+s14+$0x0], $0xffff  }
0x1b0: {  	[tilespmem:$0x1FC20] =	vst v0;
	v1 =	vadd.s32 v0, v1;
	v0 =	vld [tilespmem:$0x1FD30];
	_ =	sdelay $0x2  }
0x1b1: {  	[tilespmem:$0x1FBF0] =	vst v57  }
0x1b2: {  	[tilespmem:v5+s19+$0x0] =	vst.idx.msk $0xffff, v3;
	v3 =	vand.u32 $0xFFFFFF80, v1  }
0x1b3: {  	[tilespmem:$0x1FBD0] =	vst v53;
	v1 =	vand.u32 $0x7F, v1;
	v2 =	vadd.s32 v2, v3;
	v3 =	vld.idx.msk [tilespmem:v4+s14+$0x0], $0xffff;
	v63 =	vor.u32 s24, v0  }
0x1b4: {  	[tilespmem:$0x1FC00] =	vst v59;
	v1 =	vor.u32 v1, v2;
	v0 =	vld [tilespmem:$0x1FD40]  }
0x1b5: {  	[tilespmem:$0x1FBA0] =	vst v38  }
0x1b6: {  	[tilespmem:$0x1FBE0] =	vst v55  }
0x1b7: {  	[tilespmem:$0x1FC10] =	vst v61  }
0x1b8: {  	[tilespmem:v63+s19+$0x0] =	vst.idx.msk $0xffff, v3  }
0x1b9: {  	s20 =	simm.s32 $0x10;
	[tilespmem:$0x1FBB0] =	vst v42;
	v2 =	vor.u32 s24, v0;
	s24 =	smov.u32 s2;
	v1 =	vld.idx.msk [tilespmem:v1+s14+$0x0], $0xffff  }
.LBB2_7:
0x1ba: {  	_ =	sdelay $0x3  }
0x1bb: {  	s24 =	sadd.s32 $0x10, s24;
	[tilespmem:v2+s19+$0x0] =	vst.idx.msk $0xffff, v1  }
0x1bc: {  	v55 =	vld [tilespmem:s24+$0x0];
	_ =	sdelay $0x1  }
0x1bd: {  	s10 =	smov.u32 s20  }
0x1be: {  	v1 =	vmov s10  }
0x1bf: {  	v0 =	vlaneseq.u32;
	v1 =	vshll.u32 v1, $0x7  }
0x1c0: {  	v54 =	vor.u32 v20, v1;
	v1 =	vadd.s32 v0, v55;
	v0 =	vld [tilespmem:$0x1FED0];
	_ =	sdelay $0x4  }
0x1c1: {  	v37 =	vadd.s32 v0, v55;
	v0 =	vld [tilespmem:$0x1FF10];
	_ =	sdelay $0x4  }
0x1c2: {  	v58 =	vadd.s32 v29, v55;
	v29 =	vadd.s32 v0, v55;
	v0 =	vld [tilespmem:$0x1FFD0];
	_ =	sdelay $0x2  }
0x1c3: {  	v3 =	vand.u32 $0xFFFFFF80, v1  }
0x1c4: {  	v1 =	vand.u32 $0x7F, v1;
	v3 =	vadd.s32 v54, v3  }
0x1c5: {  	v1 =	vor.u32 v1, v3;
	v3 =	vadd.s32 v28, v55;
	v28 =	vadd.s32 v0, v55;
	v0 =	vld [tilespmem:$0x1FB40];
	_ =	sdelay $0x4  }
0x1c6: {  	v5 =	vadd.s32 v26, v55;
	v26 =	vadd.s32 v0, v55;
	v0 =	vld [tilespmem:$0x1FB50];
	_ =	sdelay $0x4  }
0x1c7: {  	v2 =	vadd.s32 v24, v55;
	v24 =	vadd.s32 v0, v55;
	v0 =	vld [tilespmem:$0x1FB60];
	_ =	sdelay $0x4  }
0x1c8: {  	v45 =	vor.u32 s10, v23;
	v23 =	vadd.s32 v0, v55;
	v0 =	vld [tilespmem:$0x1FB70];
	_ =	sdelay $0x4  }
0x1c9: {  	v20 =	vadd.s32 v0, v55;
	v0 =	vld [tilespmem:$0x1FB90];
	_ =	sdelay $0x4  }
0x1ca: {  	v6 =	vadd.s32 v22, v55;
	v15 =	vadd.s32 v0, v55;
	v0 =	vld [tilespmem:$0x1FBB0]  }
0x1cb: {  	v7 =	vand.u32 $0xFFFFFF80, v6  }
0x1cc: {  	v56 =	vadd.s32 v30, v55;
	v6 =	vand.u32 $0x7F, v6;
	v7 =	vadd.s32 v54, v7  }
0x1cd: {  	v47 =	vadd.s32 v27, v55;
	v6 =	vor.u32 v6, v7;
	v7 =	vand.u32 $0xFFFFFF80, v56  }
0x1ce: {  	v63 =	vadd.s32 v54, v7;
	v7 =	vand.u32 $0xFFFFFF80, v47  }
0x1cf: {  	v19 =	vadd.s32 v54, v7;
	v7 =	vadd.s32 v0, v55;
	v0 =	vld [tilespmem:$0x1FB80];
	_ =	sdelay $0x4  }
0x1d0: {  	v11 =	vor.u32 s10, v21;
	v21 =	vadd.s32 v0, v55;
	v0 =	vld [tilespmem:$0x1FBA0];
	_ =	sdelay $0x1  }
0x1d1: {  	v1 =	vld.idx.msk [tilespmem:v1+s14+$0x0], $0xffff;
	_ =	sdelay $0x2  }
0x1d2: {  	v18 =	vadd.s32 v0, v55;
	v0 =	vld [tilespmem:$0x1FBC0];
	_ =	sdelay $0x1  }
0x1d3: {  	v4 =	vand.u32 $0xFFFFFF80, v2;
	[tilespmem:v11+s19+$0x0] =	vst.idx.msk $0xffff, v1  }
0x1d4: {  	v42 =	vadd.s32 v32, v55;
	v2 =	vand.u32 $0x7F, v2;
	v4 =	vadd.s32 v54, v4;
	v1 =	vld.idx.msk [tilespmem:v6+s14+$0x0], $0xffff  }
0x1d5: {  	v14 =	vand.u32 $0xFFFFFF80, v42;
	v2 =	vor.u32 v2, v4  }
0x1d6: {  	v38 =	vadd.s32 v54, v14;
	v14 =	vadd.s32 v0, v55;
	v0 =	vld [tilespmem:$0x1FBD0]  }
0x1d7: {  	v60 =	vadd.s32 v35, v55;
	v53 =	vadd.s32 v31, v55  }
0x1d8: {  	v10 =	vand.u32 $0xFFFFFF80, v5;
	v5 =	vand.u32 $0x7F, v5;
	v12 =	vand.u32 $0xFFFFFF80, v60  }
0x1d9: {  	v10 =	vadd.s32 v54, v10;
	v39 =	vadd.s32 v54, v12;
	v8 =	vand.u32 $0xFFFFFF80, v3;
	[tilespmem:v45+s19+$0x0] =	vst.idx.msk $0xffff, v1  }
0x1da: {  	v5 =	vor.u32 v5, v10;
	v10 =	vadd.s32 v54, v8;
	v8 =	vand.u32 $0xFFFFFF80, v53;
	v1 =	vld.idx.msk [tilespmem:v2+s14+$0x0], $0xffff  }
0x1db: {  	v34 =	vadd.s32 v54, v8;
	v8 =	vor.u32 s10, v25;
	v12 =	vadd.s32 v0, v55;
	v0 =	vld [tilespmem:$0x1FBE0];
	_ =	sdelay $0x4  }
0x1dc: {  	v61 =	vadd.s32 v51, v55;
	[tilespmem:v8+s19+$0x0] =	vst.idx.msk $0xffff, v1;
	v8 =	vadd.s32 v0, v55;
	v0 =	vld [tilespmem:$0x1FBF0]  }
0x1dd: {  	v9 =	vand.u32 $0xFFFFFF80, v61  }
0x1de: {  	v31 =	vadd.s32 v46, v55;
	v40 =	vadd.s32 v54, v9;
	v9 =	vand.u32 $0xFFFFFF80, v37  }
0x1df: {  	v62 =	vadd.s32 v54, v9;
	v9 =	vor.u32 s10, v44;
	v6 =	vand.u32 $0xFFFFFF80, v31  }
0x1e0: {  	v59 =	vadd.s32 v54, v6;
	v17 =	vand.u32 $0xFFFFFF80, v24;
	v5 =	vld.idx.msk [tilespmem:v5+s14+$0x0], $0xffff;
	v6 =	vand.u32 $0xFFFFFF80, v7  }
0x1e1: {  	v32 =	vadd.s32 v54, v17;
	v17 =	vadd.s32 v54, v6;
	v6 =	vadd.s32 v0, v55;
	v0 =	vld [tilespmem:$0x1FC00];
	_ =	sdelay $0x3  }
0x1e2: {  	v46 =	vmov v41;
	v41 =	vor.u32 s10, v41  }
0x1e3: {  	v13 =	vand.u32 $0xFFFFFF80, v58;
	v11 =	vand.u32 $0xFFFFFF80, v29;
	[tilespmem:v9+s19+$0x0] =	vst.idx.msk $0xffff, v5;
	v5 =	vadd.s32 v0, v55;
	v0 =	vld [tilespmem:$0x1FC10]  }
0x1e4: {  	v33 =	vadd.s32 v54, v13;
	v57 =	vadd.s32 v54, v11;
	v4 =	vand.u32 $0xFFFFFF80, v28  }
0x1e5: {  	v11 =	vand.u32 $0x7F, v47;
	v52 =	vadd.s32 v54, v4;
	v2 =	vand.u32 $0xFFFFFF80, v20  }
0x1e6: {  	v16 =	vand.u32 $0xFFFFFF80, v26;
	v27 =	vadd.s32 v54, v2;
	v4 =	vand.u32 $0xFFFFFF80, v21  }
0x1e7: {  	v2 =	vor.u32 v11, v19;
	v25 =	vadd.s32 v54, v4;
	v4 =	vand.u32 $0xFFFFFF80, v12  }
0x1e8: {  	v13 =	vadd.s32 v54, v4;
	v4 =	vand.u32 $0x7F, v3;
	v3 =	vadd.s32 v0, v55;
	v0 =	vld [tilespmem:$0x1FC20]  }
0x1e9: {  	v47 =	vadd.s32 v54, v16;
	v22 =	vand.u32 $0xFFFFFF80, v23;
	v1 =	vand.u32 $0xFFFFFF80, v18  }
0x1ea: {  	v30 =	vadd.s32 v54, v22;
	v19 =	vadd.s32 v54, v1;
	v1 =	vand.u32 $0xFFFFFF80, v14  }
0x1eb: {  	v43 =	vand.u32 $0xFFFFFF80, v15;
	v16 =	vadd.s32 v54, v1;
	v1 =	vand.u32 $0xFFFFFF80, v8  }
0x1ec: {  	v22 =	vadd.s32 v54, v43;
	v43 =	vld.idx.msk [tilespmem:v2+s14+$0x0], $0xffff;
	v11 =	vadd.s32 v54, v1;
	v1 =	vand.u32 $0xFFFFFF80, v6  }
0x1ed: {  	v44 =	vor.u32 v4, v10;
	v10 =	vadd.s32 v54, v1;
	v1 =	vadd.s32 v0, v55;
	v0 =	vld [tilespmem:$0x1FFE0];
	_ =	sdelay $0x3  }
0x1ee: {  	v61 =	vand.u32 $0x7F, v61;
	[tilespmem:v41+s19+$0x0] =	vst.idx.msk $0xffff, v43;
	v2 =	vand.u32 $0xFFFFFF80, v5;
	v45 =	vand.u32 $0xFFFFFF80, v1  }
0x1ef: {  	v41 =	vld.idx.msk [tilespmem:v44+s14+$0x0], $0xffff;
	v9 =	vadd.s32 v54, v2;
	v2 =	vadd.s32 v54, v45;
	v45 =	vor.u32 s10, v0  }
0x1f0: {  	v40 =	vor.u32 v61, v40;
	_ =	sdelay $0x2  }
0x1f1: {  	v43 =	vadd.s32 v48, v55  }
0x1f2: {  	v55 =	vand.u32 $0xFFFFFF80, v43;
	[tilespmem:v45+s19+$0x0] =	vst.idx.msk $0xffff, v41  }
0x1f3: {  	v44 =	vor.u32 s10, v50;
	v43 =	vand.u32 $0x7F, v43;
	v45 =	vadd.s32 v54, v55;
	v40 =	vld.idx.msk [tilespmem:v40+s14+$0x0], $0xffff  }
0x1f4: {  	v41 =	vor.u32 v43, v45;
	_ =	sdelay $0x3  }
0x1f5: {  	v4 =	vand.u32 $0xFFFFFF80, v3;
	[tilespmem:v44+s19+$0x0] =	vst.idx.msk $0xffff, v40  }
0x1f6: {  	v4 =	vadd.s32 v54, v4;
	v54 =	vand.u32 $0x7F, v60;
	v43 =	vor.u32 s10, v49;
	v40 =	vld.idx.msk [tilespmem:v41+s14+$0x0], $0xffff  }
0x1f7: {  	v39 =	vor.u32 v54, v39;
	_ =	sdelay $0x3  }
0x1f8: {  	[tilespmem:v43+s19+$0x0] =	vst.idx.msk $0xffff, v40  }
0x1f9: {  	v60 =	vand.u32 $0x7F, v58;
	v41 =	vor.u32 s10, v36;
	v39 =	vld.idx.msk [tilespmem:v39+s14+$0x0], $0xffff  }
0x1fa: {  	v61 =	vld [tilespmem:$0x1FE60];
	v33 =	vor.u32 v60, v33;
	_ =	sdelay $0x3  }
0x1fb: {  	[tilespmem:v41+s19+$0x0] =	vst.idx.msk $0xffff, v39  }
0x1fc: {  	v54 =	vand.u32 $0x7F, v56;
	v40 =	vor.u32 s10, v61;
	v33 =	vld.idx.msk [tilespmem:v33+s14+$0x0], $0xffff  }
0x1fd: {  	v58 =	vld [tilespmem:$0x1FE80];
	v56 =	vor.u32 v54, v63;
	_ =	sdelay $0x3  }
0x1fe: {  	[tilespmem:v40+s19+$0x0] =	vst.idx.msk $0xffff, v33  }
0x1ff: {  	v53 =	vand.u32 $0x7F, v53;
	v45 =	vor.u32 s10, v58;
	v33 =	vld.idx.msk [tilespmem:v56+s14+$0x0], $0xffff  }
0x200: {  	v34 =	vor.u32 v53, v34;
	v43 =	vld [tilespmem:$0x1FEA0];
	_ =	sdelay $0x3  }
0x201: {  	[tilespmem:v45+s19+$0x0] =	vst.idx.msk $0xffff, v33  }
0x202: {  	v54 =	vor.u32 s10, v43;
	v56 =	vand.u32 $0x7F, v42;
	v33 =	vld.idx.msk [tilespmem:v34+s14+$0x0], $0xffff  }
0x203: {  	v40 =	vld [tilespmem:$0x1FEC0];
	v60 =	vor.u32 v56, v38;
	_ =	sdelay $0x3  }
0x204: {  	[tilespmem:v54+s19+$0x0] =	vst.idx.msk $0xffff, v33  }
0x205: {  	v37 =	vand.u32 $0x7F, v37;
	v45 =	vor.u32 s10, v40;
	v33 =	vld.idx.msk [tilespmem:v60+s14+$0x0], $0xffff  }
0x206: {  	v53 =	vor.u32 v37, v62;
	v39 =	vld [tilespmem:$0x1FEE0];
	_ =	sdelay $0x3  }
0x207: {  	[tilespmem:v45+s19+$0x0] =	vst.idx.msk $0xffff, v33  }
0x208: {  	v31 =	vand.u32 $0x7F, v31;
	v54 =	vor.u32 s10, v39;
	v33 =	vld.idx.msk [tilespmem:v53+s14+$0x0], $0xffff  }
0x209: {  	v31 =	vor.u32 v31, v59;
	v38 =	vld [tilespmem:$0x1FF00];
	_ =	sdelay $0x3  }
0x20a: {  	[tilespmem:v54+s19+$0x0] =	vst.idx.msk $0xffff, v33  }
0x20b: {  	v29 =	vand.u32 $0x7F, v29;
	v56 =	vor.u32 s10, v38;
	v31 =	vld.idx.msk [tilespmem:v31+s14+$0x0], $0xffff  }
0x20c: {  	v29 =	vor.u32 v29, v57;
	v42 =	vld [tilespmem:$0x1FF20];
	_ =	sdelay $0x3  }
0x20d: {  	[tilespmem:v56+s19+$0x0] =	vst.idx.msk $0xffff, v31  }
0x20e: {  	v28 =	vand.u32 $0x7F, v28;
	v57 =	vor.u32 s10, v42;
	v29 =	vld.idx.msk [tilespmem:v29+s14+$0x0], $0xffff  }
0x20f: {  	v28 =	vor.u32 v28, v52;
	v0 =	vld [tilespmem:$0x1FFC0];
	_ =	sdelay $0x3  }
0x210: {  	[tilespmem:v57+s19+$0x0] =	vst.idx.msk $0xffff, v29  }
0x211: {  	v26 =	vand.u32 $0x7F, v26;
	v31 =	vor.u32 s10, v0;
	v28 =	vld.idx.msk [tilespmem:v28+s14+$0x0], $0xffff  }
0x212: {  	v26 =	vor.u32 v26, v47;
	v33 =	vld [tilespmem:$0x1FF30];
	_ =	sdelay $0x3  }
0x213: {  	[tilespmem:v31+s19+$0x0] =	vst.idx.msk $0xffff, v28  }
0x214: {  	v24 =	vand.u32 $0x7F, v24;
	v29 =	vor.u32 s10, v33;
	v26 =	vld.idx.msk [tilespmem:v26+s14+$0x0], $0xffff  }
0x215: {  	v24 =	vor.u32 v24, v32;
	v34 =	vld [tilespmem:$0x1FF40];
	_ =	sdelay $0x3  }
0x216: {  	[tilespmem:v29+s19+$0x0] =	vst.idx.msk $0xffff, v26  }
0x217: {  	v23 =	vand.u32 $0x7F, v23;
	v28 =	vor.u32 s10, v34;
	v24 =	vld.idx.msk [tilespmem:v24+s14+$0x0], $0xffff  }
0x218: {  	v23 =	vor.u32 v23, v30;
	v55 =	vld [tilespmem:$0x1FF50];
	_ =	sdelay $0x3  }
0x219: {  	[tilespmem:v28+s19+$0x0] =	vst.idx.msk $0xffff, v24  }
0x21a: {  	v20 =	vand.u32 $0x7F, v20;
	v26 =	vor.u32 s10, v55;
	v23 =	vld.idx.msk [tilespmem:v23+s14+$0x0], $0xffff  }
0x21b: {  	v62 =	vld [tilespmem:$0x1FF60];
	v20 =	vor.u32 v20, v27;
	_ =	sdelay $0x3  }
0x21c: {  	[tilespmem:v26+s19+$0x0] =	vst.idx.msk $0xffff, v23  }
0x21d: {  	v21 =	vand.u32 $0x7F, v21;
	v24 =	vor.u32 s10, v62;
	v20 =	vld.idx.msk [tilespmem:v20+s14+$0x0], $0xffff  }
0x21e: {  	v21 =	vor.u32 v21, v25;
	v63 =	vld [tilespmem:$0x1FF70];
	_ =	sdelay $0x3  }
0x21f: {  	[tilespmem:v24+s19+$0x0] =	vst.idx.msk $0xffff, v20  }
0x220: {  	v15 =	vand.u32 $0x7F, v15;
	v23 =	vor.u32 s10, v63;
	v20 =	vld.idx.msk [tilespmem:v21+s14+$0x0], $0xffff  }
0x221: {  	v15 =	vor.u32 v15, v22;
	v0 =	vld [tilespmem:$0x1FF80];
	_ =	sdelay $0x3  }
0x222: {  	[tilespmem:v23+s19+$0x0] =	vst.idx.msk $0xffff, v20  }
0x223: {  	v18 =	vand.u32 $0x7F, v18;
	v20 =	vor.u32 s10, v0;
	v15 =	vld.idx.msk [tilespmem:v15+s14+$0x0], $0xffff  }
0x224: {  	v18 =	vor.u32 v18, v19;
	v19 =	vld [tilespmem:$0x1FF90];
	_ =	sdelay $0x3  }
0x225: {  	[tilespmem:v20+s19+$0x0] =	vst.idx.msk $0xffff, v15  }
0x226: {  	v7 =	vand.u32 $0x7F, v7;
	v15 =	vld.idx.msk [tilespmem:v18+s14+$0x0], $0xffff;
	v18 =	vor.u32 s10, v19  }
0x227: {  	v7 =	vor.u32 v7, v17;
	v17 =	vld [tilespmem:$0x1FCF0];
	_ =	sdelay $0x3  }
0x228: {  	[tilespmem:v18+s19+$0x0] =	vst.idx.msk $0xffff, v15  }
0x229: {  	v14 =	vand.u32 $0x7F, v14;
	v15 =	vor.u32 s10, v17;
	v7 =	vld.idx.msk [tilespmem:v7+s14+$0x0], $0xffff  }
0x22a: {  	v14 =	vor.u32 v14, v16;
	v18 =	vld [tilespmem:$0x1FD00];
	_ =	sdelay $0x3  }
0x22b: {  	[tilespmem:v15+s19+$0x0] =	vst.idx.msk $0xffff, v7  }
0x22c: {  	v12 =	vand.u32 $0x7F, v12;
	v59 =	vor.u32 s10, v18;
	v7 =	vld.idx.msk [tilespmem:v14+s14+$0x0], $0xffff  }
0x22d: {  	v47 =	vld [tilespmem:$0x1FFA0];
	v12 =	vor.u32 v12, v13;
	_ =	sdelay $0x3  }
0x22e: {  	[tilespmem:v59+s19+$0x0] =	vst.idx.msk $0xffff, v7  }
0x22f: {  	v8 =	vand.u32 $0x7F, v8;
	v60 =	vor.u32 s10, v47;
	v7 =	vld.idx.msk [tilespmem:v12+s14+$0x0], $0xffff  }
0x230: {  	v8 =	vor.u32 v8, v11;
	v11 =	vld [tilespmem:$0x1FFB0];
	_ =	sdelay $0x3  }
0x231: {  	[tilespmem:v60+s19+$0x0] =	vst.idx.msk $0xffff, v7  }
0x232: {  	v7 =	vld.idx.msk [tilespmem:v8+s14+$0x0], $0xffff;
	v8 =	vor.u32 s10, v11;
	_ =	sdelay $0x3  }
0x233: {  	v6 =	vand.u32 $0x7F, v6  }
0x234: {  	v6 =	vor.u32 v6, v10;
	[tilespmem:v8+s19+$0x0] =	vst.idx.msk $0xffff, v7;
	v8 =	vld [tilespmem:$0x1FD10];
	_ =	sdelay $0x4  }
0x235: {  	v6 =	vld.idx.msk [tilespmem:v6+s14+$0x0], $0xffff;
	v7 =	vor.u32 s10, v8  }
0x236: {  	v37 =	vld [tilespmem:$0x1FED0]  }
0x237: {  	v32 =	vld [tilespmem:$0x1FEB0]  }
0x238: {  	v30 =	vld [tilespmem:$0x1FE70]  }
0x239: {  	v27 =	vld [tilespmem:$0x1FE20];
	v5 =	vand.u32 $0x7F, v5  }
0x23a: {  	v5 =	vor.u32 v5, v9;
	[tilespmem:v7+s19+$0x0] =	vst.idx.msk $0xffff, v6;
	v7 =	vld [tilespmem:$0x1FD20]  }
0x23b: {  	v22 =	vld [tilespmem:$0x1FDF0]  }
0x23c: {  	v25 =	vld [tilespmem:$0x1FE30]  }
0x23d: {  	v10 =	vld [tilespmem:$0x1FD40]  }
0x23e: {  	v9 =	vld [tilespmem:$0x1FD30]  }
0x23f: {  	v3 =	vand.u32 $0x7F, v3;
	v5 =	vld.idx.msk [tilespmem:v5+s14+$0x0], $0xffff;
	v6 =	vor.u32 s10, v7  }
0x240: {  	v3 =	vor.u32 v3, v4;
	v44 =	vld [tilespmem:$0x1FE40]  }
0x241: {  	v41 =	vmov v46;
	v46 =	vld [tilespmem:$0x1FEF0]  }
0x242: {  	v31 =	vld [tilespmem:$0x1FE90]  }
0x243: {  	v29 =	vld [tilespmem:$0x1FE50]  }
0x244: {  	v28 =	vld [tilespmem:$0x1FDD0];
	[tilespmem:v6+s19+$0x0] =	vst.idx.msk $0xffff, v5  }
0x245: {  	v4 =	vor.u32 s10, v9;
	v1 =	vand.u32 $0x7F, v1;
	v3 =	vld.idx.msk [tilespmem:v3+s14+$0x0], $0xffff  }
0x246: {  	p0 =	sne.s32 s20, $0x70;
	v1 =	vor.u32 v1, v2;
	v26 =	vld [tilespmem:$0x1FDB0]  }
.Ltmp1:
0x247: {  	v24 =	vld [tilespmem:$0x1FDC0];
	(pc) =	sbr.rel @p0 .LBB2_7-.Ltmp1, $4  }
0x248: {  	v21 =	vld [tilespmem:$0x1FE10]  }
0x249: {  	v23 =	vld [tilespmem:$0x1FDE0]  }
0x24a: {  	v20 =	vld [tilespmem:$0x1FE00];
	[tilespmem:v4+s19+$0x0] =	vst.idx.msk $0xffff, v3  }
0x24b: {  	s20 =	sadd.s32 $0x10, s20;
	v2 =	vor.u32 s10, v10;
	v1 =	vld.idx.msk [tilespmem:v1+s14+$0x0], $0xffff  }
0x24c: {  	_ =	sdelay $0x3  }
0x24d: {  	[tilespmem:v2+s19+$0x0] =	vst.idx.msk $0xffff, v1  }
0x24e: {  	p0 =	sgt.u32 s18, $0x2F;
	_ =	swait.ge [sflag:s17], $0x4000  }
0x24f: {  	s7 =	sshra.s32 @!p0 s7, $0x2;
	s10 =	simm.s32 @!p0 $0x80;
	[sflag:s17] =	ssyncset.done $0x0  }
0x250: {  	s18 =	simm.s32 @!p0 $0x3800;
	s7 =	sadd.s32 @!p0 $0x1D00, s7;
	[sflag:s17] =	ssyncadd.s32 $0xFFFFC000  }
0x251: {  	[tilespmem:s18], [sflag:$0x1] =	stream.indirect.gather @!p0 [hbm4b:s0+s10], $0x80, s7, s10, $0xb8;
	[tilespmem:$0x1F800] =	vst v63  }
0x252: {  	v1 =	vld [tilespmem:s31+$0x0];
	_ =	sdelay $0x2  }
0x253: {  	s24 =	simm.s32 $0x0  }
0x254: {  	v3 =	vlaneseq.u32;
	v2 =	vmov s24  }
0x255: {  	v2 =	vshll.u32 v2, $0x7;
	v3 =	vadd.s32 v3, v1  }
0x256: {  	v2 =	vor.u32 v20, v2;
	v4 =	vand.u32 $0xFFFFFF80, v3  }
0x257: {  	v3 =	vand.u32 $0x7F, v3;
	v4 =	vadd.s32 v2, v4  }
0x258: {  	v3 =	vor.u32 v3, v4;
	_ =	sdelay $0x2  }
0x259: {  	v57 =	vadd.s32 v22, v1  }
0x25a: {  	v5 =	vand.u32 $0xFFFFFF80, v57  }
0x25b: {  	v6 =	vor.u32 s24, v21;
	v5 =	vadd.s32 v2, v5;
	v4 =	vand.u32 $0x7F, v57;
	v3 =	vld.idx.msk [tilespmem:v3+s16+$0x0], $0xffff  }
0x25c: {  	v4 =	vor.u32 v4, v5;
	_ =	sdelay $0x2  }
0x25d: {  	s7 =	sadd.s32 $0x1000, s19;
	v59 =	vadd.s32 v24, v1  }
0x25e: {  	[tilespmem:v6+s7+$0x0] =	vst.idx.msk $0xffff, v3;
	v3 =	vand.u32 $0xFFFFFF80, v59  }
0x25f: {  	v60 =	vor.u32 s24, v23;
	v5 =	vand.u32 $0x7F, v59;
	v3 =	vadd.s32 v2, v3;
	v4 =	vld.idx.msk [tilespmem:v4+s16+$0x0], $0xffff  }
0x260: {  	v3 =	vor.u32 v5, v3;
	_ =	sdelay $0x2  }
0x261: {  	v45 =	vadd.s32 v26, v1  }
0x262: {  	v52 =	vand.u32 $0xFFFFFF80, v45;
	[tilespmem:v60+s7+$0x0] =	vst.idx.msk $0xffff, v4  }
0x263: {  	v53 =	vor.u32 s24, v25;
	v5 =	vand.u32 $0x7F, v45;
	v4 =	vadd.s32 v2, v52;
	v3 =	vld.idx.msk [tilespmem:v3+s16+$0x0], $0xffff  }
0x264: {  	v4 =	vor.u32 v5, v4;
	_ =	sdelay $0x2  }
0x265: {  	v54 =	vadd.s32 v27, v1  }
0x266: {  	[tilespmem:v53+s7+$0x0] =	vst.idx.msk $0xffff, v3;
	v3 =	vand.u32 $0xFFFFFF80, v54  }
0x267: {  	v56 =	vor.u32 s24, v44;
	v5 =	vand.u32 $0x7F, v54;
	v3 =	vadd.s32 v2, v3;
	v4 =	vld.idx.msk [tilespmem:v4+s16+$0x0], $0xffff  }
0x268: {  	v3 =	vor.u32 v5, v3;
	_ =	sdelay $0x2  }
0x269: {  	v57 =	vadd.s32 v28, v1  }
0x26a: {  	v59 =	vand.u32 $0xFFFFFF80, v57;
	[tilespmem:v56+s7+$0x0] =	vst.idx.msk $0xffff, v4  }
0x26b: {  	v60 =	vor.u32 s24, v41;
	v5 =	vand.u32 $0x7F, v57;
	v4 =	vadd.s32 v2, v59;
	v3 =	vld.idx.msk [tilespmem:v3+s16+$0x0], $0xffff  }
0x26c: {  	v45 =	vld [tilespmem:$0x1FFE0];
	v4 =	vor.u32 v5, v4;
	_ =	sdelay $0x2  }
0x26d: {  	v41 =	vadd.s32 v51, v1  }
0x26e: {  	[tilespmem:v60+s7+$0x0] =	vst.idx.msk $0xffff, v3;
	v3 =	vand.u32 $0xFFFFFF80, v41  }
0x26f: {  	v52 =	vor.u32 s24, v45;
	v5 =	vand.u32 $0x7F, v41;
	v3 =	vadd.s32 v2, v3;
	v4 =	vld.idx.msk [tilespmem:v4+s16+$0x0], $0xffff  }
0x270: {  	v3 =	vor.u32 v5, v3;
	_ =	sdelay $0x2  }
0x271: {  	v53 =	vadd.s32 v48, v1  }
0x272: {  	v54 =	vand.u32 $0xFFFFFF80, v53;
	[tilespmem:v52+s7+$0x0] =	vst.idx.msk $0xffff, v4  }
0x273: {  	v56 =	vor.u32 s24, v50;
	v5 =	vand.u32 $0x7F, v53;
	v4 =	vadd.s32 v2, v54;
	v3 =	vld.idx.msk [tilespmem:v3+s16+$0x0], $0xffff  }
0x274: {  	v4 =	vor.u32 v5, v4;
	_ =	sdelay $0x2  }
0x275: {  	v57 =	vadd.s32 v35, v1  }
0x276: {  	[tilespmem:v56+s7+$0x0] =	vst.idx.msk $0xffff, v3;
	v3 =	vand.u32 $0xFFFFFF80, v57  }
0x277: {  	v59 =	vor.u32 s24, v49;
	v5 =	vand.u32 $0x7F, v57;
	v3 =	vadd.s32 v2, v3;
	v4 =	vld.idx.msk [tilespmem:v4+s16+$0x0], $0xffff  }
0x278: {  	v3 =	vor.u32 v5, v3;
	_ =	sdelay $0x2  }
0x279: {  	v60 =	vadd.s32 v29, v1  }
0x27a: {  	v41 =	vand.u32 $0xFFFFFF80, v60;
	[tilespmem:v59+s7+$0x0] =	vst.idx.msk $0xffff, v4  }
0x27b: {  	v52 =	vor.u32 s24, v36;
	v5 =	vand.u32 $0x7F, v60;
	v4 =	vadd.s32 v2, v41;
	v3 =	vld.idx.msk [tilespmem:v3+s16+$0x0], $0xffff  }
0x27c: {  	v4 =	vor.u32 v5, v4;
	_ =	sdelay $0x2  }
0x27d: {  	v53 =	vadd.s32 v30, v1  }
0x27e: {  	[tilespmem:v52+s7+$0x0] =	vst.idx.msk $0xffff, v3;
	v3 =	vand.u32 $0xFFFFFF80, v53  }
0x27f: {  	v54 =	vor.u32 s24, v61;
	v5 =	vand.u32 $0x7F, v53;
	v3 =	vadd.s32 v2, v3;
	v4 =	vld.idx.msk [tilespmem:v4+s16+$0x0], $0xffff  }
0x280: {  	v3 =	vor.u32 v5, v3;
	_ =	sdelay $0x2  }
0x281: {  	v56 =	vadd.s32 v31, v1  }
0x282: {  	v57 =	vand.u32 $0xFFFFFF80, v56;
	[tilespmem:v54+s7+$0x0] =	vst.idx.msk $0xffff, v4  }
0x283: {  	v58 =	vor.u32 s24, v58;
	v5 =	vand.u32 $0x7F, v56;
	v4 =	vadd.s32 v2, v57;
	v3 =	vld.idx.msk [tilespmem:v3+s16+$0x0], $0xffff  }
0x284: {  	v4 =	vor.u32 v5, v4;
	_ =	sdelay $0x2  }
0x285: {  	v59 =	vadd.s32 v32, v1  }
0x286: {  	[tilespmem:v58+s7+$0x0] =	vst.idx.msk $0xffff, v3;
	v3 =	vand.u32 $0xFFFFFF80, v59  }
0x287: {  	v60 =	vor.u32 s24, v43;
	v5 =	vand.u32 $0x7F, v59;
	v3 =	vadd.s32 v2, v3;
	v4 =	vld.idx.msk [tilespmem:v4+s16+$0x0], $0xffff  }
0x288: {  	v3 =	vor.u32 v5, v3;
	_ =	sdelay $0x2  }
0x289: {  	v61 =	vadd.s32 v37, v1  }
0x28a: {  	v41 =	vand.u32 $0xFFFFFF80, v61;
	[tilespmem:v60+s7+$0x0] =	vst.idx.msk $0xffff, v4  }
0x28b: {  	v43 =	vor.u32 s24, v40;
	v5 =	vand.u32 $0x7F, v61;
	v4 =	vadd.s32 v2, v41;
	v3 =	vld.idx.msk [tilespmem:v3+s16+$0x0], $0xffff  }
0x28c: {  	v4 =	vor.u32 v5, v4;
	_ =	sdelay $0x2  }
0x28d: {  	v52 =	vadd.s32 v46, v1  }
0x28e: {  	v14 =	vld [tilespmem:$0x1FF10];
	[tilespmem:v43+s7+$0x0] =	vst.idx.msk $0xffff, v3;
	v3 =	vand.u32 $0xFFFFFF80, v52  }
0x28f: {  	v53 =	vor.u32 s24, v39;
	v5 =	vand.u32 $0x7F, v52;
	v3 =	vadd.s32 v2, v3;
	v4 =	vld.idx.msk [tilespmem:v4+s16+$0x0], $0xffff  }
0x290: {  	v3 =	vor.u32 v5, v3;
	_ =	sdelay $0x2  }
0x291: {  	v54 =	vadd.s32 v14, v1  }
0x292: {  	v15 =	vld [tilespmem:$0x1FFD0];
	v56 =	vand.u32 $0xFFFFFF80, v54;
	[tilespmem:v53+s7+$0x0] =	vst.idx.msk $0xffff, v4  }
0x293: {  	v57 =	vor.u32 s24, v38;
	v5 =	vand.u32 $0x7F, v54;
	v4 =	vadd.s32 v2, v56;
	v3 =	vld.idx.msk [tilespmem:v3+s16+$0x0], $0xffff  }
0x294: {  	v4 =	vor.u32 v5, v4;
	_ =	sdelay $0x2  }
0x295: {  	v58 =	vadd.s32 v15, v1  }
0x296: {  	v60 =	vld [tilespmem:$0x1FB40];
	[tilespmem:v57+s7+$0x0] =	vst.idx.msk $0xffff, v3;
	v3 =	vand.u32 $0xFFFFFF80, v58  }
0x297: {  	v59 =	vor.u32 s24, v42;
	v5 =	vand.u32 $0x7F, v58;
	v3 =	vadd.s32 v2, v3;
	v4 =	vld.idx.msk [tilespmem:v4+s16+$0x0], $0xffff  }
0x298: {  	v52 =	vld [tilespmem:$0x1FFC0];
	v3 =	vor.u32 v5, v3;
	_ =	sdelay $0x2  }
0x299: {  	v5 =	vadd.s32 v60, v1  }
0x29a: {  	v39 =	vld [tilespmem:$0x1FB50];
	v61 =	vand.u32 $0xFFFFFF80, v5;
	[tilespmem:v59+s7+$0x0] =	vst.idx.msk $0xffff, v4  }
0x29b: {  	v38 =	vor.u32 s24, v52;
	v5 =	vand.u32 $0x7F, v5;
	v4 =	vadd.s32 v2, v61;
	v3 =	vld.idx.msk [tilespmem:v3+s16+$0x0], $0xffff  }
0x29c: {  	v4 =	vor.u32 v5, v4;
	_ =	sdelay $0x2  }
0x29d: {  	v5 =	vadd.s32 v39, v1  }
0x29e: {  	v41 =	vld [tilespmem:$0x1FB60];
	[tilespmem:v38+s7+$0x0] =	vst.idx.msk $0xffff, v3;
	v3 =	vand.u32 $0xFFFFFF80, v5  }
0x29f: {  	v40 =	vor.u32 s24, v33;
	v5 =	vand.u32 $0x7F, v5;
	v3 =	vadd.s32 v2, v3;
	v4 =	vld.idx.msk [tilespmem:v4+s16+$0x0], $0xffff  }
0x2a0: {  	v3 =	vor.u32 v5, v3;
	_ =	sdelay $0x2  }
0x2a1: {  	v5 =	vadd.s32 v41, v1  }
0x2a2: {  	v53 =	vld [tilespmem:$0x1FB70];
	v42 =	vand.u32 $0xFFFFFF80, v5;
	[tilespmem:v40+s7+$0x0] =	vst.idx.msk $0xffff, v4  }
0x2a3: {  	v43 =	vor.u32 s24, v34;
	v5 =	vand.u32 $0x7F, v5;
	v4 =	vadd.s32 v2, v42;
	v3 =	vld.idx.msk [tilespmem:v3+s16+$0x0], $0xffff  }
0x2a4: {  	v4 =	vor.u32 v5, v4;
	_ =	sdelay $0x2  }
0x2a5: {  	v5 =	vadd.s32 v53, v1  }
0x2a6: {  	v54 =	vor.u32 s24, v55;
	v55 =	vld [tilespmem:$0x1FB80];
	[tilespmem:v43+s7+$0x0] =	vst.idx.msk $0xffff, v3;
	v3 =	vand.u32 $0xFFFFFF80, v5  }
0x2a7: {  	v5 =	vand.u32 $0x7F, v5;
	v3 =	vadd.s32 v2, v3;
	v4 =	vld.idx.msk [tilespmem:v4+s16+$0x0], $0xffff  }
0x2a8: {  	v3 =	vor.u32 v5, v3;
	_ =	sdelay $0x2  }
0x2a9: {  	v5 =	vadd.s32 v55, v1  }
0x2aa: {  	v58 =	vld [tilespmem:$0x1FB90];
	v56 =	vand.u32 $0xFFFFFF80, v5;
	[tilespmem:v54+s7+$0x0] =	vst.idx.msk $0xffff, v4  }
0x2ab: {  	v57 =	vor.u32 s24, v62;
	v5 =	vand.u32 $0x7F, v5;
	v4 =	vadd.s32 v2, v56;
	v3 =	vld.idx.msk [tilespmem:v3+s16+$0x0], $0xffff  }
0x2ac: {  	v4 =	vor.u32 v5, v4;
	_ =	sdelay $0x2  }
0x2ad: {  	v5 =	vadd.s32 v58, v1  }
0x2ae: {  	v60 =	vld [tilespmem:$0x1FBA0];
	[tilespmem:v57+s7+$0x0] =	vst.idx.msk $0xffff, v3;
	v3 =	vand.u32 $0xFFFFFF80, v5  }
0x2af: {  	v59 =	vor.u32 s24, v63;
	v5 =	vand.u32 $0x7F, v5;
	v3 =	vadd.s32 v2, v3;
	v4 =	vld.idx.msk [tilespmem:v4+s16+$0x0], $0xffff  }
0x2b0: {  	v3 =	vor.u32 v5, v3;
	_ =	sdelay $0x2  }
0x2b1: {  	v5 =	vadd.s32 v60, v1  }
0x2b2: {  	v63 =	vld [tilespmem:$0x1FBB0];
	v61 =	vand.u32 $0xFFFFFF80, v5;
	[tilespmem:v59+s7+$0x0] =	vst.idx.msk $0xffff, v4  }
0x2b3: {  	v62 =	vor.u32 s24, v0;
	v5 =	vand.u32 $0x7F, v5;
	v4 =	vadd.s32 v2, v61;
	v3 =	vld.idx.msk [tilespmem:v3+s16+$0x0], $0xffff  }
0x2b4: {  	v4 =	vor.u32 v5, v4;
	_ =	sdelay $0x2  }
0x2b5: {  	v5 =	vadd.s32 v63, v1  }
0x2b6: {  	v34 =	vld [tilespmem:$0x1FBC0];
	[tilespmem:v62+s7+$0x0] =	vst.idx.msk $0xffff, v3;
	v3 =	vand.u32 $0xFFFFFF80, v5  }
0x2b7: {  	v33 =	vor.u32 s24, v19;
	v5 =	vand.u32 $0x7F, v5;
	v3 =	vadd.s32 v2, v3;
	v4 =	vld.idx.msk [tilespmem:v4+s16+$0x0], $0xffff  }
0x2b8: {  	v3 =	vor.u32 v5, v3;
	_ =	sdelay $0x2  }
0x2b9: {  	v5 =	vadd.s32 v34, v1  }
0x2ba: {  	v40 =	vld [tilespmem:$0x1FBD0];
	v38 =	vand.u32 $0xFFFFFF80, v5;
	[tilespmem:v33+s7+$0x0] =	vst.idx.msk $0xffff, v4  }
0x2bb: {  	v39 =	vor.u32 s24, v17;
	v5 =	vand.u32 $0x7F, v5;
	v4 =	vadd.s32 v2, v38;
	v3 =	vld.idx.msk [tilespmem:v3+s16+$0x0], $0xffff  }
0x2bc: {  	v4 =	vor.u32 v5, v4;
	_ =	sdelay $0x2  }
0x2bd: {  	v5 =	vadd.s32 v40, v1  }
0x2be: {  	v42 =	vld [tilespmem:$0x1FBE0];
	[tilespmem:v39+s7+$0x0] =	vst.idx.msk $0xffff, v3;
	v3 =	vand.u32 $0xFFFFFF80, v5  }
0x2bf: {  	v41 =	vor.u32 s24, v18;
	v5 =	vand.u32 $0x7F, v5;
	v3 =	vadd.s32 v2, v3;
	v4 =	vld.idx.msk [tilespmem:v4+s16+$0x0], $0xffff  }
0x2c0: {  	v3 =	vor.u32 v5, v3;
	_ =	sdelay $0x2  }
0x2c1: {  	v5 =	vadd.s32 v42, v1  }
0x2c2: {  	v54 =	vld [tilespmem:$0x1FBF0];
	v43 =	vand.u32 $0xFFFFFF80, v5;
	[tilespmem:v41+s7+$0x0] =	vst.idx.msk $0xffff, v4  }
0x2c3: {  	v53 =	vor.u32 s24, v47;
	v5 =	vand.u32 $0x7F, v5;
	v4 =	vadd.s32 v2, v43;
	v3 =	vld.idx.msk [tilespmem:v3+s16+$0x0], $0xffff  }
0x2c4: {  	v4 =	vor.u32 v5, v4;
	_ =	sdelay $0x2  }
0x2c5: {  	v5 =	vadd.s32 v54, v1  }
0x2c6: {  	v56 =	vld [tilespmem:$0x1FC00];
	[tilespmem:v53+s7+$0x0] =	vst.idx.msk $0xffff, v3;
	v3 =	vand.u32 $0xFFFFFF80, v5  }
0x2c7: {  	v55 =	vor.u32 s24, v11;
	v5 =	vand.u32 $0x7F, v5;
	v3 =	vadd.s32 v2, v3;
	v4 =	vld.idx.msk [tilespmem:v4+s16+$0x0], $0xffff  }
0x2c8: {  	v3 =	vor.u32 v5, v3;
	_ =	sdelay $0x2  }
0x2c9: {  	v5 =	vadd.s32 v56, v1  }
0x2ca: {  	v59 =	vld [tilespmem:$0x1FC10];
	v57 =	vand.u32 $0xFFFFFF80, v5;
	[tilespmem:v55+s7+$0x0] =	vst.idx.msk $0xffff, v4  }
0x2cb: {  	v58 =	vor.u32 s24, v8;
	v5 =	vand.u32 $0x7F, v5;
	v4 =	vadd.s32 v2, v57;
	v3 =	vld.idx.msk [tilespmem:v3+s16+$0x0], $0xffff  }
0x2cc: {  	v4 =	vor.u32 v5, v4;
	_ =	sdelay $0x2  }
0x2cd: {  	v5 =	vadd.s32 v59, v1  }
0x2ce: {  	v61 =	vld [tilespmem:$0x1FC20];
	[tilespmem:v58+s7+$0x0] =	vst.idx.msk $0xffff, v3;
	v3 =	vand.u32 $0xFFFFFF80, v5  }
0x2cf: {  	v60 =	vor.u32 s24, v7;
	v5 =	vand.u32 $0x7F, v5;
	v3 =	vadd.s32 v2, v3;
	v4 =	vld.idx.msk [tilespmem:v4+s16+$0x0], $0xffff  }
0x2d0: {  	v3 =	vor.u32 v5, v3;
	_ =	sdelay $0x2  }
0x2d1: {  	v1 =	vadd.s32 v61, v1  }
0x2d2: {  	v62 =	vand.u32 $0xFFFFFF80, v1;
	[tilespmem:v60+s7+$0x0] =	vst.idx.msk $0xffff, v4  }
0x2d3: {  	v63 =	vor.u32 s24, v9;
	v1 =	vand.u32 $0x7F, v1;
	v2 =	vadd.s32 v2, v62;
	v3 =	vld.idx.msk [tilespmem:v3+s16+$0x0], $0xffff  }
0x2d4: {  	v1 =	vor.u32 v1, v2;
	_ =	sdelay $0x3  }
0x2d5: {  	[tilespmem:v63+s7+$0x0] =	vst.idx.msk $0xffff, v3  }
0x2d6: {  	s18 =	simm.s32 $0x10;
	s19 =	smov.u32 s31;
	v2 =	vor.u32 s24, v10;
	v1 =	vld.idx.msk [tilespmem:v1+s16+$0x0], $0xffff  }
.LBB2_9:
0x2d7: {  	_ =	sdelay $0x3  }
0x2d8: {  	s19 =	sadd.s32 $0x10, s19;
	v0 =	vld [tilespmem:$0x1FB40];
	[tilespmem:v2+s7+$0x0] =	vst.idx.msk $0xffff, v1  }
0x2d9: {  	v1 =	vld [tilespmem:s19+$0x0];
	_ =	sdelay $0x4  }
0x2da: {  	v61 =	vadd.s32 v29, v1;
	v29 =	vadd.s32 v0, v1;
	v0 =	vld [tilespmem:$0x1FB50];
	_ =	sdelay $0x4  }
0x2db: {  	s10 =	smov.u32 s18;
	v7 =	vadd.s32 v26, v1;
	v26 =	vadd.s32 v0, v1;
	v0 =	vld [tilespmem:$0x1FB60]  }
0x2dc: {  	v2 =	vmov s10  }
0x2dd: {  	v3 =	vlaneseq.u32;
	v2 =	vshll.u32 v2, $0x7;
	v5 =	vadd.s32 v22, v1  }
0x2de: {  	v4 =	vadd.s32 v3, v1;
	v3 =	vor.u32 v20, v2;
	v2 =	vand.u32 $0xFFFFFF80, v5  }
0x2df: {  	v5 =	vand.u32 $0x7F, v5;
	v2 =	vadd.s32 v3, v2  }
0x2e0: {  	v2 =	vor.u32 v5, v2;
	v5 =	vor.u32 s10, v23;
	v23 =	vadd.s32 v0, v1;
	v0 =	vld [tilespmem:$0x1FB70];
	_ =	sdelay $0x2  }
0x2e1: {  	v6 =	vand.u32 $0xFFFFFF80, v4  }
0x2e2: {  	v4 =	vand.u32 $0x7F, v4;
	v6 =	vadd.s32 v3, v6  }
0x2e3: {  	v4 =	vor.u32 v4, v6;
	v6 =	vadd.s32 v24, v1;
	v24 =	vadd.s32 v0, v1;
	v0 =	vld [tilespmem:$0x1FB80];
	_ =	sdelay $0x2  }
0x2e4: {  	v39 =	vadd.s32 v51, v1  }
0x2e5: {  	v13 =	vand.u32 $0xFFFFFF80, v39  }
0x2e6: {  	v40 =	vadd.s32 v3, v13;
	v13 =	vor.u32 s10, v21;
	v21 =	vadd.s32 v0, v1;
	v0 =	vld [tilespmem:$0x1FB90];
	_ =	sdelay $0x4  }
0x2e7: {  	v18 =	vadd.s32 v0, v1;
	v0 =	vld [tilespmem:$0x1FBA0]  }
0x2e8: {  	v4 =	vld.idx.msk [tilespmem:v4+s16+$0x0], $0xffff;
	_ =	sdelay $0x3  }
0x2e9: {  	v17 =	vadd.s32 v0, v1;
	v0 =	vld [tilespmem:$0x1FBB0]  }
0x2ea: {  	v10 =	vadd.s32 v27, v1;
	v8 =	vand.u32 $0xFFFFFF80, v6;
	[tilespmem:v13+s7+$0x0] =	vst.idx.msk $0xffff, v4  }
0x2eb: {  	v41 =	vadd.s32 v28, v1;
	v6 =	vand.u32 $0x7F, v6;
	v8 =	vadd.s32 v3, v8;
	v2 =	vld.idx.msk [tilespmem:v2+s16+$0x0], $0xffff  }
0x2ec: {  	v57 =	vadd.s32 v31, v1;
	v47 =	vand.u32 $0xFFFFFF80, v41;
	v4 =	vor.u32 v6, v8  }
0x2ed: {  	v9 =	vand.u32 $0xFFFFFF80, v7;
	v11 =	vand.u32 $0xFFFFFF80, v10;
	v43 =	vadd.s32 v3, v47  }
0x2ee: {  	v47 =	vadd.s32 v37, v1;
	v37 =	vadd.s32 v14, v1;
	v14 =	vadd.s32 v0, v1;
	v0 =	vld [tilespmem:$0x1FBC0]  }
0x2ef: {  	v9 =	vadd.s32 v3, v9;
	v12 =	vadd.s32 v3, v11;
	v11 =	vand.u32 $0xFFFFFF80, v57  }
0x2f0: {  	v59 =	vadd.s32 v3, v11;
	v11 =	vand.u32 $0x7F, v7;
	[tilespmem:v5+s7+$0x0] =	vst.idx.msk $0xffff, v2;
	v2 =	vand.u32 $0xFFFFFF80, v29  }
0x2f1: {  	v5 =	vor.u32 s10, v25;
	v4 =	vld.idx.msk [tilespmem:v4+s16+$0x0], $0xffff;
	v31 =	vadd.s32 v3, v2;
	v2 =	vand.u32 $0xFFFFFF80, v23  }
0x2f2: {  	v27 =	vadd.s32 v3, v2;
	v2 =	vor.u32 v11, v9;
	v11 =	vand.u32 $0xFFFFFF80, v18  }
0x2f3: {  	v20 =	vadd.s32 v3, v11;
	v11 =	vadd.s32 v0, v1;
	v0 =	vld [tilespmem:$0x1FBD0];
	_ =	sdelay $0x2  }
0x2f4: {  	[tilespmem:v5+s7+$0x0] =	vst.idx.msk $0xffff, v4;
	v4 =	vand.u32 $0xFFFFFF80, v17  }
0x2f5: {  	v19 =	vadd.s32 v3, v4;
	v4 =	vor.u32 s10, v44;
	v44 =	vand.u32 $0x7F, v10  }
0x2f6: {  	v44 =	vor.u32 v44, v12;
	v12 =	vadd.s32 v0, v1;
	v0 =	vld [tilespmem:$0x1FBE0];
	_ =	sdelay $0x1  }
0x2f7: {  	v33 =	vadd.s32 v35, v1  }
0x2f8: {  	v58 =	vadd.s32 v30, v1;
	v30 =	vadd.s32 v15, v1;
	v54 =	vand.u32 $0xFFFFFF80, v33  }
0x2f9: {  	v34 =	vadd.s32 v3, v54;
	v54 =	vadd.s32 v32, v1;
	v9 =	vand.u32 $0xFFFFFF80, v21  }
0x2fa: {  	v32 =	vand.u32 $0xFFFFFF80, v54;
	v22 =	vadd.s32 v3, v9;
	v9 =	vadd.s32 v0, v1;
	v0 =	vld [tilespmem:$0x1FBF0]  }
0x2fb: {  	v56 =	vadd.s32 v3, v32;
	v13 =	vmovc v52;
	v52 =	vadd.s32 v46, v1;
	v46 =	vand.u32 $0xFFFFFF80, v30  }
0x2fc: {  	v8 =	vand.u32 $0xFFFFFF80, v26;
	v32 =	vadd.s32 v3, v46;
	v46 =	vand.u32 $0xFFFFFF80, v24  }
0x2fd: {  	v25 =	vadd.s32 v3, v46;
	v7 =	vld.idx.msk [tilespmem:v2+s16+$0x0], $0xffff;
	v46 =	vand.u32 $0xFFFFFF80, v14;
	v2 =	vand.u32 $0xFFFFFF80, v11  }
0x2fe: {  	v28 =	vadd.s32 v3, v8;
	v16 =	vadd.s32 v3, v46;
	v8 =	vadd.s32 v3, v2  }
0x2ff: {  	v2 =	vand.u32 $0xFFFFFF80, v12;
	v46 =	vand.u32 $0xFFFFFF80, v9;
	v6 =	vadd.s32 v0, v1  }
0x300: {  	v10 =	vadd.s32 v3, v2;
	v0 =	vadd.s32 v3, v46;
	v2 =	vand.u32 $0xFFFFFF80, v6  }
0x301: {  	[tilespmem:$0x1FB20] =	vst v0;
	v0 =	vadd.s32 v3, v2  }
0x302: {  	[tilespmem:$0x1FB30] =	vst v0;
	v0 =	vld [tilespmem:$0x1FC00];
	_ =	sdelay $0x3  }
0x303: {  	v46 =	vld [tilespmem:$0x1FC20]  }
0x304: {  	v5 =	vadd.s32 v0, v1;
	v0 =	vld [tilespmem:$0x1FC10];
	_ =	sdelay $0x4  }
0x305: {  	v63 =	vadd.s32 v48, v1;
	v2 =	vadd.s32 v0, v1;
	v1 =	vadd.s32 v46, v1;
	v46 =	vld [tilespmem:$0x1FFF0];
	_ =	sdelay $0x1  }
0x306: {  	v53 =	vand.u32 $0xFFFFFF80, v63  }
0x307: {  	v55 =	vand.u32 $0xFFFFFF80, v61;
	v60 =	vand.u32 $0xFFFFFF80, v58;
	v41 =	vand.u32 $0x7F, v41  }
0x308: {  	v38 =	vadd.s32 v3, v53;
	v42 =	vand.u32 $0xFFFFFF80, v47;
	v41 =	vor.u32 v41, v43;
	[tilespmem:v4+s7+$0x0] =	vst.idx.msk $0xffff, v7  }
0x309: {  	v44 =	vld.idx.msk [tilespmem:v44+s16+$0x0], $0xffff;
	v4 =	vand.u32 $0xFFFFFF80, v5;
	v0 =	vmovc v36;
	v36 =	vmovc v35;
	v35 =	vmov v49;
	v46 =	vor.u32 s10, v46  }
0x30a: {  	v49 =	vmovc v48;
	v48 =	vmovc v50;
	v50 =	vmov v51;
	v51 =	vmov v45;
	v45 =	vand.u32 $0xFFFFFF80, v2  }
0x30b: {  	v7 =	vadd.s32 v3, v4;
	v4 =	vadd.s32 v3, v45;
	v45 =	vand.u32 $0xFFFFFF80, v1  }
0x30c: {  	v62 =	vadd.s32 v3, v55;
	v55 =	vadd.s32 v3, v42;
	v42 =	vand.u32 $0xFFFFFF80, v37  }
0x30d: {  	v60 =	vadd.s32 v3, v60;
	v42 =	vadd.s32 v3, v42;
	v53 =	vand.u32 $0xFFFFFF80, v52  }
0x30e: {  	v53 =	vadd.s32 v3, v53;
	v3 =	vadd.s32 v3, v45;
	v45 =	vmov v51;
	[tilespmem:v46+s7+$0x0] =	vst.idx.msk $0xffff, v44  }
0x30f: {  	v39 =	vand.u32 $0x7F, v39;
	v43 =	vor.u32 s10, v45;
	v41 =	vld.idx.msk [tilespmem:v41+s16+$0x0], $0xffff  }
0x310: {  	v39 =	vor.u32 v39, v40;
	_ =	sdelay $0x3  }
0x311: {  	v51 =	vmov v50;
	v50 =	vmov v48;
	[tilespmem:v43+s7+$0x0] =	vst.idx.msk $0xffff, v41  }
0x312: {  	v40 =	vor.u32 s10, v50;
	v41 =	vand.u32 $0x7F, v63;
	v39 =	vld.idx.msk [tilespmem:v39+s16+$0x0], $0xffff  }
0x313: {  	v38 =	vor.u32 v41, v38;
	_ =	sdelay $0x3  }
0x314: {  	v48 =	vmov v49;
	v49 =	vmov v35;
	[tilespmem:v40+s7+$0x0] =	vst.idx.msk $0xffff, v39  }
0x315: {  	v33 =	vand.u32 $0x7F, v33;
	v39 =	vor.u32 s10, v49;
	v38 =	vld.idx.msk [tilespmem:v38+s16+$0x0], $0xffff  }
0x316: {  	v33 =	vor.u32 v33, v34;
	_ =	sdelay $0x3  }
0x317: {  	[tilespmem:v39+s7+$0x0] =	vst.idx.msk $0xffff, v38  }
0x318: {  	v34 =	vor.u32 s10, v0;
	v41 =	vand.u32 $0x7F, v61;
	v33 =	vld.idx.msk [tilespmem:v33+s16+$0x0], $0xffff  }
0x319: {  	v61 =	vld [tilespmem:$0x1FE60];
	v38 =	vor.u32 v41, v62;
	_ =	sdelay $0x3  }
0x31a: {  	[tilespmem:v34+s7+$0x0] =	vst.idx.msk $0xffff, v33  }
0x31b: {  	v41 =	vand.u32 $0x7F, v58;
	v34 =	vor.u32 s10, v61;
	v33 =	vld.idx.msk [tilespmem:v38+s16+$0x0], $0xffff  }
0x31c: {  	v58 =	vld [tilespmem:$0x1FE80];
	v38 =	vor.u32 v41, v60;
	_ =	sdelay $0x3  }
0x31d: {  	[tilespmem:v34+s7+$0x0] =	vst.idx.msk $0xffff, v33  }
0x31e: {  	v41 =	vor.u32 s10, v58;
	v60 =	vand.u32 $0x7F, v57;
	v33 =	vld.idx.msk [tilespmem:v38+s16+$0x0], $0xffff  }
0x31f: {  	v43 =	vld [tilespmem:$0x1FEA0];
	v38 =	vor.u32 v60, v59;
	_ =	sdelay $0x3  }
0x320: {  	[tilespmem:v41+s7+$0x0] =	vst.idx.msk $0xffff, v33  }
0x321: {  	v54 =	vand.u32 $0x7F, v54;
	v41 =	vor.u32 s10, v43;
	v33 =	vld.idx.msk [tilespmem:v38+s16+$0x0], $0xffff  }
0x322: {  	v40 =	vld [tilespmem:$0x1FEC0];
	v38 =	vor.u32 v54, v56;
	_ =	sdelay $0x3  }
0x323: {  	[tilespmem:v41+s7+$0x0] =	vst.idx.msk $0xffff, v33  }
0x324: {  	v57 =	vor.u32 s10, v40;
	v59 =	vand.u32 $0x7F, v47;
	v33 =	vld.idx.msk [tilespmem:v38+s16+$0x0], $0xffff  }
0x325: {  	v39 =	vld [tilespmem:$0x1FEE0];
	v38 =	vor.u32 v59, v55;
	_ =	sdelay $0x3  }
0x326: {  	[tilespmem:v57+s7+$0x0] =	vst.idx.msk $0xffff, v33  }
0x327: {  	v60 =	vor.u32 s10, v39;
	v41 =	vand.u32 $0x7F, v52;
	v33 =	vld.idx.msk [tilespmem:v38+s16+$0x0], $0xffff  }
0x328: {  	v38 =	vor.u32 v41, v53;
	_ =	sdelay $0x3  }
0x329: {  	[tilespmem:v60+s7+$0x0] =	vst.idx.msk $0xffff, v33  }
0x32a: {  	v33 =	vld.idx.msk [tilespmem:v38+s16+$0x0], $0xffff  }
0x32b: {  	v38 =	vld [tilespmem:$0x1FF00];
	_ =	sdelay $0x4  }
0x32c: {  	v37 =	vand.u32 $0x7F, v37;
	v47 =	vor.u32 s10, v38  }
0x32d: {  	v37 =	vor.u32 v37, v42;
	v42 =	vld [tilespmem:$0x1FF20];
	_ =	sdelay $0x3  }
0x32e: {  	[tilespmem:v47+s7+$0x0] =	vst.idx.msk $0xffff, v33  }
0x32f: {  	v30 =	vand.u32 $0x7F, v30;
	v53 =	vor.u32 s10, v42;
	v33 =	vld.idx.msk [tilespmem:v37+s16+$0x0], $0xffff  }
0x330: {  	v30 =	vor.u32 v30, v32;
	_ =	sdelay $0x3  }
0x331: {  	[tilespmem:v53+s7+$0x0] =	vst.idx.msk $0xffff, v33  }
0x332: {  	v29 =	vand.u32 $0x7F, v29;
	v54 =	vor.u32 s10, v13;
	v30 =	vld.idx.msk [tilespmem:v30+s16+$0x0], $0xffff  }
0x333: {  	v29 =	vor.u32 v29, v31;
	v33 =	vld [tilespmem:$0x1FF30];
	_ =	sdelay $0x3  }
0x334: {  	[tilespmem:v54+s7+$0x0] =	vst.idx.msk $0xffff, v30  }
0x335: {  	v26 =	vand.u32 $0x7F, v26;
	v30 =	vor.u32 s10, v33;
	v29 =	vld.idx.msk [tilespmem:v29+s16+$0x0], $0xffff  }
0x336: {  	v26 =	vor.u32 v26, v28;
	v34 =	vld [tilespmem:$0x1FF40];
	_ =	sdelay $0x3  }
0x337: {  	[tilespmem:v30+s7+$0x0] =	vst.idx.msk $0xffff, v29  }
0x338: {  	v23 =	vand.u32 $0x7F, v23;
	v28 =	vor.u32 s10, v34;
	v26 =	vld.idx.msk [tilespmem:v26+s16+$0x0], $0xffff  }
0x339: {  	v23 =	vor.u32 v23, v27;
	v55 =	vld [tilespmem:$0x1FF50];
	_ =	sdelay $0x3  }
0x33a: {  	[tilespmem:v28+s7+$0x0] =	vst.idx.msk $0xffff, v26  }
0x33b: {  	v24 =	vand.u32 $0x7F, v24;
	v26 =	vor.u32 s10, v55;
	v23 =	vld.idx.msk [tilespmem:v23+s16+$0x0], $0xffff  }
0x33c: {  	v24 =	vor.u32 v24, v25;
	v62 =	vld [tilespmem:$0x1FF60];
	_ =	sdelay $0x3  }
0x33d: {  	[tilespmem:v26+s7+$0x0] =	vst.idx.msk $0xffff, v23  }
0x33e: {  	v21 =	vand.u32 $0x7F, v21;
	v23 =	vld.idx.msk [tilespmem:v24+s16+$0x0], $0xffff;
	v24 =	vor.u32 s10, v62  }
0x33f: {  	v21 =	vor.u32 v21, v22;
	v63 =	vld [tilespmem:$0x1FF70];
	_ =	sdelay $0x3  }
0x340: {  	[tilespmem:v24+s7+$0x0] =	vst.idx.msk $0xffff, v23  }
0x341: {  	v18 =	vand.u32 $0x7F, v18;
	v22 =	vor.u32 s10, v63;
	v21 =	vld.idx.msk [tilespmem:v21+s16+$0x0], $0xffff  }
0x342: {  	v18 =	vor.u32 v18, v20;
	v35 =	vmov v36;
	v36 =	vmov v0;
	v0 =	vld [tilespmem:$0x1FF80];
	_ =	sdelay $0x3  }
0x343: {  	[tilespmem:v22+s7+$0x0] =	vst.idx.msk $0xffff, v21  }
0x344: {  	v17 =	vand.u32 $0x7F, v17;
	v20 =	vor.u32 s10, v0;
	v18 =	vld.idx.msk [tilespmem:v18+s16+$0x0], $0xffff  }
0x345: {  	v17 =	vor.u32 v17, v19;
	v0 =	vld [tilespmem:$0x1FF90];
	_ =	sdelay $0x3  }
0x346: {  	[tilespmem:v20+s7+$0x0] =	vst.idx.msk $0xffff, v18  }
0x347: {  	v14 =	vand.u32 $0x7F, v14;
	v18 =	vor.u32 s10, v0;
	v17 =	vld.idx.msk [tilespmem:v17+s16+$0x0], $0xffff  }
0x348: {  	v14 =	vor.u32 v14, v16;
	v0 =	vld [tilespmem:$0x1FCF0];
	_ =	sdelay $0x3  }
0x349: {  	[tilespmem:v18+s7+$0x0] =	vst.idx.msk $0xffff, v17  }
0x34a: {  	v11 =	vand.u32 $0x7F, v11;
	v16 =	vor.u32 s10, v0;
	v14 =	vld.idx.msk [tilespmem:v14+s16+$0x0], $0xffff  }
0x34b: {  	v11 =	vor.u32 v11, v8;
	v0 =	vld [tilespmem:$0x1FD00];
	_ =	sdelay $0x3  }
0x34c: {  	[tilespmem:v16+s7+$0x0] =	vst.idx.msk $0xffff, v14  }
0x34d: {  	v12 =	vand.u32 $0x7F, v12;
	v14 =	vor.u32 s10, v0;
	v11 =	vld.idx.msk [tilespmem:v11+s16+$0x0], $0xffff  }
0x34e: {  	v12 =	vor.u32 v12, v10  }
0x34f: {  	v0 =	vld [tilespmem:$0x1FFA0];
	_ =	sdelay $0x2  }
0x350: {  	[tilespmem:v14+s7+$0x0] =	vst.idx.msk $0xffff, v11  }
0x351: {  	v11 =	vld.idx.msk [tilespmem:v12+s16+$0x0], $0xffff  }
0x352: {  	v12 =	vor.u32 s10, v0;
	v0 =	vld [tilespmem:$0x1FB20];
	_ =	sdelay $0x3  }
0x353: {  	v9 =	vand.u32 $0x7F, v9  }
0x354: {  	v9 =	vor.u32 v9, v0;
	v0 =	vld [tilespmem:$0x1FFB0];
	_ =	sdelay $0x4  }
0x355: {  	v56 =	vor.u32 s10, v0;
	v0 =	vld [tilespmem:$0x1FB30];
	_ =	sdelay $0x2  }
0x356: {  	v32 =	vld [tilespmem:$0x1FEB0];
	[tilespmem:v12+s7+$0x0] =	vst.idx.msk $0xffff, v11  }
0x357: {  	v6 =	vand.u32 $0x7F, v6;
	v9 =	vld.idx.msk [tilespmem:v9+s16+$0x0], $0xffff  }
0x358: {  	v6 =	vor.u32 v6, v0;
	v0 =	vld [tilespmem:$0x1FD10]  }
0x359: {  	v25 =	vld [tilespmem:$0x1FE30]  }
0x35a: {  	v31 =	vld [tilespmem:$0x1FE90]  }
0x35b: {  	v27 =	vld [tilespmem:$0x1FE20]  }
0x35c: {  	v46 =	vld [tilespmem:$0x1FEF0];
	[tilespmem:v56+s7+$0x0] =	vst.idx.msk $0xffff, v9  }
0x35d: {  	v5 =	vand.u32 $0x7F, v5;
	v6 =	vld.idx.msk [tilespmem:v6+s16+$0x0], $0xffff;
	v57 =	vor.u32 s10, v0  }
0x35e: {  	v5 =	vor.u32 v5, v7;
	v0 =	vld [tilespmem:$0x1FD20]  }
0x35f: {  	v44 =	vld [tilespmem:$0x1FE40]  }
0x360: {  	v37 =	vld [tilespmem:$0x1FED0]  }
0x361: {  	v30 =	vld [tilespmem:$0x1FE70]  }
0x362: {  	v29 =	vld [tilespmem:$0x1FE50];
	[tilespmem:v57+s7+$0x0] =	vst.idx.msk $0xffff, v6  }
0x363: {  	v2 =	vand.u32 $0x7F, v2;
	v59 =	vor.u32 s10, v0;
	v5 =	vld.idx.msk [tilespmem:v5+s16+$0x0], $0xffff  }
0x364: {  	v2 =	vor.u32 v2, v4;
	v0 =	vld [tilespmem:$0x1FD30]  }
0x365: {  	v28 =	vld [tilespmem:$0x1FDD0]  }
0x366: {  	v26 =	vld [tilespmem:$0x1FDB0]  }
0x367: {  	v24 =	vld [tilespmem:$0x1FDC0]  }
0x368: {  	v23 =	vld [tilespmem:$0x1FDE0];
	[tilespmem:v59+s7+$0x0] =	vst.idx.msk $0xffff, v5  }
0x369: {  	v1 =	vand.u32 $0x7F, v1;
	v60 =	vor.u32 s10, v0;
	v2 =	vld.idx.msk [tilespmem:v2+s16+$0x0], $0xffff  }
0x36a: {  	p0 =	sne.s32 s18, $0x70;
	v1 =	vor.u32 v1, v3;
	v0 =	vld [tilespmem:$0x1FD40]  }
.Ltmp2:
0x36b: {  	v22 =	vld [tilespmem:$0x1FDF0];
	(pc) =	sbr.rel @p0 .LBB2_9-.Ltmp2, $4  }
0x36c: {  	v21 =	vld [tilespmem:$0x1FE10]  }
0x36d: {  	v20 =	vld [tilespmem:$0x1FE00]  }
0x36e: {  	v14 =	vld [tilespmem:$0x1FF10];
	[tilespmem:v60+s7+$0x0] =	vst.idx.msk $0xffff, v2  }
0x36f: {  	s18 =	sadd.s32 $0x10, s18;
	v52 =	vmov v13;
	v2 =	vor.u32 s10, v0;
	v1 =	vld.idx.msk [tilespmem:v1+s16+$0x0], $0xffff  }
0x370: {  	s5 =	sadd.s32 $0x1, s5  }
0x371: {  	p0 =	sne.s32 s5, $0x5  }
.Ltmp3:
0x372: {  	_ = 	snop;
	(pc) =	sbr.rel @p0 .LBB2_6-.Ltmp3, $2  }
0x373: {  	_ =	sdelay $0x2  }
0x374: {  	s2 =	sadd.s32 $0x100, s2;
	s31 =	sadd.s32 $0x100, s31;
	v41 =	vld [tilespmem:$0x1FFF0];
	[tilespmem:v2+s7+$0x0] =	vst.idx.msk $0xffff, v1  }
0x375: {  	s2 =	smul.u32 $0x500000, s26;
	s26 =	sadd.s32 $0x1, s26  }
0x376: {  	p0 =	sne.s32 s26, $0x5  }
.Ltmp4:
0x377: {  	_ = 	snop;
	(pc) =	sbr.rel @p0 .LBB2_5-.Ltmp4, $4  }
0x378: {  	s2 =	sadd.s32 s22, s2  }
0x379: {  	s5 =	sadd.s32 $0x3, s28;
	s2 =	sshrl.u32 s2, $0x3  }
0x37a: {  	s1 =	sadd.s32 $0x500, s1;
	s25 =	sadd.s32 $0x500, s25;
	s2 =	sadd.s32 s3, s2  }
0x37b: {  	[hbm4b:s2+s8] =	stream.strided.scatter [tilespmem:s29], [sflag:s5], $0xA000, s9, s8, $0x38;
	[tilespmem:$0x1F800] =	vst v63  }
0x37c: {  	s21 =	sadd.s32 $0x1, s21  }
0x37d: {  	p0 =	sne.s32 s21, $0x4  }
.Ltmp5:
0x37e: {  	_ = 	snop;
	(pc) =	sbr.rel @p0 .LBB2_2-.Ltmp5, $1  }
0x37f: {  	_ =	sdelay $0x3  }
0x380: {  	s1 =	simm.s32 $0x3  }
0x381: {  	_ =	swait.ge [sflag:s1], $0xA000  }
0x382: {  	[sflag:s1] =	ssyncset.done $0x0  }
0x383: {  	s2 =	simm.s32 $0x4;
	[sflag:s1] =	ssyncadd.s32 $0xFFFF6000  }
0x384: {  	_ =	swait.ge [sflag:s2], $0xA000  }
0x385: {  	s5 =	rddreg [dreg:$0x5]  }
0x386: {  	s31 =	rddreg [dreg:$0x4];
	s5 =	sadd.s32 $0x1, s5  }
0x387: {  	p0 =	sne.s32 s5, s31  }
.Ltmp6:
0x388: {  	_ = 	snop;
	(pc) =	sbr.rel @p0 .LBB2_1-.Ltmp6, $3  }
0x389: {  	_ =	sdelay $0x1  }
0x38a: {  	[sflag:s2] =	ssyncset.done $0x0  }
0x38b: {  	[sflag:s2] =	ssyncadd.s32 $0xFFFF6000  }
0x38c: {  	_ =	sfence.sel $0x180000  }
0x38d: {  	[bflag:$0x0] =	sbarrier.arrive $0xFFFF  }
0x38e: {  	_ =	strace $0x90000047  }
0x38f: {  	s0 =	stileid.u32;
	[bflag:$0x2] =	sbarrier.arrive $0xFFFF  }
0x390: {  	p0 =	sne.s32 s0, $0x0;
	s0 =	rddreg [dreg:$0x3]  }
0x391: {  	s0 =	sadd.s32 @!p0 $0x100000, s0  }
0x392: {  	[sflag:s0] =	ssyncadd.tile.s32 @!p0 $0x1;
	_ =	shalt  }
.Lfunc_end2:
_tile_overlayer_lowered:
.L_overlay_start_2:
0x393: {  	(tag) =	ssettag $0x2  }
0x394: {  	s0 =	rddreg [dreg:$0x0];
	s2 =	stileid.u32  }
0x395: {  	s1 =	rddreg [dreg:$0x1];
	p0 =	sne.s32 s2, $0x0  }
0x396: {  	s3 =	rddreg [dreg:$0x2];
	[bflag:$0x3] =	sbarrier.arrive $0xFFFF;
	s2 =	simm.s32 @!p0 $0x1C05  }
0x397: {  	[timem:s3], [sflag:s2] =	dma.local @!p0 [hbm:s0], s1  }
0x398: {  	s0 =	simm.s32 @!p0 $0x5  }
0x399: {  	_ =	swait.ge @!p0 [sflag:s0], s1  }
0x39a: {  	s1 =	ssub.s32 @!p0 $0x0, s1;
	[sflag:s0] =	ssyncset.done @!p0 $0x0  }
0x39b: {  	[sflag:s0] =	ssyncadd.s32 @!p0 s1  }
0x39c: {  	[bflag:$0x3] =	sbarrier.arrive $0xFFFF  }
0x39d: {  	_ =	shalt  }

</sc_bundles>
